<compile_context>
chip_gen: v7x
topology: tpu7x:2x2x1
jax: 0.10.2.dev20260603
libtpu: 0.0.44.dev20260713+nightly
codegen_flags: <defaults>
</compile_context>

<pallas_src>
import functools

import jax
import jax.numpy as jnp
from jax import lax
from jax.experimental import pallas as pl
from jax.experimental.pallas import tpu as pltpu
from jax.experimental.pallas import tpu_sc as plsc

BM = 288
GATHER_CH = 32
COMBINE_CT = 16


def _router_body(x_ref, gw_ref, logits_ref, wr_ref, dst_ref, be_ref, bv_ref,
                 c_scr, p_scr):
    x = x_ref[...]
    gw = gw_ref[...]
    logits = lax.dot_general(x, gw, (((1,), (1,)), ((), ())),
                             preferred_element_type=jnp.float32)
    logits_ref[...] = logits
    t, e = logits.shape
    cols = lax.broadcasted_iota(jnp.int32, (t, e), 1)
    m0 = jnp.max(logits, axis=1, keepdims=True)
    e0 = jnp.min(jnp.where(logits == m0, cols, e), axis=1, keepdims=True)
    masked = jnp.where(cols == e0, -jnp.inf, logits)
    m1 = jnp.max(masked, axis=1, keepdims=True)
    e1 = jnp.min(jnp.where(masked == m1, cols, e), axis=1, keepdims=True)
    w0 = jax.nn.sigmoid(m0 - m1)
    wr_ref[...] = jnp.concatenate([w0, 1.0 - w0], axis=1)

    oh0 = (cols == e0).astype(jnp.float32)
    oh1 = (cols == e1).astype(jnp.float32)
    c_scr[...] = oh0 + oh1
    tb = 128
    nb = t // tb
    ri = lax.broadcasted_iota(jnp.int32, (tb, tb), 0)
    ci = lax.broadcasted_iota(jnp.int32, (tb, tb), 1)
    tril = (ci < ri).astype(jnp.float32)

    def blk(i, run):
        cb = c_scr[pl.ds(i * tb, tb), :]
        pb = lax.dot_general(tril, cb, (((1,), (0,)), ((), ())),
                             preferred_element_type=jnp.float32)
        p_scr[pl.ds(i * tb, tb), :] = pb + run
        return run + jnp.sum(cb, axis=0, keepdims=True)

    counts = lax.fori_loop(0, nb, blk, jnp.zeros((1, e), jnp.float32))
    nblk = jnp.floor((counts + (BM - 1)) * (1.0 / BM))
    le = lax.broadcasted_iota(jnp.int32, (e, e), 0)
    ge = lax.broadcasted_iota(jnp.int32, (e, e), 1)
    upper = (le <= ge).astype(jnp.float32)
    ends = lax.dot_general(nblk, upper, (((1,), (0,)), ((), ())),
                           preferred_element_type=jnp.float32)
    pstart = (ends - nblk) * float(BM)
    prefix = p_scr[...]
    base = prefix + pstart
    dst0 = jnp.sum(oh0 * base, axis=1, keepdims=True)
    dst1 = jnp.sum(oh1 * base, axis=1, keepdims=True)
    dst_ref[...] = jnp.concatenate([dst0, dst1], axis=1).astype(jnp.int32)

    gmax = be_ref.shape[0]
    grows = lax.broadcasted_iota(jnp.int32, (gmax, e), 0).astype(jnp.float32)
    endsb = jnp.broadcast_to(ends, (gmax, e))
    be = jnp.sum((grows >= endsb).astype(jnp.float32), axis=1, keepdims=True)
    be_ref[...] = jnp.minimum(be, float(e - 1)).astype(jnp.int32)
    total = jnp.max(ends, axis=1, keepdims=True)
    totb = jnp.broadcast_to(total, (gmax, 1))
    gcol = lax.broadcasted_iota(jnp.int32, (gmax, 1), 0).astype(jnp.float32)
    bv_ref[...] = (gcol < totb).astype(jnp.int32)


def _router(flat, gate_w, num_blocks):
    t, _ = flat.shape
    e = gate_w.shape[0]
    return pl.pallas_call(
        _router_body,
        out_shape=(
            jax.ShapeDtypeStruct((t, e), jnp.float32),
            jax.ShapeDtypeStruct((t, 2), jnp.float32),
            jax.ShapeDtypeStruct((t, 2), jnp.int32),
            jax.ShapeDtypeStruct((num_blocks, 1), jnp.int32),
            jax.ShapeDtypeStruct((num_blocks, 1), jnp.int32),
        ),
        scratch_shapes=[
            pltpu.VMEM((t, e), jnp.float32),
            pltpu.VMEM((t, e), jnp.float32),
        ],
    )(flat, gate_w)


def _sc_dispatch(flat, d0, d1, p_pad):
    t, h = flat.shape
    info = plsc.get_sparse_core_info()
    nc = info.num_cores
    nw = nc * info.num_subcores
    tpw = t // nw
    ct = GATHER_CH
    nch = tpw // ct
    assert tpw % ct == 0
    mesh = plsc.VectorSubcoreMesh(core_axis_name="c", subcore_axis_name="s")

    @functools.partial(
        pl.kernel,
        out_type=jax.ShapeDtypeStruct((p_pad, h), jnp.float32),
        mesh=mesh,
        scratch_types=[
            pltpu.VMEM((ct,), jnp.int32),
            pltpu.VMEM((ct,), jnp.int32),
            pltpu.VMEM((ct,), jnp.int32),
            pltpu.VMEM((ct,), jnp.int32),
            pltpu.VMEM((ct, h), jnp.float32),
            pltpu.VMEM((ct, h), jnp.float32),
            pltpu.SemaphoreType.DMA,
            pltpu.SemaphoreType.DMA,
            pltpu.SemaphoreType.DMA,
            pltpu.SemaphoreType.DMA,
            pltpu.SemaphoreType.DMA,
            pltpu.SemaphoreType.DMA,
        ],
    )
    def k(flat_hbm, d0_hbm, d1_hbm, xs_hbm,
          i0a, i0b, i1a, i1b, ra, rb,
          rs0, rs1, s0a, s0b, s1a, s1b):
        wid = lax.axis_index("s") * nc + lax.axis_index("c")
        base = wid * tpw
        ib0 = (i0a, i0b)
        ib1 = (i1a, i1b)
        rbuf = (ra, rb)
        rsem = (rs0, rs1)
        s0 = (s0a, s0b)
        s1 = (s1a, s1b)

        def start(c):
            off = base + c * ct
            r = c % 2
            if c >= 2:
                pltpu.make_async_copy(rbuf[r], xs_hbm.at[ib0[r]], s0[r]).wait()
                pltpu.make_async_copy(rbuf[r], xs_hbm.at[ib1[r]], s1[r]).wait()
            pltpu.async_copy(flat_hbm.at[pl.ds(off, ct)], rbuf[r], rsem[r])
            pltpu.sync_copy(d0_hbm.at[pl.ds(off, ct)], ib0[r])
            pltpu.sync_copy(d1_hbm.at[pl.ds(off, ct)], ib1[r])

        def drain(c):
            off = base + c * ct
            r = c % 2
            pltpu.make_async_copy(
                flat_hbm.at[pl.ds(off, ct)], rbuf[r], rsem[r]).wait()
            pltpu.async_copy(rbuf[r], xs_hbm.at[ib0[r]], s0[r])
            pltpu.async_copy(rbuf[r], xs_hbm.at[ib1[r]], s1[r])

        start(0)
        for c in range(1, nch):
            start(c)
            drain(c - 1)
        drain(nch - 1)
        for c in (max(nch - 2, 0), nch - 1):
            r = c % 2
            pltpu.make_async_copy(rbuf[r], xs_hbm.at[ib0[r]], s0[r]).wait()
            pltpu.make_async_copy(rbuf[r], xs_hbm.at[ib1[r]], s1[r]).wait()

    return k(flat, d0, d1)


NWS = 3


def _ffn_body(be_ref, bv_ref, *refs):
    xs_ref = refs[0]
    wg_refs = refs[1:1 + NWS]
    wu_refs = refs[1 + NWS:1 + 2 * NWS]
    wd_refs = refs[1 + 2 * NWS:1 + 3 * NWS]
    ys_ref = refs[1 + 3 * NWS]
    g = pl.program_id(0)

    @pl.when(bv_ref[g] == 1)
    def _():
        x = xs_ref[...]
        y = None
        for wg_ref, wu_ref, wd_ref in zip(wg_refs, wu_refs, wd_refs):
            a = lax.dot_general(x, wg_ref[0], (((1,), (1,)), ((), ())),
                                preferred_element_type=jnp.float32)
            u = lax.dot_general(x, wu_ref[0], (((1,), (1,)), ((), ())),
                                preferred_element_type=jnp.float32)
            h = a * jax.nn.sigmoid(a) * u
            yh = lax.dot_general(h, wd_ref[0], (((1,), (1,)), ((), ())),
                                 preferred_element_type=jnp.float32)
            y = yh if y is None else y + yh
        ys_ref[...] = y


def _ffn(xs, wg, wu, wd, block_expert, block_valid, num_blocks):
    p_pad, h = xs.shape
    i_dim = wg.shape[1]
    ih = i_dim // NWS
    gu_specs = [pl.BlockSpec((1, ih, h), lambda g, be, bv, q=q: (be[g], q, 0))
                for q in range(NWS)]
    d_specs = [pl.BlockSpec((1, h, ih), lambda g, be, bv, q=q: (be[g], 0, q))
               for q in range(NWS)]
    grid_spec = pltpu.PrefetchScalarGridSpec(
        num_scalar_prefetch=2,
        grid=(num_blocks,),
        in_specs=[pl.BlockSpec((BM, h), lambda g, be, bv: (g, 0))]
        + gu_specs + gu_specs + d_specs,
        out_specs=pl.BlockSpec((BM, h), lambda g, be, bv: (g, 0)),
    )
    return pl.pallas_call(
        _ffn_body,
        grid_spec=grid_spec,
        out_shape=jax.ShapeDtypeStruct((p_pad, h), jnp.float32),
    )(block_expert, block_valid, xs,
      *([wg] * NWS), *([wu] * NWS), *([wd] * NWS))


def _sc_combine(ys, pos0, pos1, w0, w1):
    t = pos0.shape[0]
    h = ys.shape[1]
    info = plsc.get_sparse_core_info()
    nc = info.num_cores
    nw = nc * info.num_subcores
    tpw = t // nw
    ct = COMBINE_CT
    ncc = tpw // ct
    nvec = h // 16
    mesh = plsc.VectorSubcoreMesh(core_axis_name="c", subcore_axis_name="s")

    @functools.partial(
        pl.kernel,
        out_type=jax.ShapeDtypeStruct((t, h), jnp.float32),
        mesh=mesh,
        scratch_types=[
            pltpu.VMEM((tpw + 16,), jnp.float32),
            pltpu.VMEM((tpw + 16,), jnp.float32),
            pltpu.VMEM((ct,), jnp.int32),
            pltpu.VMEM((ct,), jnp.int32),
            pltpu.VMEM((ct,), jnp.int32),
            pltpu.VMEM((ct,), jnp.int32),
            pltpu.VMEM((ct, h), jnp.float32),
            pltpu.VMEM((ct, h), jnp.float32),
            pltpu.VMEM((ct, h), jnp.float32),
            pltpu.VMEM((ct, h), jnp.float32),
            pltpu.SemaphoreType.DMA,
            pltpu.SemaphoreType.DMA,
            pltpu.SemaphoreType.DMA,
            pltpu.SemaphoreType.DMA,
            pltpu.SemaphoreType.DMA,
            pltpu.SemaphoreType.DMA,
        ],
    )
    def k(ys_hbm, p0_hbm, p1_hbm, w0_hbm, w1_hbm, out_hbm,
          w0_v, w1_v, i0a, i0b, i1a, i1b, r0a, r0b, r1a, r1b,
          g0a, g0b, g1a, g1b, sa, sb):
        wid = lax.axis_index("s") * nc + lax.axis_index("c")
        base = wid * tpw
        pltpu.sync_copy(w0_hbm.at[pl.ds(base, tpw)], w0_v.at[pl.ds(0, tpw)])
        pltpu.sync_copy(w1_hbm.at[pl.ds(base, tpw)], w1_v.at[pl.ds(0, tpw)])
        i0 = (i0a, i0b)
        i1 = (i1a, i1b)
        r0 = (r0a, r0b)
        r1 = (r1a, r1b)
        g0 = (g0a, g0b)
        g1 = (g1a, g1b)
        so = (sa, sb)

        def start(c):
            r = c % 2
            off = base + c * ct
            if c >= 2:
                poff = base + (c - 2) * ct
                pltpu.make_async_copy(
                    r0[r], out_hbm.at[pl.ds(poff, ct)], so[r]).wait()
            pltpu.sync_copy(p0_hbm.at[pl.ds(off, ct)], i0[r])
            pltpu.sync_copy(p1_hbm.at[pl.ds(off, ct)], i1[r])
            pltpu.async_copy(ys_hbm.at[i0[r]], r0[r], g0[r])
            pltpu.async_copy(ys_hbm.at[i1[r]], r1[r], g1[r])

        def drain(c):
            r = c % 2
            off = base + c * ct
            pltpu.make_async_copy(ys_hbm.at[i0[r]], r0[r], g0[r]).wait()
            pltpu.make_async_copy(ys_hbm.at[i1[r]], r1[r], g1[r]).wait()

            def tok_body(tt, carry):
                wa = w0_v[pl.ds(c * ct + tt, 16)][0]
                wb = w1_v[pl.ds(c * ct + tt, 16)][0]

                def vec_body(j, carry2):
                    jjb = j * 64
                    for u in range(4):
                        jj = jjb + u * 16
                        r0[r][tt, pl.ds(jj, 16)] = (
                            r0[r][tt, pl.ds(jj, 16)] * wa
                            + r1[r][tt, pl.ds(jj, 16)] * wb
                        )
                    return carry2

                lax.fori_loop(0, nvec // 4, vec_body, 0)
                return carry

            lax.fori_loop(0, ct, tok_body, 0)
            pltpu.async_copy(r0[r], out_hbm.at[pl.ds(off, ct)], so[r])

        start(0)
        for c in range(1, ncc):
            start(c)
            drain(c - 1)
        drain(ncc - 1)
        for c in (ncc - 2, ncc - 1):
            r = c % 2
            off = base + c * ct
            pltpu.make_async_copy(
                r0[r], out_hbm.at[pl.ds(off, ct)], so[r]).wait()

    return k(ys, pos0, pos1, w0, w1)


def kernel(hidden_states, gate_w, Wg, Wu, Wd):
    bsz, seqlen, h = hidden_states.shape
    e = gate_w.shape[0]
    t = bsz * seqlen
    flat = hidden_states.reshape(t, h)

    num_blocks = (2 * t + e * (BM - 1) + BM - 1) // BM
    p_pad = num_blocks * BM
    logits, wr, pos2, be2, bv2 = _router(flat, gate_w, num_blocks)
    block_expert, block_valid = be2[:, 0], bv2[:, 0]

    xs = _sc_dispatch(flat, pos2[:, 0], pos2[:, 1], p_pad)
    ys = _ffn(xs, Wg, Wu, Wd, block_expert, block_valid, num_blocks)
    final = _sc_combine(ys, pos2[:, 0], pos2[:, 1], wr[:, 0], wr[:, 1])
    return final.reshape(bsz, seqlen, h), logits

# --- scband reference (transcript-rebuilt; emitter-appended) ---
"""Pipeline reference for scband-reference-qwen3-moe-sparse-moe-block-12532714570011 (READ-ONLY COPY).

The authoritative reference and input builder live on the scoring server;
editing this copy changes nothing except your own understanding.
"""

import jax, jax.numpy as jnp
import numpy as np

B, S, H, I, E, TOP_K = 1, 2048, 1024, 768, 16, 2
NORM_TOPK = True


def setup_inputs(seed: int = 0) -> dict:
    key = jax.random.key(seed)
    ks = jax.random.split(key, 5)
    hidden_states = jax.random.normal(ks[0], (B, S, H), dtype=jnp.float32)
    gate_w = jax.random.normal(ks[1], (E, H), dtype=jnp.float32) * 0.02   # nn.Linear(H, E).weight
    Wg = jax.random.normal(ks[2], (E, I, H), dtype=jnp.float32) * 0.02    # gate_proj weights per expert
    Wu = jax.random.normal(ks[3], (E, I, H), dtype=jnp.float32) * 0.02    # up_proj weights per expert
    Wd = jax.random.normal(ks[4], (E, H, I), dtype=jnp.float32) * 0.02    # down_proj weights per expert
    return {"hidden_states": hidden_states, "gate_w": gate_w, "Wg": Wg, "Wu": Wu, "Wd": Wd}


def reference(hidden_states, gate_w, Wg, Wu, Wd):
    bsz, seqlen, hidden = hidden_states.shape
    flat = hidden_states.reshape(-1, hidden)
    router_logits = flat @ gate_w.T                                  # [T, E]
    routing_weights = jax.nn.softmax(router_logits.astype(jnp.float32), axis=1)
    routing_weights, selected_experts = jax.lax.top_k(routing_weights, TOP_K)  # [T, k]
    if NORM_TOPK:
        routing_weights = routing_weights / routing_weights.sum(axis=-1, keepdims=True)
    routing_weights = routing_weights.astype(flat.dtype)
    final = jnp.zeros_like(flat)
    for expert_idx in range(E):
        expert_mask = selected_experts == expert_idx              # [T, k]
        token_weight = jnp.where(expert_mask, routing_weights, jnp.zeros_like(routing_weights)).sum(axis=-1)  # [T]
        h = jax.nn.silu(flat @ Wg[expert_idx].T) * (flat @ Wu[expert_idx].T)
        current_hidden = (h @ Wd[expert_idx].T) * token_weight[:, None]
        final = final + current_hidden.astype(flat.dtype)
    return final.reshape(bsz, seqlen, hidden), router_logits

if __name__ == "__main__":
    import jax
    _d = setup_inputs()
    print(jax.jit(kernel)(*tuple(_d.values())))

</pallas_src>

<mosaic_0001>
#map = affine_map<(d0, d1) -> (0, 0)>
#map1 = affine_map<(d0, d1) -> (0)>
module attributes {stable_mosaic.version = 14 : i64} {
  func.func @k(%arg0: i32, %arg1: i32, %arg2: memref<8928x1024xf32, #tpu.memory_space<hbm>>, %arg3: memref<2048xi32, #tpu.memory_space<hbm>>, %arg4: memref<2048xi32, #tpu.memory_space<hbm>>, %arg5: memref<2048xf32, #tpu.memory_space<hbm>>, %arg6: memref<2048xf32, #tpu.memory_space<hbm>>, %arg7: memref<2048x1024xf32, #tpu.memory_space<hbm>>, %arg8: memref<80xf32, #tpu.memory_space<vmem>>, %arg9: memref<80xf32, #tpu.memory_space<vmem>>, %arg10: memref<16xi32, #tpu.memory_space<vmem>>, %arg11: memref<16xi32, #tpu.memory_space<vmem>>, %arg12: memref<16xi32, #tpu.memory_space<vmem>>, %arg13: memref<16xi32, #tpu.memory_space<vmem>>, %arg14: memref<16x1024xf32, #tpu.memory_space<vmem>>, %arg15: memref<16x1024xf32, #tpu.memory_space<vmem>>, %arg16: memref<16x1024xf32, #tpu.memory_space<vmem>>, %arg17: memref<16x1024xf32, #tpu.memory_space<vmem>>, %arg18: memref<!tpu.dma_semaphore, #tpu.memory_space<semaphore_mem>>, %arg19: memref<!tpu.dma_semaphore, #tpu.memory_space<semaphore_mem>>, %arg20: memref<!tpu.dma_semaphore, #tpu.memory_space<semaphore_mem>>, %arg21: memref<!tpu.dma_semaphore, #tpu.memory_space<semaphore_mem>>, %arg22: memref<!tpu.dma_semaphore, #tpu.memory_space<semaphore_mem>>, %arg23: memref<!tpu.dma_semaphore, #tpu.memory_space<semaphore_mem>>) attributes {dimension_semantics = [#tpu.dimension_semantics<core_parallel>, #tpu.dimension_semantics<subcore_parallel>], iteration_bounds = array<i64: 2, 16>, scalar_prefetch = 0 : i64, scratch_operands = 16 : i64, tpu.core_type = #tpu.core_type<sc_vector_subcore>, window_params = [{transform_indices = #map}, {transform_indices = #map1}, {transform_indices = #map1}, {transform_indices = #map1}, {transform_indices = #map1}, {transform_indices = #map}]} {
    %mul3A = arith.constant 2 : i32
    %mul3A_0 = arith.muli %arg1, %mul3A : i32
    %add3A = arith.addi %mul3A_0, %arg0 : i32
    %mul3A_1 = arith.constant 64 : i32
    %mul3A_2 = arith.muli %add3A, %mul3A_1 : i32
    "tpu.region"() ({
      %run_scoped3A = tpu.sem_alloc : memref<!tpu.dma_semaphore, #tpu.memory_space<semaphore_mem>>
      %dma_start3A_128 = arith.constant 0 : i32
      %dma_start3A_129 = tpu.memref_slice %arg8[%dma_start3A_128] : memref<80xf32, #tpu.memory_space<vmem>> -> memref<64xf32, #tpu.memory_space<vmem>>
      %dma_start3A_130 = tpu.memref_slice %arg5[%mul3A_2] : memref<2048xf32, #tpu.memory_space<hbm>> -> memref<64xf32, #tpu.memory_space<hbm>>
      %dma_start3A_131 = arith.constant 0 : i32
      %dma_start3A_132 = tpu.memref_slice %arg8[%dma_start3A_131] : memref<80xf32, #tpu.memory_space<vmem>> -> memref<64xf32, #tpu.memory_space<vmem>>
      %dma_start3A_133 = tpu.memref_slice %arg5[%mul3A_2] : memref<2048xf32, #tpu.memory_space<hbm>> -> memref<64xf32, #tpu.memory_space<hbm>>
      tpu.enqueue_dma source(%dma_start3A_133 : memref<64xf32, #tpu.memory_space<hbm>>) target(%dma_start3A_132 : memref<64xf32, #tpu.memory_space<vmem>>) target_semaphore(%run_scoped3A : memref<!tpu.dma_semaphore, #tpu.memory_space<semaphore_mem>>)
      %dma_wait3A_134 = arith.constant 0 : i32
      %dma_wait3A_135 = tpu.memref_slice %arg8[%dma_wait3A_134] : memref<80xf32, #tpu.memory_space<vmem>> -> memref<64xf32, #tpu.memory_space<vmem>>
      %dma_wait3A_136 = tpu.memref_slice %arg5[%mul3A_2] : memref<2048xf32, #tpu.memory_space<hbm>> -> memref<64xf32, #tpu.memory_space<hbm>>
      %dma_wait3A_137 = arith.constant 0 : i32
      %dma_wait3A_138 = tpu.memref_slice %arg8[%dma_wait3A_137] : memref<80xf32, #tpu.memory_space<vmem>> -> memref<64xf32, #tpu.memory_space<vmem>>
      %dma_wait3A_139 = tpu.memref_slice %arg5[%mul3A_2] : memref<2048xf32, #tpu.memory_space<hbm>> -> memref<64xf32, #tpu.memory_space<hbm>>
      tpu.wait_dma2 semaphore(%run_scoped3A : memref<!tpu.dma_semaphore, #tpu.memory_space<semaphore_mem>>) src(%dma_wait3A_139 : memref<64xf32, #tpu.memory_space<hbm>>) dst(%dma_wait3A_138 : memref<64xf32, #tpu.memory_space<vmem>>)
      tpu.yield
    }) : () -> ()
    "tpu.region"() ({
      %run_scoped3A = tpu.sem_alloc : memref<!tpu.dma_semaphore, #tpu.memory_space<semaphore_mem>>
      %dma_start3A_128 = arith.constant 0 : i32
      %dma_start3A_129 = tpu.memref_slice %arg9[%dma_start3A_128] : memref<80xf32, #tpu.memory_space<vmem>> -> memref<64xf32, #tpu.memory_space<vmem>>
      %dma_start3A_130 = tpu.memref_slice %arg6[%mul3A_2] : memref<2048xf32, #tpu.memory_space<hbm>> -> memref<64xf32, #tpu.memory_space<hbm>>
      %dma_start3A_131 = arith.constant 0 : i32
      %dma_start3A_132 = tpu.memref_slice %arg9[%dma_start3A_131] : memref<80xf32, #tpu.memory_space<vmem>> -> memref<64xf32, #tpu.memory_space<vmem>>
      %dma_start3A_133 = tpu.memref_slice %arg6[%mul3A_2] : memref<2048xf32, #tpu.memory_space<hbm>> -> memref<64xf32, #tpu.memory_space<hbm>>
      tpu.enqueue_dma source(%dma_start3A_133 : memref<64xf32, #tpu.memory_space<hbm>>) target(%dma_start3A_132 : memref<64xf32, #tpu.memory_space<vmem>>) target_semaphore(%run_scoped3A : memref<!tpu.dma_semaphore, #tpu.memory_space<semaphore_mem>>)
      %dma_wait3A_134 = arith.constant 0 : i32
      %dma_wait3A_135 = tpu.memref_slice %arg9[%dma_wait3A_134] : memref<80xf32, #tpu.memory_space<vmem>> -> memref<64xf32, #tpu.memory_space<vmem>>
      %dma_wait3A_136 = tpu.memref_slice %arg6[%mul3A_2] : memref<2048xf32, #tpu.memory_space<hbm>> -> memref<64xf32, #tpu.memory_space<hbm>>
      %dma_wait3A_137 = arith.constant 0 : i32
      %dma_wait3A_138 = tpu.memref_slice %arg9[%dma_wait3A_137] : memref<80xf32, #tpu.memory_space<vmem>> -> memref<64xf32, #tpu.memory_space<vmem>>
      %dma_wait3A_139 = tpu.memref_slice %arg6[%mul3A_2] : memref<2048xf32, #tpu.memory_space<hbm>> -> memref<64xf32, #tpu.memory_space<hbm>>
      tpu.wait_dma2 semaphore(%run_scoped3A : memref<!tpu.dma_semaphore, #tpu.memory_space<semaphore_mem>>) src(%dma_wait3A_139 : memref<64xf32, #tpu.memory_space<hbm>>) dst(%dma_wait3A_138 : memref<64xf32, #tpu.memory_space<vmem>>)
      tpu.yield
    }) : () -> ()
    %add3A_3 = arith.constant 0 : i32
    %add3A_4 = arith.addi %mul3A_2, %add3A_3 : i32
    "tpu.region"() ({
      %run_scoped3A = tpu.sem_alloc : memref<!tpu.dma_semaphore, #tpu.memory_space<semaphore_mem>>
      %dma_start3A_128 = tpu.memref_slice %arg3[%add3A_4] : memref<2048xi32, #tpu.memory_space<hbm>> -> memref<16xi32, #tpu.memory_space<hbm>>
      %dma_start3A_129 = tpu.memref_slice %arg3[%add3A_4] : memref<2048xi32, #tpu.memory_space<hbm>> -> memref<16xi32, #tpu.memory_space<hbm>>
      tpu.enqueue_dma source(%dma_start3A_129 : memref<16xi32, #tpu.memory_space<hbm>>) target(%arg10 : memref<16xi32, #tpu.memory_space<vmem>>) target_semaphore(%run_scoped3A : memref<!tpu.dma_semaphore, #tpu.memory_space<semaphore_mem>>)
      %dma_wait3A_130 = tpu.memref_slice %arg3[%add3A_4] : memref<2048xi32, #tpu.memory_space<hbm>> -> memref<16xi32, #tpu.memory_space<hbm>>
      %dma_wait3A_131 = tpu.memref_slice %arg3[%add3A_4] : memref<2048xi32, #tpu.memory_space<hbm>> -> memref<16xi32, #tpu.memory_space<hbm>>
      tpu.wait_dma2 semaphore(%run_scoped3A : memref<!tpu.dma_semaphore, #tpu.memory_space<semaphore_mem>>) src(%dma_wait3A_131 : memref<16xi32, #tpu.memory_space<hbm>>) dst(%arg10 : memref<16xi32, #tpu.memory_space<vmem>>)
      tpu.yield
    }) : () -> ()
    "tpu.region"() ({
      %run_scoped3A = tpu.sem_alloc : memref<!tpu.dma_semaphore, #tpu.memory_space<semaphore_mem>>
      %dma_start3A_128 = tpu.memref_slice %arg4[%add3A_4] : memref<2048xi32, #tpu.memory_space<hbm>> -> memref<16xi32, #tpu.memory_space<hbm>>
      %dma_start3A_129 = tpu.memref_slice %arg4[%add3A_4] : memref<2048xi32, #tpu.memory_space<hbm>> -> memref<16xi32, #tpu.memory_space<hbm>>
      tpu.enqueue_dma source(%dma_start3A_129 : memref<16xi32, #tpu.memory_space<hbm>>) target(%arg12 : memref<16xi32, #tpu.memory_space<vmem>>) target_semaphore(%run_scoped3A : memref<!tpu.dma_semaphore, #tpu.memory_space<semaphore_mem>>)
      %dma_wait3A_130 = tpu.memref_slice %arg4[%add3A_4] : memref<2048xi32, #tpu.memory_space<hbm>> -> memref<16xi32, #tpu.memory_space<hbm>>
      %dma_wait3A_131 = tpu.memref_slice %arg4[%add3A_4] : memref<2048xi32, #tpu.memory_space<hbm>> -> memref<16xi32, #tpu.memory_space<hbm>>
      tpu.wait_dma2 semaphore(%run_scoped3A : memref<!tpu.dma_semaphore, #tpu.memory_space<semaphore_mem>>) src(%dma_wait3A_131 : memref<16xi32, #tpu.memory_space<hbm>>) dst(%arg12 : memref<16xi32, #tpu.memory_space<vmem>>)
      tpu.yield
    }) : () -> ()
    %dma_start3A = arith.constant 0 : i32
    %dma_start3A_5 = arith.constant 0 : i32
    %dma_start3A_6 = tpu.memref_slice %arg2[%dma_start3A, %dma_start3A_5] : memref<8928x1024xf32, #tpu.memory_space<hbm>> -> memref<8928x1024xf32, #tpu.memory_space<hbm>>
    tpu.enqueue_indirect_dma source(%dma_start3A_6 : memref<8928x1024xf32, #tpu.memory_space<hbm>>) target(%arg14 : memref<16x1024xf32, #tpu.memory_space<vmem>>) offsets(%arg10 : memref<16xi32, #tpu.memory_space<vmem>>) semaphore(%arg18 : memref<!tpu.dma_semaphore, #tpu.memory_space<semaphore_mem>>)
    %dma_start3A_7 = arith.constant 0 : i32
    %dma_start3A_8 = arith.constant 0 : i32
    %dma_start3A_9 = tpu.memref_slice %arg2[%dma_start3A_7, %dma_start3A_8] : memref<8928x1024xf32, #tpu.memory_space<hbm>> -> memref<8928x1024xf32, #tpu.memory_space<hbm>>
    tpu.enqueue_indirect_dma source(%dma_start3A_9 : memref<8928x1024xf32, #tpu.memory_space<hbm>>) target(%arg16 : memref<16x1024xf32, #tpu.memory_space<vmem>>) offsets(%arg12 : memref<16xi32, #tpu.memory_space<vmem>>) semaphore(%arg20 : memref<!tpu.dma_semaphore, #tpu.memory_space<semaphore_mem>>)
    %add3A_10 = arith.constant 16 : i32
    %add3A_11 = arith.addi %mul3A_2, %add3A_10 : i32
    "tpu.region"() ({
      %run_scoped3A = tpu.sem_alloc : memref<!tpu.dma_semaphore, #tpu.memory_space<semaphore_mem>>
      %dma_start3A_128 = tpu.memref_slice %arg3[%add3A_11] : memref<2048xi32, #tpu.memory_space<hbm>> -> memref<16xi32, #tpu.memory_space<hbm>>
      %dma_start3A_129 = tpu.memref_slice %arg3[%add3A_11] : memref<2048xi32, #tpu.memory_space<hbm>> -> memref<16xi32, #tpu.memory_space<hbm>>
      tpu.enqueue_dma source(%dma_start3A_129 : memref<16xi32, #tpu.memory_space<hbm>>) target(%arg11 : memref<16xi32, #tpu.memory_space<vmem>>) target_semaphore(%run_scoped3A : memref<!tpu.dma_semaphore, #tpu.memory_space<semaphore_mem>>)
      %dma_wait3A_130 = tpu.memref_slice %arg3[%add3A_11] : memref<2048xi32, #tpu.memory_space<hbm>> -> memref<16xi32, #tpu.memory_space<hbm>>
      %dma_wait3A_131 = tpu.memref_slice %arg3[%add3A_11] : memref<2048xi32, #tpu.memory_space<hbm>> -> memref<16xi32, #tpu.memory_space<hbm>>
      tpu.wait_dma2 semaphore(%run_scoped3A : memref<!tpu.dma_semaphore, #tpu.memory_space<semaphore_mem>>) src(%dma_wait3A_131 : memref<16xi32, #tpu.memory_space<hbm>>) dst(%arg11 : memref<16xi32, #tpu.memory_space<vmem>>)
      tpu.yield
    }) : () -> ()
    "tpu.region"() ({
      %run_scoped3A = tpu.sem_alloc : memref<!tpu.dma_semaphore, #tpu.memory_space<semaphore_mem>>
      %dma_start3A_128 = tpu.memref_slice %arg4[%add3A_11] : memref<2048xi32, #tpu.memory_space<hbm>> -> memref<16xi32, #tpu.memory_space<hbm>>
      %dma_start3A_129 = tpu.memref_slice %arg4[%add3A_11] : memref<2048xi32, #tpu.memory_space<hbm>> -> memref<16xi32, #tpu.memory_space<hbm>>
      tpu.enqueue_dma source(%dma_start3A_129 : memref<16xi32, #tpu.memory_space<hbm>>) target(%arg13 : memref<16xi32, #tpu.memory_space<vmem>>) target_semaphore(%run_scoped3A : memref<!tpu.dma_semaphore, #tpu.memory_space<semaphore_mem>>)
      %dma_wait3A_130 = tpu.memref_slice %arg4[%add3A_11] : memref<2048xi32, #tpu.memory_space<hbm>> -> memref<16xi32, #tpu.memory_space<hbm>>
      %dma_wait3A_131 = tpu.memref_slice %arg4[%add3A_11] : memref<2048xi32, #tpu.memory_space<hbm>> -> memref<16xi32, #tpu.memory_space<hbm>>
      tpu.wait_dma2 semaphore(%run_scoped3A : memref<!tpu.dma_semaphore, #tpu.memory_space<semaphore_mem>>) src(%dma_wait3A_131 : memref<16xi32, #tpu.memory_space<hbm>>) dst(%arg13 : memref<16xi32, #tpu.memory_space<vmem>>)
      tpu.yield
    }) : () -> ()
    %dma_start3A_12 = arith.constant 0 : i32
    %dma_start3A_13 = arith.constant 0 : i32
    %dma_start3A_14 = tpu.memref_slice %arg2[%dma_start3A_12, %dma_start3A_13] : memref<8928x1024xf32, #tpu.memory_space<hbm>> -> memref<8928x1024xf32, #tpu.memory_space<hbm>>
    tpu.enqueue_indirect_dma source(%dma_start3A_14 : memref<8928x1024xf32, #tpu.memory_space<hbm>>) target(%arg15 : memref<16x1024xf32, #tpu.memory_space<vmem>>) offsets(%arg11 : memref<16xi32, #tpu.memory_space<vmem>>) semaphore(%arg19 : memref<!tpu.dma_semaphore, #tpu.memory_space<semaphore_mem>>)
    %dma_start3A_15 = arith.constant 0 : i32
    %dma_start3A_16 = arith.constant 0 : i32
    %dma_start3A_17 = tpu.memref_slice %arg2[%dma_start3A_15, %dma_start3A_16] : memref<8928x1024xf32, #tpu.memory_space<hbm>> -> memref<8928x1024xf32, #tpu.memory_space<hbm>>
    tpu.enqueue_indirect_dma source(%dma_start3A_17 : memref<8928x1024xf32, #tpu.memory_space<hbm>>) target(%arg17 : memref<16x1024xf32, #tpu.memory_space<vmem>>) offsets(%arg13 : memref<16xi32, #tpu.memory_space<vmem>>) semaphore(%arg21 : memref<!tpu.dma_semaphore, #tpu.memory_space<semaphore_mem>>)
    %add3A_18 = arith.constant 0 : i32
    %add3A_19 = arith.addi %mul3A_2, %add3A_18 : i32
    %dma_wait3A = arith.constant 0 : i32
    %dma_wait3A_20 = arith.constant 0 : i32
    %dma_wait3A_21 = tpu.memref_slice %arg2[%dma_wait3A, %dma_wait3A_20] : memref<8928x1024xf32, #tpu.memory_space<hbm>> -> memref<8928x1024xf32, #tpu.memory_space<hbm>>
    tpu.wait_indirect_dma semaphore(%arg18 : memref<!tpu.dma_semaphore, #tpu.memory_space<semaphore_mem>>) src(%dma_wait3A_21 : memref<8928x1024xf32, #tpu.memory_space<hbm>>) dst(%arg14 : memref<16x1024xf32, #tpu.memory_space<vmem>>)
    %dma_wait3A_22 = arith.constant 0 : i32
    %dma_wait3A_23 = arith.constant 0 : i32
    %dma_wait3A_24 = tpu.memref_slice %arg2[%dma_wait3A_22, %dma_wait3A_23] : memref<8928x1024xf32, #tpu.memory_space<hbm>> -> memref<8928x1024xf32, #tpu.memory_space<hbm>>
    tpu.wait_indirect_dma semaphore(%arg20 : memref<!tpu.dma_semaphore, #tpu.memory_space<semaphore_mem>>) src(%dma_wait3A_24 : memref<8928x1024xf32, #tpu.memory_space<hbm>>) dst(%arg16 : memref<16x1024xf32, #tpu.memory_space<vmem>>)
    %scan3A = arith.constant 0 : i32
    %scan3A_25 = arith.constant 0 : i32
    %scan3A_26 = arith.constant 16 : i32
    %scan3A_27 = arith.addi %scan3A_25, %scan3A_26 : i32
    %scan3A_28 = arith.constant 1 : i32
    scf.for %scan3A_128 = %scan3A_25 to %scan3A_27 step %scan3A_28  : i32 {
      %add3A_129 = arith.constant 0 : i32
      %add3A_130 = arith.addi %add3A_129, %scan3A_128 : i32
      %get3A = arith.index_cast %add3A_130 : i32 to index
      %get3A_131 = tpu.vector_load %arg8[%get3A] {strides = array<i32>} : memref<80xf32, #tpu.memory_space<vmem>>, vector<16xf32>,
      %get3A_132 = vector.shape_cast %get3A_131 : vector<16xf32> to vector<16xf32>
      %slice3A = vector.extract_strided_slice %get3A_132 {offsets = [0], sizes = [1], strides = [1]} : vector<16xf32> to vector<1xf32>
      %squeeze3A = vector.extract %slice3A[0] : f32 from vector<1xf32>
      %add3A_133 = arith.constant 0 : i32
      %add3A_134 = arith.addi %add3A_133, %scan3A_128 : i32
      %get3A_135 = arith.index_cast %add3A_134 : i32 to index
      %get3A_136 = tpu.vector_load %arg9[%get3A_135] {strides = array<i32>} : memref<80xf32, #tpu.memory_space<vmem>>, vector<16xf32>,
      %get3A_137 = vector.shape_cast %get3A_136 : vector<16xf32> to vector<16xf32>
      %slice3A_138 = vector.extract_strided_slice %get3A_137 {offsets = [0], sizes = [1], strides = [1]} : vector<16xf32> to vector<1xf32>
      %squeeze3A_139 = vector.extract %slice3A_138[0] : f32 from vector<1xf32>
      %scan3A_140 = arith.constant 0 : i32
      %scan3A_141 = arith.constant 0 : i32
      %scan3A_142 = arith.constant 16 : i32
      %scan3A_143 = arith.addi %scan3A_141, %scan3A_142 : i32
      %scan3A_144 = arith.constant 1 : i32
      scf.for %scan3A_146 = %scan3A_141 to %scan3A_143 step %scan3A_144  : i32 {
        %mul3A_147 = arith.constant 64 : i32
        %mul3A_148 = arith.muli %scan3A_146, %mul3A_147 : i32
        %add3A_149 = arith.constant 0 : i32
        %add3A_150 = arith.addi %mul3A_148, %add3A_149 : i32
        %get3A_151 = arith.index_cast %scan3A_128 : i32 to index
        %get3A_152 = arith.index_cast %add3A_150 : i32 to index
        %get3A_153 = tpu.vector_load %arg14[%get3A_151, %get3A_152] {strides = array<i32>} : memref<16x1024xf32, #tpu.memory_space<vmem>>, vector<1x16xf32>,
        %get3A_154 = vector.shape_cast %get3A_153 : vector<1x16xf32> to vector<16xf32>
        %mul3A_155 = vector.broadcast %squeeze3A : f32 to vector<16xf32>
        %mul3A_156 = arith.mulf %get3A_154, %mul3A_155 : vector<16xf32>
        %get3A_157 = arith.index_cast %scan3A_128 : i32 to index
        %get3A_158 = arith.index_cast %add3A_150 : i32 to index
        %get3A_159 = tpu.vector_load %arg16[%get3A_157, %get3A_158] {strides = array<i32>} : memref<16x1024xf32, #tpu.memory_space<vmem>>, vector<1x16xf32>,
        %get3A_160 = vector.shape_cast %get3A_159 : vector<1x16xf32> to vector<16xf32>
        %mul3A_161 = vector.broadcast %squeeze3A_139 : f32 to vector<16xf32>
        %mul3A_162 = arith.mulf %get3A_160, %mul3A_161 : vector<16xf32>
        %add3A_163 = arith.addf %mul3A_156, %mul3A_162 : vector<16xf32>
        %swap3A = arith.index_cast %scan3A_128 : i32 to index
        %swap3A_164 = arith.index_cast %add3A_150 : i32 to index
        %swap3A_165 = tpu.vector_load %arg14[%swap3A, %swap3A_164] {strides = array<i32>} : memref<16x1024xf32, #tpu.memory_space<vmem>>, vector<1x16xf32>,
        %swap3A_166 = vector.shape_cast %swap3A_165 : vector<1x16xf32> to vector<16xf32>
        %swap3A_167 = vector.shape_cast %add3A_163 : vector<16xf32> to vector<1x16xf32>
        tpu.vector_store %arg14[%swap3A, %swap3A_164], %swap3A_167 {strides = array<i32>} : memref<16x1024xf32, #tpu.memory_space<vmem>>, vector<1x16xf32>,
        %add3A_168 = arith.constant 16 : i32
        %add3A_169 = arith.addi %mul3A_148, %add3A_168 : i32
        %get3A_170 = arith.index_cast %scan3A_128 : i32 to index
        %get3A_171 = arith.index_cast %add3A_169 : i32 to index
        %get3A_172 = tpu.vector_load %arg14[%get3A_170, %get3A_171] {strides = array<i32>} : memref<16x1024xf32, #tpu.memory_space<vmem>>, vector<1x16xf32>,
        %get3A_173 = vector.shape_cast %get3A_172 : vector<1x16xf32> to vector<16xf32>
        %mul3A_174 = vector.broadcast %squeeze3A : f32 to vector<16xf32>
        %mul3A_175 = arith.mulf %get3A_173, %mul3A_174 : vector<16xf32>
        %get3A_176 = arith.index_cast %scan3A_128 : i32 to index
        %get3A_177 = arith.index_cast %add3A_169 : i32 to index
        %get3A_178 = tpu.vector_load %arg16[%get3A_176, %get3A_177] {strides = array<i32>} : memref<16x1024xf32, #tpu.memory_space<vmem>>, vector<1x16xf32>,
        %get3A_179 = vector.shape_cast %get3A_178 : vector<1x16xf32> to vector<16xf32>
        %mul3A_180 = vector.broadcast %squeeze3A_139 : f32 to vector<16xf32>
        %mul3A_181 = arith.mulf %get3A_179, %mul3A_180 : vector<16xf32>
        %add3A_182 = arith.addf %mul3A_175, %mul3A_181 : vector<16xf32>
        %swap3A_183 = arith.index_cast %scan3A_128 : i32 to index
        %swap3A_184 = arith.index_cast %add3A_169 : i32 to index
        %swap3A_185 = tpu.vector_load %arg14[%swap3A_183, %swap3A_184] {strides = array<i32>} : memref<16x1024xf32, #tpu.memory_space<vmem>>, vector<1x16xf32>,
        %swap3A_186 = vector.shape_cast %swap3A_185 : vector<1x16xf32> to vector<16xf32>
        %swap3A_187 = vector.shape_cast %add3A_182 : vector<16xf32> to vector<1x16xf32>
        tpu.vector_store %arg14[%swap3A_183, %swap3A_184], %swap3A_187 {strides = array<i32>} : memref<16x1024xf32, #tpu.memory_space<vmem>>, vector<1x16xf32>,
        %add3A_188 = arith.constant 32 : i32
        %add3A_189 = arith.addi %mul3A_148, %add3A_188 : i32
        %get3A_190 = arith.index_cast %scan3A_128 : i32 to index
        %get3A_191 = arith.index_cast %add3A_189 : i32 to index
        %get3A_192 = tpu.vector_load %arg14[%get3A_190, %get3A_191] {strides = array<i32>} : memref<16x1024xf32, #tpu.memory_space<vmem>>, vector<1x16xf32>,
        %get3A_193 = vector.shape_cast %get3A_192 : vector<1x16xf32> to vector<16xf32>
        %mul3A_194 = vector.broadcast %squeeze3A : f32 to vector<16xf32>
        %mul3A_195 = arith.mulf %get3A_193, %mul3A_194 : vector<16xf32>
        %get3A_196 = arith.index_cast %scan3A_128 : i32 to index
        %get3A_197 = arith.index_cast %add3A_189 : i32 to index
        %get3A_198 = tpu.vector_load %arg16[%get3A_196, %get3A_197] {strides = array<i32>} : memref<16x1024xf32, #tpu.memory_space<vmem>>, vector<1x16xf32>,
        %get3A_199 = vector.shape_cast %get3A_198 : vector<1x16xf32> to vector<16xf32>
        %mul3A_200 = vector.broadcast %squeeze3A_139 : f32 to vector<16xf32>
        %mul3A_201 = arith.mulf %get3A_199, %mul3A_200 : vector<16xf32>
        %add3A_202 = arith.addf %mul3A_195, %mul3A_201 : vector<16xf32>
        %swap3A_203 = arith.index_cast %scan3A_128 : i32 to index
        %swap3A_204 = arith.index_cast %add3A_189 : i32 to index
        %swap3A_205 = tpu.vector_load %arg14[%swap3A_203, %swap3A_204] {strides = array<i32>} : memref<16x1024xf32, #tpu.memory_space<vmem>>, vector<1x16xf32>,
        %swap3A_206 = vector.shape_cast %swap3A_205 : vector<1x16xf32> to vector<16xf32>
        %swap3A_207 = vector.shape_cast %add3A_202 : vector<16xf32> to vector<1x16xf32>
        tpu.vector_store %arg14[%swap3A_203, %swap3A_204], %swap3A_207 {strides = array<i32>} : memref<16x1024xf32, #tpu.memory_space<vmem>>, vector<1x16xf32>,
        %add3A_208 = arith.constant 48 : i32
        %add3A_209 = arith.addi %mul3A_148, %add3A_208 : i32
        %get3A_210 = arith.index_cast %scan3A_128 : i32 to index
        %get3A_211 = arith.index_cast %add3A_209 : i32 to index
        %get3A_212 = tpu.vector_load %arg14[%get3A_210, %get3A_211] {strides = array<i32>} : memref<16x1024xf32, #tpu.memory_space<vmem>>, vector<1x16xf32>,
        %get3A_213 = vector.shape_cast %get3A_212 : vector<1x16xf32> to vector<16xf32>
        %mul3A_214 = vector.broadcast %squeeze3A : f32 to vector<16xf32>
        %mul3A_215 = arith.mulf %get3A_213, %mul3A_214 : vector<16xf32>
        %get3A_216 = arith.index_cast %scan3A_128 : i32 to index
        %get3A_217 = arith.index_cast %add3A_209 : i32 to index
        %get3A_218 = tpu.vector_load %arg16[%get3A_216, %get3A_217] {strides = array<i32>} : memref<16x1024xf32, #tpu.memory_space<vmem>>, vector<1x16xf32>,
        %get3A_219 = vector.shape_cast %get3A_218 : vector<1x16xf32> to vector<16xf32>
        %mul3A_220 = vector.broadcast %squeeze3A_139 : f32 to vector<16xf32>
        %mul3A_221 = arith.mulf %get3A_219, %mul3A_220 : vector<16xf32>
        %add3A_222 = arith.addf %mul3A_215, %mul3A_221 : vector<16xf32>
        %swap3A_223 = arith.index_cast %scan3A_128 : i32 to index
        %swap3A_224 = arith.index_cast %add3A_209 : i32 to index
        %swap3A_225 = tpu.vector_load %arg14[%swap3A_223, %swap3A_224] {strides = array<i32>} : memref<16x1024xf32, #tpu.memory_space<vmem>>, vector<1x16xf32>,
        %swap3A_226 = vector.shape_cast %swap3A_225 : vector<1x16xf32> to vector<16xf32>
        %swap3A_227 = vector.shape_cast %add3A_222 : vector<16xf32> to vector<1x16xf32>
        tpu.vector_store %arg14[%swap3A_223, %swap3A_224], %swap3A_227 {strides = array<i32>} : memref<16x1024xf32, #tpu.memory_space<vmem>>, vector<1x16xf32>,
      }
      %scan3A_145 = arith.constant 16 : i32
    }
    %scan3A_29 = arith.constant 16 : i32
    %dma_start3A_30 = arith.constant 0 : i32
    %dma_start3A_31 = tpu.memref_slice %arg7[%add3A_19, %dma_start3A_30] : memref<2048x1024xf32, #tpu.memory_space<hbm>> -> memref<16x1024xf32, #tpu.memory_space<hbm>>
    %dma_start3A_32 = arith.constant 0 : i32
    %dma_start3A_33 = tpu.memref_slice %arg7[%add3A_19, %dma_start3A_32] : memref<2048x1024xf32, #tpu.memory_space<hbm>> -> memref<16x1024xf32, #tpu.memory_space<hbm>>
    tpu.enqueue_dma source(%arg14 : memref<16x1024xf32, #tpu.memory_space<vmem>>) target(%dma_start3A_33 : memref<16x1024xf32, #tpu.memory_space<hbm>>) target_semaphore(%arg22 : memref<!tpu.dma_semaphore, #tpu.memory_space<semaphore_mem>>)
    %add3A_34 = arith.constant 32 : i32
    %add3A_35 = arith.addi %mul3A_2, %add3A_34 : i32
    %add3A_36 = arith.constant 0 : i32
    %add3A_37 = arith.addi %mul3A_2, %add3A_36 : i32
    %dma_wait3A_38 = arith.constant 0 : i32
    %dma_wait3A_39 = tpu.memref_slice %arg7[%add3A_37, %dma_wait3A_38] : memref<2048x1024xf32, #tpu.memory_space<hbm>> -> memref<16x1024xf32, #tpu.memory_space<hbm>>
    %dma_wait3A_40 = arith.constant 0 : i32
    %dma_wait3A_41 = tpu.memref_slice %arg7[%add3A_37, %dma_wait3A_40] : memref<2048x1024xf32, #tpu.memory_space<hbm>> -> memref<16x1024xf32, #tpu.memory_space<hbm>>
    tpu.wait_dma2 semaphore(%arg22 : memref<!tpu.dma_semaphore, #tpu.memory_space<semaphore_mem>>) src(%arg14 : memref<16x1024xf32, #tpu.memory_space<vmem>>) dst(%dma_wait3A_41 : memref<16x1024xf32, #tpu.memory_space<hbm>>)
    "tpu.region"() ({
      %run_scoped3A = tpu.sem_alloc : memref<!tpu.dma_semaphore, #tpu.memory_space<semaphore_mem>>
      %dma_start3A_128 = tpu.memref_slice %arg3[%add3A_35] : memref<2048xi32, #tpu.memory_space<hbm>> -> memref<16xi32, #tpu.memory_space<hbm>>
      %dma_start3A_129 = tpu.memref_slice %arg3[%add3A_35] : memref<2048xi32, #tpu.memory_space<hbm>> -> memref<16xi32, #tpu.memory_space<hbm>>
      tpu.enqueue_dma source(%dma_start3A_129 : memref<16xi32, #tpu.memory_space<hbm>>) target(%arg10 : memref<16xi32, #tpu.memory_space<vmem>>) target_semaphore(%run_scoped3A : memref<!tpu.dma_semaphore, #tpu.memory_space<semaphore_mem>>)
      %dma_wait3A_130 = tpu.memref_slice %arg3[%add3A_35] : memref<2048xi32, #tpu.memory_space<hbm>> -> memref<16xi32, #tpu.memory_space<hbm>>
      %dma_wait3A_131 = tpu.memref_slice %arg3[%add3A_35] : memref<2048xi32, #tpu.memory_space<hbm>> -> memref<16xi32, #tpu.memory_space<hbm>>
      tpu.wait_dma2 semaphore(%run_scoped3A : memref<!tpu.dma_semaphore, #tpu.memory_space<semaphore_mem>>) src(%dma_wait3A_131 : memref<16xi32, #tpu.memory_space<hbm>>) dst(%arg10 : memref<16xi32, #tpu.memory_space<vmem>>)
      tpu.yield
    }) : () -> ()
    "tpu.region"() ({
      %run_scoped3A = tpu.sem_alloc : memref<!tpu.dma_semaphore, #tpu.memory_space<semaphore_mem>>
      %dma_start3A_128 = tpu.memref_slice %arg4[%add3A_35] : memref<2048xi32, #tpu.memory_space<hbm>> -> memref<16xi32, #tpu.memory_space<hbm>>
      %dma_start3A_129 = tpu.memref_slice %arg4[%add3A_35] : memref<2048xi32, #tpu.memory_space<hbm>> -> memref<16xi32, #tpu.memory_space<hbm>>
      tpu.enqueue_dma source(%dma_start3A_129 : memref<16xi32, #tpu.memory_space<hbm>>) target(%arg12 : memref<16xi32, #tpu.memory_space<vmem>>) target_semaphore(%run_scoped3A : memref<!tpu.dma_semaphore, #tpu.memory_space<semaphore_mem>>)
      %dma_wait3A_130 = tpu.memref_slice %arg4[%add3A_35] : memref<2048xi32, #tpu.memory_space<hbm>> -> memref<16xi32, #tpu.memory_space<hbm>>
      %dma_wait3A_131 = tpu.memref_slice %arg4[%add3A_35] : memref<2048xi32, #tpu.memory_space<hbm>> -> memref<16xi32, #tpu.memory_space<hbm>>
      tpu.wait_dma2 semaphore(%run_scoped3A : memref<!tpu.dma_semaphore, #tpu.memory_space<semaphore_mem>>) src(%dma_wait3A_131 : memref<16xi32, #tpu.memory_space<hbm>>) dst(%arg12 : memref<16xi32, #tpu.memory_space<vmem>>)
      tpu.yield
    }) : () -> ()
    %dma_start3A_42 = arith.constant 0 : i32
    %dma_start3A_43 = arith.constant 0 : i32
    %dma_start3A_44 = tpu.memref_slice %arg2[%dma_start3A_42, %dma_start3A_43] : memref<8928x1024xf32, #tpu.memory_space<hbm>> -> memref<8928x1024xf32, #tpu.memory_space<hbm>>
    tpu.enqueue_indirect_dma source(%dma_start3A_44 : memref<8928x1024xf32, #tpu.memory_space<hbm>>) target(%arg14 : memref<16x1024xf32, #tpu.memory_space<vmem>>) offsets(%arg10 : memref<16xi32, #tpu.memory_space<vmem>>) semaphore(%arg18 : memref<!tpu.dma_semaphore, #tpu.memory_space<semaphore_mem>>)
    %dma_start3A_45 = arith.constant 0 : i32
    %dma_start3A_46 = arith.constant 0 : i32
    %dma_start3A_47 = tpu.memref_slice %arg2[%dma_start3A_45, %dma_start3A_46] : memref<8928x1024xf32, #tpu.memory_space<hbm>> -> memref<8928x1024xf32, #tpu.memory_space<hbm>>
    tpu.enqueue_indirect_dma source(%dma_start3A_47 : memref<8928x1024xf32, #tpu.memory_space<hbm>>) target(%arg16 : memref<16x1024xf32, #tpu.memory_space<vmem>>) offsets(%arg12 : memref<16xi32, #tpu.memory_space<vmem>>) semaphore(%arg20 : memref<!tpu.dma_semaphore, #tpu.memory_space<semaphore_mem>>)
    %add3A_48 = arith.constant 16 : i32
    %add3A_49 = arith.addi %mul3A_2, %add3A_48 : i32
    %dma_wait3A_50 = arith.constant 0 : i32
    %dma_wait3A_51 = arith.constant 0 : i32
    %dma_wait3A_52 = tpu.memref_slice %arg2[%dma_wait3A_50, %dma_wait3A_51] : memref<8928x1024xf32, #tpu.memory_space<hbm>> -> memref<8928x1024xf32, #tpu.memory_space<hbm>>
    tpu.wait_indirect_dma semaphore(%arg19 : memref<!tpu.dma_semaphore, #tpu.memory_space<semaphore_mem>>) src(%dma_wait3A_52 : memref<8928x1024xf32, #tpu.memory_space<hbm>>) dst(%arg15 : memref<16x1024xf32, #tpu.memory_space<vmem>>)
    %dma_wait3A_53 = arith.constant 0 : i32
    %dma_wait3A_54 = arith.constant 0 : i32
    %dma_wait3A_55 = tpu.memref_slice %arg2[%dma_wait3A_53, %dma_wait3A_54] : memref<8928x1024xf32, #tpu.memory_space<hbm>> -> memref<8928x1024xf32, #tpu.memory_space<hbm>>
    tpu.wait_indirect_dma semaphore(%arg21 : memref<!tpu.dma_semaphore, #tpu.memory_space<semaphore_mem>>) src(%dma_wait3A_55 : memref<8928x1024xf32, #tpu.memory_space<hbm>>) dst(%arg17 : memref<16x1024xf32, #tpu.memory_space<vmem>>)
    %scan3A_56 = arith.constant 0 : i32
    %scan3A_57 = arith.constant 0 : i32
    %scan3A_58 = arith.constant 16 : i32
    %scan3A_59 = arith.addi %scan3A_57, %scan3A_58 : i32
    %scan3A_60 = arith.constant 1 : i32
    scf.for %scan3A_128 = %scan3A_57 to %scan3A_59 step %scan3A_60  : i32 {
      %add3A_129 = arith.constant 16 : i32
      %add3A_130 = arith.addi %add3A_129, %scan3A_128 : i32
      %get3A = arith.index_cast %add3A_130 : i32 to index
      %get3A_131 = tpu.vector_load %arg8[%get3A] {strides = array<i32>} : memref<80xf32, #tpu.memory_space<vmem>>, vector<16xf32>,
      %get3A_132 = vector.shape_cast %get3A_131 : vector<16xf32> to vector<16xf32>
      %slice3A = vector.extract_strided_slice %get3A_132 {offsets = [0], sizes = [1], strides = [1]} : vector<16xf32> to vector<1xf32>
      %squeeze3A = vector.extract %slice3A[0] : f32 from vector<1xf32>
      %add3A_133 = arith.constant 16 : i32
      %add3A_134 = arith.addi %add3A_133, %scan3A_128 : i32
      %get3A_135 = arith.index_cast %add3A_134 : i32 to index
      %get3A_136 = tpu.vector_load %arg9[%get3A_135] {strides = array<i32>} : memref<80xf32, #tpu.memory_space<vmem>>, vector<16xf32>,
      %get3A_137 = vector.shape_cast %get3A_136 : vector<16xf32> to vector<16xf32>
      %slice3A_138 = vector.extract_strided_slice %get3A_137 {offsets = [0], sizes = [1], strides = [1]} : vector<16xf32> to vector<1xf32>
      %squeeze3A_139 = vector.extract %slice3A_138[0] : f32 from vector<1xf32>
      %scan3A_140 = arith.constant 0 : i32
      %scan3A_141 = arith.constant 0 : i32
      %scan3A_142 = arith.constant 16 : i32
      %scan3A_143 = arith.addi %scan3A_141, %scan3A_142 : i32
      %scan3A_144 = arith.constant 1 : i32
      scf.for %scan3A_146 = %scan3A_141 to %scan3A_143 step %scan3A_144  : i32 {
        %mul3A_147 = arith.constant 64 : i32
        %mul3A_148 = arith.muli %scan3A_146, %mul3A_147 : i32
        %add3A_149 = arith.constant 0 : i32
        %add3A_150 = arith.addi %mul3A_148, %add3A_149 : i32
        %get3A_151 = arith.index_cast %scan3A_128 : i32 to index
        %get3A_152 = arith.index_cast %add3A_150 : i32 to index
        %get3A_153 = tpu.vector_load %arg15[%get3A_151, %get3A_152] {strides = array<i32>} : memref<16x1024xf32, #tpu.memory_space<vmem>>, vector<1x16xf32>,
        %get3A_154 = vector.shape_cast %get3A_153 : vector<1x16xf32> to vector<16xf32>
        %mul3A_155 = vector.broadcast %squeeze3A : f32 to vector<16xf32>
        %mul3A_156 = arith.mulf %get3A_154, %mul3A_155 : vector<16xf32>
        %get3A_157 = arith.index_cast %scan3A_128 : i32 to index
        %get3A_158 = arith.index_cast %add3A_150 : i32 to index
        %get3A_159 = tpu.vector_load %arg17[%get3A_157, %get3A_158] {strides = array<i32>} : memref<16x1024xf32, #tpu.memory_space<vmem>>, vector<1x16xf32>,
        %get3A_160 = vector.shape_cast %get3A_159 : vector<1x16xf32> to vector<16xf32>
        %mul3A_161 = vector.broadcast %squeeze3A_139 : f32 to vector<16xf32>
        %mul3A_162 = arith.mulf %get3A_160, %mul3A_161 : vector<16xf32>
        %add3A_163 = arith.addf %mul3A_156, %mul3A_162 : vector<16xf32>
        %swap3A = arith.index_cast %scan3A_128 : i32 to index
        %swap3A_164 = arith.index_cast %add3A_150 : i32 to index
        %swap3A_165 = tpu.vector_load %arg15[%swap3A, %swap3A_164] {strides = array<i32>} : memref<16x1024xf32, #tpu.memory_space<vmem>>, vector<1x16xf32>,
        %swap3A_166 = vector.shape_cast %swap3A_165 : vector<1x16xf32> to vector<16xf32>
        %swap3A_167 = vector.shape_cast %add3A_163 : vector<16xf32> to vector<1x16xf32>
        tpu.vector_store %arg15[%swap3A, %swap3A_164], %swap3A_167 {strides = array<i32>} : memref<16x1024xf32, #tpu.memory_space<vmem>>, vector<1x16xf32>,
        %add3A_168 = arith.constant 16 : i32
        %add3A_169 = arith.addi %mul3A_148, %add3A_168 : i32
        %get3A_170 = arith.index_cast %scan3A_128 : i32 to index
        %get3A_171 = arith.index_cast %add3A_169 : i32 to index
        %get3A_172 = tpu.vector_load %arg15[%get3A_170, %get3A_171] {strides = array<i32>} : memref<16x1024xf32, #tpu.memory_space<vmem>>, vector<1x16xf32>,
        %get3A_173 = vector.shape_cast %get3A_172 : vector<1x16xf32> to vector<16xf32>
        %mul3A_174 = vector.broadcast %squeeze3A : f32 to vector<16xf32>
        %mul3A_175 = arith.mulf %get3A_173, %mul3A_174 : vector<16xf32>
        %get3A_176 = arith.index_cast %scan3A_128 : i32 to index
        %get3A_177 = arith.index_cast %add3A_169 : i32 to index
        %get3A_178 = tpu.vector_load %arg17[%get3A_176, %get3A_177] {strides = array<i32>} : memref<16x1024xf32, #tpu.memory_space<vmem>>, vector<1x16xf32>,
        %get3A_179 = vector.shape_cast %get3A_178 : vector<1x16xf32> to vector<16xf32>
        %mul3A_180 = vector.broadcast %squeeze3A_139 : f32 to vector<16xf32>
        %mul3A_181 = arith.mulf %get3A_179, %mul3A_180 : vector<16xf32>
        %add3A_182 = arith.addf %mul3A_175, %mul3A_181 : vector<16xf32>
        %swap3A_183 = arith.index_cast %scan3A_128 : i32 to index
        %swap3A_184 = arith.index_cast %add3A_169 : i32 to index
        %swap3A_185 = tpu.vector_load %arg15[%swap3A_183, %swap3A_184] {strides = array<i32>} : memref<16x1024xf32, #tpu.memory_space<vmem>>, vector<1x16xf32>,
        %swap3A_186 = vector.shape_cast %swap3A_185 : vector<1x16xf32> to vector<16xf32>
        %swap3A_187 = vector.shape_cast %add3A_182 : vector<16xf32> to vector<1x16xf32>
        tpu.vector_store %arg15[%swap3A_183, %swap3A_184], %swap3A_187 {strides = array<i32>} : memref<16x1024xf32, #tpu.memory_space<vmem>>, vector<1x16xf32>,
        %add3A_188 = arith.constant 32 : i32
        %add3A_189 = arith.addi %mul3A_148, %add3A_188 : i32
        %get3A_190 = arith.index_cast %scan3A_128 : i32 to index
        %get3A_191 = arith.index_cast %add3A_189 : i32 to index
        %get3A_192 = tpu.vector_load %arg15[%get3A_190, %get3A_191] {strides = array<i32>} : memref<16x1024xf32, #tpu.memory_space<vmem>>, vector<1x16xf32>,
        %get3A_193 = vector.shape_cast %get3A_192 : vector<1x16xf32> to vector<16xf32>
        %mul3A_194 = vector.broadcast %squeeze3A : f32 to vector<16xf32>
        %mul3A_195 = arith.mulf %get3A_193, %mul3A_194 : vector<16xf32>
        %get3A_196 = arith.index_cast %scan3A_128 : i32 to index
        %get3A_197 = arith.index_cast %add3A_189 : i32 to index
        %get3A_198 = tpu.vector_load %arg17[%get3A_196, %get3A_197] {strides = array<i32>} : memref<16x1024xf32, #tpu.memory_space<vmem>>, vector<1x16xf32>,
        %get3A_199 = vector.shape_cast %get3A_198 : vector<1x16xf32> to vector<16xf32>
        %mul3A_200 = vector.broadcast %squeeze3A_139 : f32 to vector<16xf32>
        %mul3A_201 = arith.mulf %get3A_199, %mul3A_200 : vector<16xf32>
        %add3A_202 = arith.addf %mul3A_195, %mul3A_201 : vector<16xf32>
        %swap3A_203 = arith.index_cast %scan3A_128 : i32 to index
        %swap3A_204 = arith.index_cast %add3A_189 : i32 to index
        %swap3A_205 = tpu.vector_load %arg15[%swap3A_203, %swap3A_204] {strides = array<i32>} : memref<16x1024xf32, #tpu.memory_space<vmem>>, vector<1x16xf32>,
        %swap3A_206 = vector.shape_cast %swap3A_205 : vector<1x16xf32> to vector<16xf32>
        %swap3A_207 = vector.shape_cast %add3A_202 : vector<16xf32> to vector<1x16xf32>
        tpu.vector_store %arg15[%swap3A_203, %swap3A_204], %swap3A_207 {strides = array<i32>} : memref<16x1024xf32, #tpu.memory_space<vmem>>, vector<1x16xf32>,
        %add3A_208 = arith.constant 48 : i32
        %add3A_209 = arith.addi %mul3A_148, %add3A_208 : i32
        %get3A_210 = arith.index_cast %scan3A_128 : i32 to index
        %get3A_211 = arith.index_cast %add3A_209 : i32 to index
        %get3A_212 = tpu.vector_load %arg15[%get3A_210, %get3A_211] {strides = array<i32>} : memref<16x1024xf32, #tpu.memory_space<vmem>>, vector<1x16xf32>,
        %get3A_213 = vector.shape_cast %get3A_212 : vector<1x16xf32> to vector<16xf32>
        %mul3A_214 = vector.broadcast %squeeze3A : f32 to vector<16xf32>
        %mul3A_215 = arith.mulf %get3A_213, %mul3A_214 : vector<16xf32>
        %get3A_216 = arith.index_cast %scan3A_128 : i32 to index
        %get3A_217 = arith.index_cast %add3A_209 : i32 to index
        %get3A_218 = tpu.vector_load %arg17[%get3A_216, %get3A_217] {strides = array<i32>} : memref<16x1024xf32, #tpu.memory_space<vmem>>, vector<1x16xf32>,
        %get3A_219 = vector.shape_cast %get3A_218 : vector<1x16xf32> to vector<16xf32>
        %mul3A_220 = vector.broadcast %squeeze3A_139 : f32 to vector<16xf32>
        %mul3A_221 = arith.mulf %get3A_219, %mul3A_220 : vector<16xf32>
        %add3A_222 = arith.addf %mul3A_215, %mul3A_221 : vector<16xf32>
        %swap3A_223 = arith.index_cast %scan3A_128 : i32 to index
        %swap3A_224 = arith.index_cast %add3A_209 : i32 to index
        %swap3A_225 = tpu.vector_load %arg15[%swap3A_223, %swap3A_224] {strides = array<i32>} : memref<16x1024xf32, #tpu.memory_space<vmem>>, vector<1x16xf32>,
        %swap3A_226 = vector.shape_cast %swap3A_225 : vector<1x16xf32> to vector<16xf32>
        %swap3A_227 = vector.shape_cast %add3A_222 : vector<16xf32> to vector<1x16xf32>
        tpu.vector_store %arg15[%swap3A_223, %swap3A_224], %swap3A_227 {strides = array<i32>} : memref<16x1024xf32, #tpu.memory_space<vmem>>, vector<1x16xf32>,
      }
      %scan3A_145 = arith.constant 16 : i32
    }
    %scan3A_61 = arith.constant 16 : i32
    %dma_start3A_62 = arith.constant 0 : i32
    %dma_start3A_63 = tpu.memref_slice %arg7[%add3A_49, %dma_start3A_62] : memref<2048x1024xf32, #tpu.memory_space<hbm>> -> memref<16x1024xf32, #tpu.memory_space<hbm>>
    %dma_start3A_64 = arith.constant 0 : i32
    %dma_start3A_65 = tpu.memref_slice %arg7[%add3A_49, %dma_start3A_64] : memref<2048x1024xf32, #tpu.memory_space<hbm>> -> memref<16x1024xf32, #tpu.memory_space<hbm>>
    tpu.enqueue_dma source(%arg15 : memref<16x1024xf32, #tpu.memory_space<vmem>>) target(%dma_start3A_65 : memref<16x1024xf32, #tpu.memory_space<hbm>>) target_semaphore(%arg23 : memref<!tpu.dma_semaphore, #tpu.memory_space<semaphore_mem>>)
    %add3A_66 = arith.constant 48 : i32
    %add3A_67 = arith.addi %mul3A_2, %add3A_66 : i32
    %add3A_68 = arith.constant 16 : i32
    %add3A_69 = arith.addi %mul3A_2, %add3A_68 : i32
    %dma_wait3A_70 = arith.constant 0 : i32
    %dma_wait3A_71 = tpu.memref_slice %arg7[%add3A_69, %dma_wait3A_70] : memref<2048x1024xf32, #tpu.memory_space<hbm>> -> memref<16x1024xf32, #tpu.memory_space<hbm>>
    %dma_wait3A_72 = arith.constant 0 : i32
    %dma_wait3A_73 = tpu.memref_slice %arg7[%add3A_69, %dma_wait3A_72] : memref<2048x1024xf32, #tpu.memory_space<hbm>> -> memref<16x1024xf32, #tpu.memory_space<hbm>>
    tpu.wait_dma2 semaphore(%arg23 : memref<!tpu.dma_semaphore, #tpu.memory_space<semaphore_mem>>) src(%arg15 : memref<16x1024xf32, #tpu.memory_space<vmem>>) dst(%dma_wait3A_73 : memref<16x1024xf32, #tpu.memory_space<hbm>>)
    "tpu.region"() ({
      %run_scoped3A = tpu.sem_alloc : memref<!tpu.dma_semaphore, #tpu.memory_space<semaphore_mem>>
      %dma_start3A_128 = tpu.memref_slice %arg3[%add3A_67] : memref<2048xi32, #tpu.memory_space<hbm>> -> memref<16xi32, #tpu.memory_space<hbm>>
      %dma_start3A_129 = tpu.memref_slice %arg3[%add3A_67] : memref<2048xi32, #tpu.memory_space<hbm>> -> memref<16xi32, #tpu.memory_space<hbm>>
      tpu.enqueue_dma source(%dma_start3A_129 : memref<16xi32, #tpu.memory_space<hbm>>) target(%arg11 : memref<16xi32, #tpu.memory_space<vmem>>) target_semaphore(%run_scoped3A : memref<!tpu.dma_semaphore, #tpu.memory_space<semaphore_mem>>)
      %dma_wait3A_130 = tpu.memref_slice %arg3[%add3A_67] : memref<2048xi32, #tpu.memory_space<hbm>> -> memref<16xi32, #tpu.memory_space<hbm>>
      %dma_wait3A_131 = tpu.memref_slice %arg3[%add3A_67] : memref<2048xi32, #tpu.memory_space<hbm>> -> memref<16xi32, #tpu.memory_space<hbm>>
      tpu.wait_dma2 semaphore(%run_scoped3A : memref<!tpu.dma_semaphore, #tpu.memory_space<semaphore_mem>>) src(%dma_wait3A_131 : memref<16xi32, #tpu.memory_space<hbm>>) dst(%arg11 : memref<16xi32, #tpu.memory_space<vmem>>)
      tpu.yield
    }) : () -> ()
    "tpu.region"() ({
      %run_scoped3A = tpu.sem_alloc : memref<!tpu.dma_semaphore, #tpu.memory_space<semaphore_mem>>
      %dma_start3A_128 = tpu.memref_slice %arg4[%add3A_67] : memref<2048xi32, #tpu.memory_space<hbm>> -> memref<16xi32, #tpu.memory_space<hbm>>
      %dma_start3A_129 = tpu.memref_slice %arg4[%add3A_67] : memref<2048xi32, #tpu.memory_space<hbm>> -> memref<16xi32, #tpu.memory_space<hbm>>
      tpu.enqueue_dma source(%dma_start3A_129 : memref<16xi32, #tpu.memory_space<hbm>>) target(%arg13 : memref<16xi32, #tpu.memory_space<vmem>>) target_semaphore(%run_scoped3A : memref<!tpu.dma_semaphore, #tpu.memory_space<semaphore_mem>>)
      %dma_wait3A_130 = tpu.memref_slice %arg4[%add3A_67] : memref<2048xi32, #tpu.memory_space<hbm>> -> memref<16xi32, #tpu.memory_space<hbm>>
      %dma_wait3A_131 = tpu.memref_slice %arg4[%add3A_67] : memref<2048xi32, #tpu.memory_space<hbm>> -> memref<16xi32, #tpu.memory_space<hbm>>
      tpu.wait_dma2 semaphore(%run_scoped3A : memref<!tpu.dma_semaphore, #tpu.memory_space<semaphore_mem>>) src(%dma_wait3A_131 : memref<16xi32, #tpu.memory_space<hbm>>) dst(%arg13 : memref<16xi32, #tpu.memory_space<vmem>>)
      tpu.yield
    }) : () -> ()
    %dma_start3A_74 = arith.constant 0 : i32
    %dma_start3A_75 = arith.constant 0 : i32
    %dma_start3A_76 = tpu.memref_slice %arg2[%dma_start3A_74, %dma_start3A_75] : memref<8928x1024xf32, #tpu.memory_space<hbm>> -> memref<8928x1024xf32, #tpu.memory_space<hbm>>
    tpu.enqueue_indirect_dma source(%dma_start3A_76 : memref<8928x1024xf32, #tpu.memory_space<hbm>>) target(%arg15 : memref<16x1024xf32, #tpu.memory_space<vmem>>) offsets(%arg11 : memref<16xi32, #tpu.memory_space<vmem>>) semaphore(%arg19 : memref<!tpu.dma_semaphore, #tpu.memory_space<semaphore_mem>>)
    %dma_start3A_77 = arith.constant 0 : i32
    %dma_start3A_78 = arith.constant 0 : i32
    %dma_start3A_79 = tpu.memref_slice %arg2[%dma_start3A_77, %dma_start3A_78] : memref<8928x1024xf32, #tpu.memory_space<hbm>> -> memref<8928x1024xf32, #tpu.memory_space<hbm>>
    tpu.enqueue_indirect_dma source(%dma_start3A_79 : memref<8928x1024xf32, #tpu.memory_space<hbm>>) target(%arg17 : memref<16x1024xf32, #tpu.memory_space<vmem>>) offsets(%arg13 : memref<16xi32, #tpu.memory_space<vmem>>) semaphore(%arg21 : memref<!tpu.dma_semaphore, #tpu.memory_space<semaphore_mem>>)
    %add3A_80 = arith.constant 32 : i32
    %add3A_81 = arith.addi %mul3A_2, %add3A_80 : i32
    %dma_wait3A_82 = arith.constant 0 : i32
    %dma_wait3A_83 = arith.constant 0 : i32
    %dma_wait3A_84 = tpu.memref_slice %arg2[%dma_wait3A_82, %dma_wait3A_83] : memref<8928x1024xf32, #tpu.memory_space<hbm>> -> memref<8928x1024xf32, #tpu.memory_space<hbm>>
    tpu.wait_indirect_dma semaphore(%arg18 : memref<!tpu.dma_semaphore, #tpu.memory_space<semaphore_mem>>) src(%dma_wait3A_84 : memref<8928x1024xf32, #tpu.memory_space<hbm>>) dst(%arg14 : memref<16x1024xf32, #tpu.memory_space<vmem>>)
    %dma_wait3A_85 = arith.constant 0 : i32
    %dma_wait3A_86 = arith.constant 0 : i32
    %dma_wait3A_87 = tpu.memref_slice %arg2[%dma_wait3A_85, %dma_wait3A_86] : memref<8928x1024xf32, #tpu.memory_space<hbm>> -> memref<8928x1024xf32, #tpu.memory_space<hbm>>
    tpu.wait_indirect_dma semaphore(%arg20 : memref<!tpu.dma_semaphore, #tpu.memory_space<semaphore_mem>>) src(%dma_wait3A_87 : memref<8928x1024xf32, #tpu.memory_space<hbm>>) dst(%arg16 : memref<16x1024xf32, #tpu.memory_space<vmem>>)
    %scan3A_88 = arith.constant 0 : i32
    %scan3A_89 = arith.constant 0 : i32
    %scan3A_90 = arith.constant 16 : i32
    %scan3A_91 = arith.addi %scan3A_89, %scan3A_90 : i32
    %scan3A_92 = arith.constant 1 : i32
    scf.for %scan3A_128 = %scan3A_89 to %scan3A_91 step %scan3A_92  : i32 {
      %add3A_129 = arith.constant 32 : i32
      %add3A_130 = arith.addi %add3A_129, %scan3A_128 : i32
      %get3A = arith.index_cast %add3A_130 : i32 to index
      %get3A_131 = tpu.vector_load %arg8[%get3A] {strides = array<i32>} : memref<80xf32, #tpu.memory_space<vmem>>, vector<16xf32>,
      %get3A_132 = vector.shape_cast %get3A_131 : vector<16xf32> to vector<16xf32>
      %slice3A = vector.extract_strided_slice %get3A_132 {offsets = [0], sizes = [1], strides = [1]} : vector<16xf32> to vector<1xf32>
      %squeeze3A = vector.extract %slice3A[0] : f32 from vector<1xf32>
      %add3A_133 = arith.constant 32 : i32
      %add3A_134 = arith.addi %add3A_133, %scan3A_128 : i32
      %get3A_135 = arith.index_cast %add3A_134 : i32 to index
      %get3A_136 = tpu.vector_load %arg9[%get3A_135] {strides = array<i32>} : memref<80xf32, #tpu.memory_space<vmem>>, vector<16xf32>,
      %get3A_137 = vector.shape_cast %get3A_136 : vector<16xf32> to vector<16xf32>
      %slice3A_138 = vector.extract_strided_slice %get3A_137 {offsets = [0], sizes = [1], strides = [1]} : vector<16xf32> to vector<1xf32>
      %squeeze3A_139 = vector.extract %slice3A_138[0] : f32 from vector<1xf32>
      %scan3A_140 = arith.constant 0 : i32
      %scan3A_141 = arith.constant 0 : i32
      %scan3A_142 = arith.constant 16 : i32
      %scan3A_143 = arith.addi %scan3A_141, %scan3A_142 : i32
      %scan3A_144 = arith.constant 1 : i32
      scf.for %scan3A_146 = %scan3A_141 to %scan3A_143 step %scan3A_144  : i32 {
        %mul3A_147 = arith.constant 64 : i32
        %mul3A_148 = arith.muli %scan3A_146, %mul3A_147 : i32
        %add3A_149 = arith.constant 0 : i32
        %add3A_150 = arith.addi %mul3A_148, %add3A_149 : i32
        %get3A_151 = arith.index_cast %scan3A_128 : i32 to index
        %get3A_152 = arith.index_cast %add3A_150 : i32 to index
        %get3A_153 = tpu.vector_load %arg14[%get3A_151, %get3A_152] {strides = array<i32>} : memref<16x1024xf32, #tpu.memory_space<vmem>>, vector<1x16xf32>,
        %get3A_154 = vector.shape_cast %get3A_153 : vector<1x16xf32> to vector<16xf32>
        %mul3A_155 = vector.broadcast %squeeze3A : f32 to vector<16xf32>
        %mul3A_156 = arith.mulf %get3A_154, %mul3A_155 : vector<16xf32>
        %get3A_157 = arith.index_cast %scan3A_128 : i32 to index
        %get3A_158 = arith.index_cast %add3A_150 : i32 to index
        %get3A_159 = tpu.vector_load %arg16[%get3A_157, %get3A_158] {strides = array<i32>} : memref<16x1024xf32, #tpu.memory_space<vmem>>, vector<1x16xf32>,
        %get3A_160 = vector.shape_cast %get3A_159 : vector<1x16xf32> to vector<16xf32>
        %mul3A_161 = vector.broadcast %squeeze3A_139 : f32 to vector<16xf32>
        %mul3A_162 = arith.mulf %get3A_160, %mul3A_161 : vector<16xf32>
        %add3A_163 = arith.addf %mul3A_156, %mul3A_162 : vector<16xf32>
        %swap3A = arith.index_cast %scan3A_128 : i32 to index
        %swap3A_164 = arith.index_cast %add3A_150 : i32 to index
        %swap3A_165 = tpu.vector_load %arg14[%swap3A, %swap3A_164] {strides = array<i32>} : memref<16x1024xf32, #tpu.memory_space<vmem>>, vector<1x16xf32>,
        %swap3A_166 = vector.shape_cast %swap3A_165 : vector<1x16xf32> to vector<16xf32>
        %swap3A_167 = vector.shape_cast %add3A_163 : vector<16xf32> to vector<1x16xf32>
        tpu.vector_store %arg14[%swap3A, %swap3A_164], %swap3A_167 {strides = array<i32>} : memref<16x1024xf32, #tpu.memory_space<vmem>>, vector<1x16xf32>,
        %add3A_168 = arith.constant 16 : i32
        %add3A_169 = arith.addi %mul3A_148, %add3A_168 : i32
        %get3A_170 = arith.index_cast %scan3A_128 : i32 to index
        %get3A_171 = arith.index_cast %add3A_169 : i32 to index
        %get3A_172 = tpu.vector_load %arg14[%get3A_170, %get3A_171] {strides = array<i32>} : memref<16x1024xf32, #tpu.memory_space<vmem>>, vector<1x16xf32>,
        %get3A_173 = vector.shape_cast %get3A_172 : vector<1x16xf32> to vector<16xf32>
        %mul3A_174 = vector.broadcast %squeeze3A : f32 to vector<16xf32>
        %mul3A_175 = arith.mulf %get3A_173, %mul3A_174 : vector<16xf32>
        %get3A_176 = arith.index_cast %scan3A_128 : i32 to index
        %get3A_177 = arith.index_cast %add3A_169 : i32 to index
        %get3A_178 = tpu.vector_load %arg16[%get3A_176, %get3A_177] {strides = array<i32>} : memref<16x1024xf32, #tpu.memory_space<vmem>>, vector<1x16xf32>,
        %get3A_179 = vector.shape_cast %get3A_178 : vector<1x16xf32> to vector<16xf32>
        %mul3A_180 = vector.broadcast %squeeze3A_139 : f32 to vector<16xf32>
        %mul3A_181 = arith.mulf %get3A_179, %mul3A_180 : vector<16xf32>
        %add3A_182 = arith.addf %mul3A_175, %mul3A_181 : vector<16xf32>
        %swap3A_183 = arith.index_cast %scan3A_128 : i32 to index
        %swap3A_184 = arith.index_cast %add3A_169 : i32 to index
        %swap3A_185 = tpu.vector_load %arg14[%swap3A_183, %swap3A_184] {strides = array<i32>} : memref<16x1024xf32, #tpu.memory_space<vmem>>, vector<1x16xf32>,
        %swap3A_186 = vector.shape_cast %swap3A_185 : vector<1x16xf32> to vector<16xf32>
        %swap3A_187 = vector.shape_cast %add3A_182 : vector<16xf32> to vector<1x16xf32>
        tpu.vector_store %arg14[%swap3A_183, %swap3A_184], %swap3A_187 {strides = array<i32>} : memref<16x1024xf32, #tpu.memory_space<vmem>>, vector<1x16xf32>,
        %add3A_188 = arith.constant 32 : i32
        %add3A_189 = arith.addi %mul3A_148, %add3A_188 : i32
        %get3A_190 = arith.index_cast %scan3A_128 : i32 to index
        %get3A_191 = arith.index_cast %add3A_189 : i32 to index
        %get3A_192 = tpu.vector_load %arg14[%get3A_190, %get3A_191] {strides = array<i32>} : memref<16x1024xf32, #tpu.memory_space<vmem>>, vector<1x16xf32>,
        %get3A_193 = vector.shape_cast %get3A_192 : vector<1x16xf32> to vector<16xf32>
        %mul3A_194 = vector.broadcast %squeeze3A : f32 to vector<16xf32>
        %mul3A_195 = arith.mulf %get3A_193, %mul3A_194 : vector<16xf32>
        %get3A_196 = arith.index_cast %scan3A_128 : i32 to index
        %get3A_197 = arith.index_cast %add3A_189 : i32 to index
        %get3A_198 = tpu.vector_load %arg16[%get3A_196, %get3A_197] {strides = array<i32>} : memref<16x1024xf32, #tpu.memory_space<vmem>>, vector<1x16xf32>,
        %get3A_199 = vector.shape_cast %get3A_198 : vector<1x16xf32> to vector<16xf32>
        %mul3A_200 = vector.broadcast %squeeze3A_139 : f32 to vector<16xf32>
        %mul3A_201 = arith.mulf %get3A_199, %mul3A_200 : vector<16xf32>
        %add3A_202 = arith.addf %mul3A_195, %mul3A_201 : vector<16xf32>
        %swap3A_203 = arith.index_cast %scan3A_128 : i32 to index
        %swap3A_204 = arith.index_cast %add3A_189 : i32 to index
        %swap3A_205 = tpu.vector_load %arg14[%swap3A_203, %swap3A_204] {strides = array<i32>} : memref<16x1024xf32, #tpu.memory_space<vmem>>, vector<1x16xf32>,
        %swap3A_206 = vector.shape_cast %swap3A_205 : vector<1x16xf32> to vector<16xf32>
        %swap3A_207 = vector.shape_cast %add3A_202 : vector<16xf32> to vector<1x16xf32>
        tpu.vector_store %arg14[%swap3A_203, %swap3A_204], %swap3A_207 {strides = array<i32>} : memref<16x1024xf32, #tpu.memory_space<vmem>>, vector<1x16xf32>,
        %add3A_208 = arith.constant 48 : i32
        %add3A_209 = arith.addi %mul3A_148, %add3A_208 : i32
        %get3A_210 = arith.index_cast %scan3A_128 : i32 to index
        %get3A_211 = arith.index_cast %add3A_209 : i32 to index
        %get3A_212 = tpu.vector_load %arg14[%get3A_210, %get3A_211] {strides = array<i32>} : memref<16x1024xf32, #tpu.memory_space<vmem>>, vector<1x16xf32>,
        %get3A_213 = vector.shape_cast %get3A_212 : vector<1x16xf32> to vector<16xf32>
        %mul3A_214 = vector.broadcast %squeeze3A : f32 to vector<16xf32>
        %mul3A_215 = arith.mulf %get3A_213, %mul3A_214 : vector<16xf32>
        %get3A_216 = arith.index_cast %scan3A_128 : i32 to index
        %get3A_217 = arith.index_cast %add3A_209 : i32 to index
        %get3A_218 = tpu.vector_load %arg16[%get3A_216, %get3A_217] {strides = array<i32>} : memref<16x1024xf32, #tpu.memory_space<vmem>>, vector<1x16xf32>,
        %get3A_219 = vector.shape_cast %get3A_218 : vector<1x16xf32> to vector<16xf32>
        %mul3A_220 = vector.broadcast %squeeze3A_139 : f32 to vector<16xf32>
        %mul3A_221 = arith.mulf %get3A_219, %mul3A_220 : vector<16xf32>
        %add3A_222 = arith.addf %mul3A_215, %mul3A_221 : vector<16xf32>
        %swap3A_223 = arith.index_cast %scan3A_128 : i32 to index
        %swap3A_224 = arith.index_cast %add3A_209 : i32 to index
        %swap3A_225 = tpu.vector_load %arg14[%swap3A_223, %swap3A_224] {strides = array<i32>} : memref<16x1024xf32, #tpu.memory_space<vmem>>, vector<1x16xf32>,
        %swap3A_226 = vector.shape_cast %swap3A_225 : vector<1x16xf32> to vector<16xf32>
        %swap3A_227 = vector.shape_cast %add3A_222 : vector<16xf32> to vector<1x16xf32>
        tpu.vector_store %arg14[%swap3A_223, %swap3A_224], %swap3A_227 {strides = array<i32>} : memref<16x1024xf32, #tpu.memory_space<vmem>>, vector<1x16xf32>,
      }
      %scan3A_145 = arith.constant 16 : i32
    }
    %scan3A_93 = arith.constant 16 : i32
    %dma_start3A_94 = arith.constant 0 : i32
    %dma_start3A_95 = tpu.memref_slice %arg7[%add3A_81, %dma_start3A_94] : memref<2048x1024xf32, #tpu.memory_space<hbm>> -> memref<16x1024xf32, #tpu.memory_space<hbm>>
    %dma_start3A_96 = arith.constant 0 : i32
    %dma_start3A_97 = tpu.memref_slice %arg7[%add3A_81, %dma_start3A_96] : memref<2048x1024xf32, #tpu.memory_space<hbm>> -> memref<16x1024xf32, #tpu.memory_space<hbm>>
    tpu.enqueue_dma source(%arg14 : memref<16x1024xf32, #tpu.memory_space<vmem>>) target(%dma_start3A_97 : memref<16x1024xf32, #tpu.memory_space<hbm>>) target_semaphore(%arg22 : memref<!tpu.dma_semaphore, #tpu.memory_space<semaphore_mem>>)
    %add3A_98 = arith.constant 48 : i32
    %add3A_99 = arith.addi %mul3A_2, %add3A_98 : i32
    %dma_wait3A_100 = arith.constant 0 : i32
    %dma_wait3A_101 = arith.constant 0 : i32
    %dma_wait3A_102 = tpu.memref_slice %arg2[%dma_wait3A_100, %dma_wait3A_101] : memref<8928x1024xf32, #tpu.memory_space<hbm>> -> memref<8928x1024xf32, #tpu.memory_space<hbm>>
    tpu.wait_indirect_dma semaphore(%arg19 : memref<!tpu.dma_semaphore, #tpu.memory_space<semaphore_mem>>) src(%dma_wait3A_102 : memref<8928x1024xf32, #tpu.memory_space<hbm>>) dst(%arg15 : memref<16x1024xf32, #tpu.memory_space<vmem>>)
    %dma_wait3A_103 = arith.constant 0 : i32
    %dma_wait3A_104 = arith.constant 0 : i32
    %dma_wait3A_105 = tpu.memref_slice %arg2[%dma_wait3A_103, %dma_wait3A_104] : memref<8928x1024xf32, #tpu.memory_space<hbm>> -> memref<8928x1024xf32, #tpu.memory_space<hbm>>
    tpu.wait_indirect_dma semaphore(%arg21 : memref<!tpu.dma_semaphore, #tpu.memory_space<semaphore_mem>>) src(%dma_wait3A_105 : memref<8928x1024xf32, #tpu.memory_space<hbm>>) dst(%arg17 : memref<16x1024xf32, #tpu.memory_space<vmem>>)
    %scan3A_106 = arith.constant 0 : i32
    %scan3A_107 = arith.constant 0 : i32
    %scan3A_108 = arith.constant 16 : i32
    %scan3A_109 = arith.addi %scan3A_107, %scan3A_108 : i32
    %scan3A_110 = arith.constant 1 : i32
    scf.for %scan3A_128 = %scan3A_107 to %scan3A_109 step %scan3A_110  : i32 {
      %add3A_129 = arith.constant 48 : i32
      %add3A_130 = arith.addi %add3A_129, %scan3A_128 : i32
      %get3A = arith.index_cast %add3A_130 : i32 to index
      %get3A_131 = tpu.vector_load %arg8[%get3A] {strides = array<i32>} : memref<80xf32, #tpu.memory_space<vmem>>, vector<16xf32>,
      %get3A_132 = vector.shape_cast %get3A_131 : vector<16xf32> to vector<16xf32>
      %slice3A = vector.extract_strided_slice %get3A_132 {offsets = [0], sizes = [1], strides = [1]} : vector<16xf32> to vector<1xf32>
      %squeeze3A = vector.extract %slice3A[0] : f32 from vector<1xf32>
      %add3A_133 = arith.constant 48 : i32
      %add3A_134 = arith.addi %add3A_133, %scan3A_128 : i32
      %get3A_135 = arith.index_cast %add3A_134 : i32 to index
      %get3A_136 = tpu.vector_load %arg9[%get3A_135] {strides = array<i32>} : memref<80xf32, #tpu.memory_space<vmem>>, vector<16xf32>,
      %get3A_137 = vector.shape_cast %get3A_136 : vector<16xf32> to vector<16xf32>
      %slice3A_138 = vector.extract_strided_slice %get3A_137 {offsets = [0], sizes = [1], strides = [1]} : vector<16xf32> to vector<1xf32>
      %squeeze3A_139 = vector.extract %slice3A_138[0] : f32 from vector<1xf32>
      %scan3A_140 = arith.constant 0 : i32
      %scan3A_141 = arith.constant 0 : i32
      %scan3A_142 = arith.constant 16 : i32
      %scan3A_143 = arith.addi %scan3A_141, %scan3A_142 : i32
      %scan3A_144 = arith.constant 1 : i32
      scf.for %scan3A_146 = %scan3A_141 to %scan3A_143 step %scan3A_144  : i32 {
        %mul3A_147 = arith.constant 64 : i32
        %mul3A_148 = arith.muli %scan3A_146, %mul3A_147 : i32
        %add3A_149 = arith.constant 0 : i32
        %add3A_150 = arith.addi %mul3A_148, %add3A_149 : i32
        %get3A_151 = arith.index_cast %scan3A_128 : i32 to index
        %get3A_152 = arith.index_cast %add3A_150 : i32 to index
        %get3A_153 = tpu.vector_load %arg15[%get3A_151, %get3A_152] {strides = array<i32>} : memref<16x1024xf32, #tpu.memory_space<vmem>>, vector<1x16xf32>,
        %get3A_154 = vector.shape_cast %get3A_153 : vector<1x16xf32> to vector<16xf32>
        %mul3A_155 = vector.broadcast %squeeze3A : f32 to vector<16xf32>
        %mul3A_156 = arith.mulf %get3A_154, %mul3A_155 : vector<16xf32>
        %get3A_157 = arith.index_cast %scan3A_128 : i32 to index
        %get3A_158 = arith.index_cast %add3A_150 : i32 to index
        %get3A_159 = tpu.vector_load %arg17[%get3A_157, %get3A_158] {strides = array<i32>} : memref<16x1024xf32, #tpu.memory_space<vmem>>, vector<1x16xf32>,
        %get3A_160 = vector.shape_cast %get3A_159 : vector<1x16xf32> to vector<16xf32>
        %mul3A_161 = vector.broadcast %squeeze3A_139 : f32 to vector<16xf32>
        %mul3A_162 = arith.mulf %get3A_160, %mul3A_161 : vector<16xf32>
        %add3A_163 = arith.addf %mul3A_156, %mul3A_162 : vector<16xf32>
        %swap3A = arith.index_cast %scan3A_128 : i32 to index
        %swap3A_164 = arith.index_cast %add3A_150 : i32 to index
        %swap3A_165 = tpu.vector_load %arg15[%swap3A, %swap3A_164] {strides = array<i32>} : memref<16x1024xf32, #tpu.memory_space<vmem>>, vector<1x16xf32>,
        %swap3A_166 = vector.shape_cast %swap3A_165 : vector<1x16xf32> to vector<16xf32>
        %swap3A_167 = vector.shape_cast %add3A_163 : vector<16xf32> to vector<1x16xf32>
        tpu.vector_store %arg15[%swap3A, %swap3A_164], %swap3A_167 {strides = array<i32>} : memref<16x1024xf32, #tpu.memory_space<vmem>>, vector<1x16xf32>,
        %add3A_168 = arith.constant 16 : i32
        %add3A_169 = arith.addi %mul3A_148, %add3A_168 : i32
        %get3A_170 = arith.index_cast %scan3A_128 : i32 to index
        %get3A_171 = arith.index_cast %add3A_169 : i32 to index
        %get3A_172 = tpu.vector_load %arg15[%get3A_170, %get3A_171] {strides = array<i32>} : memref<16x1024xf32, #tpu.memory_space<vmem>>, vector<1x16xf32>,
        %get3A_173 = vector.shape_cast %get3A_172 : vector<1x16xf32> to vector<16xf32>
        %mul3A_174 = vector.broadcast %squeeze3A : f32 to vector<16xf32>
        %mul3A_175 = arith.mulf %get3A_173, %mul3A_174 : vector<16xf32>
        %get3A_176 = arith.index_cast %scan3A_128 : i32 to index
        %get3A_177 = arith.index_cast %add3A_169 : i32 to index
        %get3A_178 = tpu.vector_load %arg17[%get3A_176, %get3A_177] {strides = array<i32>} : memref<16x1024xf32, #tpu.memory_space<vmem>>, vector<1x16xf32>,
        %get3A_179 = vector.shape_cast %get3A_178 : vector<1x16xf32> to vector<16xf32>
        %mul3A_180 = vector.broadcast %squeeze3A_139 : f32 to vector<16xf32>
        %mul3A_181 = arith.mulf %get3A_179, %mul3A_180 : vector<16xf32>
        %add3A_182 = arith.addf %mul3A_175, %mul3A_181 : vector<16xf32>
        %swap3A_183 = arith.index_cast %scan3A_128 : i32 to index
        %swap3A_184 = arith.index_cast %add3A_169 : i32 to index
        %swap3A_185 = tpu.vector_load %arg15[%swap3A_183, %swap3A_184] {strides = array<i32>} : memref<16x1024xf32, #tpu.memory_space<vmem>>, vector<1x16xf32>,
        %swap3A_186 = vector.shape_cast %swap3A_185 : vector<1x16xf32> to vector<16xf32>
        %swap3A_187 = vector.shape_cast %add3A_182 : vector<16xf32> to vector<1x16xf32>
        tpu.vector_store %arg15[%swap3A_183, %swap3A_184], %swap3A_187 {strides = array<i32>} : memref<16x1024xf32, #tpu.memory_space<vmem>>, vector<1x16xf32>,
        %add3A_188 = arith.constant 32 : i32
        %add3A_189 = arith.addi %mul3A_148, %add3A_188 : i32
        %get3A_190 = arith.index_cast %scan3A_128 : i32 to index
        %get3A_191 = arith.index_cast %add3A_189 : i32 to index
        %get3A_192 = tpu.vector_load %arg15[%get3A_190, %get3A_191] {strides = array<i32>} : memref<16x1024xf32, #tpu.memory_space<vmem>>, vector<1x16xf32>,
        %get3A_193 = vector.shape_cast %get3A_192 : vector<1x16xf32> to vector<16xf32>
        %mul3A_194 = vector.broadcast %squeeze3A : f32 to vector<16xf32>
        %mul3A_195 = arith.mulf %get3A_193, %mul3A_194 : vector<16xf32>
        %get3A_196 = arith.index_cast %scan3A_128 : i32 to index
        %get3A_197 = arith.index_cast %add3A_189 : i32 to index
        %get3A_198 = tpu.vector_load %arg17[%get3A_196, %get3A_197] {strides = array<i32>} : memref<16x1024xf32, #tpu.memory_space<vmem>>, vector<1x16xf32>,
        %get3A_199 = vector.shape_cast %get3A_198 : vector<1x16xf32> to vector<16xf32>
        %mul3A_200 = vector.broadcast %squeeze3A_139 : f32 to vector<16xf32>
        %mul3A_201 = arith.mulf %get3A_199, %mul3A_200 : vector<16xf32>
        %add3A_202 = arith.addf %mul3A_195, %mul3A_201 : vector<16xf32>
        %swap3A_203 = arith.index_cast %scan3A_128 : i32 to index
        %swap3A_204 = arith.index_cast %add3A_189 : i32 to index
        %swap3A_205 = tpu.vector_load %arg15[%swap3A_203, %swap3A_204] {strides = array<i32>} : memref<16x1024xf32, #tpu.memory_space<vmem>>, vector<1x16xf32>,
        %swap3A_206 = vector.shape_cast %swap3A_205 : vector<1x16xf32> to vector<16xf32>
        %swap3A_207 = vector.shape_cast %add3A_202 : vector<16xf32> to vector<1x16xf32>
        tpu.vector_store %arg15[%swap3A_203, %swap3A_204], %swap3A_207 {strides = array<i32>} : memref<16x1024xf32, #tpu.memory_space<vmem>>, vector<1x16xf32>,
        %add3A_208 = arith.constant 48 : i32
        %add3A_209 = arith.addi %mul3A_148, %add3A_208 : i32
        %get3A_210 = arith.index_cast %scan3A_128 : i32 to index
        %get3A_211 = arith.index_cast %add3A_209 : i32 to index
        %get3A_212 = tpu.vector_load %arg15[%get3A_210, %get3A_211] {strides = array<i32>} : memref<16x1024xf32, #tpu.memory_space<vmem>>, vector<1x16xf32>,
        %get3A_213 = vector.shape_cast %get3A_212 : vector<1x16xf32> to vector<16xf32>
        %mul3A_214 = vector.broadcast %squeeze3A : f32 to vector<16xf32>
        %mul3A_215 = arith.mulf %get3A_213, %mul3A_214 : vector<16xf32>
        %get3A_216 = arith.index_cast %scan3A_128 : i32 to index
        %get3A_217 = arith.index_cast %add3A_209 : i32 to index
        %get3A_218 = tpu.vector_load %arg17[%get3A_216, %get3A_217] {strides = array<i32>} : memref<16x1024xf32, #tpu.memory_space<vmem>>, vector<1x16xf32>,
        %get3A_219 = vector.shape_cast %get3A_218 : vector<1x16xf32> to vector<16xf32>
        %mul3A_220 = vector.broadcast %squeeze3A_139 : f32 to vector<16xf32>
        %mul3A_221 = arith.mulf %get3A_219, %mul3A_220 : vector<16xf32>
        %add3A_222 = arith.addf %mul3A_215, %mul3A_221 : vector<16xf32>
        %swap3A_223 = arith.index_cast %scan3A_128 : i32 to index
        %swap3A_224 = arith.index_cast %add3A_209 : i32 to index
        %swap3A_225 = tpu.vector_load %arg15[%swap3A_223, %swap3A_224] {strides = array<i32>} : memref<16x1024xf32, #tpu.memory_space<vmem>>, vector<1x16xf32>,
        %swap3A_226 = vector.shape_cast %swap3A_225 : vector<1x16xf32> to vector<16xf32>
        %swap3A_227 = vector.shape_cast %add3A_222 : vector<16xf32> to vector<1x16xf32>
        tpu.vector_store %arg15[%swap3A_223, %swap3A_224], %swap3A_227 {strides = array<i32>} : memref<16x1024xf32, #tpu.memory_space<vmem>>, vector<1x16xf32>,
      }
      %scan3A_145 = arith.constant 16 : i32
    }
    %scan3A_111 = arith.constant 16 : i32
    %dma_start3A_112 = arith.constant 0 : i32
    %dma_start3A_113 = tpu.memref_slice %arg7[%add3A_99, %dma_start3A_112] : memref<2048x1024xf32, #tpu.memory_space<hbm>> -> memref<16x1024xf32, #tpu.memory_space<hbm>>
    %dma_start3A_114 = arith.constant 0 : i32
    %dma_start3A_115 = tpu.memref_slice %arg7[%add3A_99, %dma_start3A_114] : memref<2048x1024xf32, #tpu.memory_space<hbm>> -> memref<16x1024xf32, #tpu.memory_space<hbm>>
    tpu.enqueue_dma source(%arg15 : memref<16x1024xf32, #tpu.memory_space<vmem>>) target(%dma_start3A_115 : memref<16x1024xf32, #tpu.memory_space<hbm>>) target_semaphore(%arg23 : memref<!tpu.dma_semaphore, #tpu.memory_space<semaphore_mem>>)
    %add3A_116 = arith.constant 32 : i32
    %add3A_117 = arith.addi %mul3A_2, %add3A_116 : i32
    %dma_wait3A_118 = arith.constant 0 : i32
    %dma_wait3A_119 = tpu.memref_slice %arg7[%add3A_117, %dma_wait3A_118] : memref<2048x1024xf32, #tpu.memory_space<hbm>> -> memref<16x1024xf32, #tpu.memory_space<hbm>>
    %dma_wait3A_120 = arith.constant 0 : i32
    %dma_wait3A_121 = tpu.memref_slice %arg7[%add3A_117, %dma_wait3A_120] : memref<2048x1024xf32, #tpu.memory_space<hbm>> -> memref<16x1024xf32, #tpu.memory_space<hbm>>
    tpu.wait_dma2 semaphore(%arg22 : memref<!tpu.dma_semaphore, #tpu.memory_space<semaphore_mem>>) src(%arg14 : memref<16x1024xf32, #tpu.memory_space<vmem>>) dst(%dma_wait3A_121 : memref<16x1024xf32, #tpu.memory_space<hbm>>)
    %add3A_122 = arith.constant 48 : i32
    %add3A_123 = arith.addi %mul3A_2, %add3A_122 : i32
    %dma_wait3A_124 = arith.constant 0 : i32
    %dma_wait3A_125 = tpu.memref_slice %arg7[%add3A_123, %dma_wait3A_124] : memref<2048x1024xf32, #tpu.memory_space<hbm>> -> memref<16x1024xf32, #tpu.memory_space<hbm>>
    %dma_wait3A_126 = arith.constant 0 : i32
    %dma_wait3A_127 = tpu.memref_slice %arg7[%add3A_123, %dma_wait3A_126] : memref<2048x1024xf32, #tpu.memory_space<hbm>> -> memref<16x1024xf32, #tpu.memory_space<hbm>>
    tpu.wait_dma2 semaphore(%arg23 : memref<!tpu.dma_semaphore, #tpu.memory_space<semaphore_mem>>) src(%arg15 : memref<16x1024xf32, #tpu.memory_space<vmem>>) dst(%dma_wait3A_127 : memref<16x1024xf32, #tpu.memory_space<hbm>>)
    return
  }
}

#map = affine_map<(d0, d1) -> (0, 0)>
#map1 = affine_map<(d0, d1) -> (0)>
module attributes {stable_mosaic.version = 14 : i64} {
  func.func @k(%arg0: i32, %arg1: i32, %arg2: memref<2048x1024xf32, #tpu.memory_space<hbm>>, %arg3: memref<2048xi32, #tpu.memory_space<hbm>>, %arg4: memref<2048xi32, #tpu.memory_space<hbm>>, %arg5: memref<8928x1024xf32, #tpu.memory_space<hbm>>, %arg6: memref<32xi32, #tpu.memory_space<vmem>>, %arg7: memref<32xi32, #tpu.memory_space<vmem>>, %arg8: memref<32xi32, #tpu.memory_space<vmem>>, %arg9: memref<32xi32, #tpu.memory_space<vmem>>, %arg10: memref<32x1024xf32, #tpu.memory_space<vmem>>, %arg11: memref<32x1024xf32, #tpu.memory_space<vmem>>, %arg12: memref<!tpu.dma_semaphore, #tpu.memory_space<semaphore_mem>>, %arg13: memref<!tpu.dma_semaphore, #tpu.memory_space<semaphore_mem>>, %arg14: memref<!tpu.dma_semaphore, #tpu.memory_space<semaphore_mem>>, %arg15: memref<!tpu.dma_semaphore, #tpu.memory_space<semaphore_mem>>, %arg16: memref<!tpu.dma_semaphore, #tpu.memory_space<semaphore_mem>>, %arg17: memref<!tpu.dma_semaphore, #tpu.memory_space<semaphore_mem>>) attributes {dimension_semantics = [#tpu.dimension_semantics<core_parallel>, #tpu.dimension_semantics<subcore_parallel>], iteration_bounds = array<i64: 2, 16>, scalar_prefetch = 0 : i64, scratch_operands = 12 : i64, tpu.core_type = #tpu.core_type<sc_vector_subcore>, window_params = [{transform_indices = #map}, {transform_indices = #map1}, {transform_indices = #map1}, {transform_indices = #map}]} {
    %mul3A = arith.constant 2 : i32
    %mul3A_0 = arith.muli %arg1, %mul3A : i32
    %add3A = arith.addi %mul3A_0, %arg0 : i32
    %mul3A_1 = arith.constant 64 : i32
    %mul3A_2 = arith.muli %add3A, %mul3A_1 : i32
    %add3A_3 = arith.constant 0 : i32
    %add3A_4 = arith.addi %mul3A_2, %add3A_3 : i32
    %dma_start3A = arith.constant 0 : i32
    %dma_start3A_5 = tpu.memref_slice %arg2[%add3A_4, %dma_start3A] : memref<2048x1024xf32, #tpu.memory_space<hbm>> -> memref<32x1024xf32, #tpu.memory_space<hbm>>
    %dma_start3A_6 = arith.constant 0 : i32
    %dma_start3A_7 = tpu.memref_slice %arg2[%add3A_4, %dma_start3A_6] : memref<2048x1024xf32, #tpu.memory_space<hbm>> -> memref<32x1024xf32, #tpu.memory_space<hbm>>
    tpu.enqueue_dma source(%dma_start3A_7 : memref<32x1024xf32, #tpu.memory_space<hbm>>) target(%arg10 : memref<32x1024xf32, #tpu.memory_space<vmem>>) target_semaphore(%arg12 : memref<!tpu.dma_semaphore, #tpu.memory_space<semaphore_mem>>)
    "tpu.region"() ({
      %run_scoped3A = tpu.sem_alloc : memref<!tpu.dma_semaphore, #tpu.memory_space<semaphore_mem>>
      %dma_start3A_49 = tpu.memref_slice %arg3[%add3A_4] : memref<2048xi32, #tpu.memory_space<hbm>> -> memref<32xi32, #tpu.memory_space<hbm>>
      %dma_start3A_50 = tpu.memref_slice %arg3[%add3A_4] : memref<2048xi32, #tpu.memory_space<hbm>> -> memref<32xi32, #tpu.memory_space<hbm>>
      tpu.enqueue_dma source(%dma_start3A_50 : memref<32xi32, #tpu.memory_space<hbm>>) target(%arg6 : memref<32xi32, #tpu.memory_space<vmem>>) target_semaphore(%run_scoped3A : memref<!tpu.dma_semaphore, #tpu.memory_space<semaphore_mem>>)
      %dma_wait3A_51 = tpu.memref_slice %arg3[%add3A_4] : memref<2048xi32, #tpu.memory_space<hbm>> -> memref<32xi32, #tpu.memory_space<hbm>>
      %dma_wait3A_52 = tpu.memref_slice %arg3[%add3A_4] : memref<2048xi32, #tpu.memory_space<hbm>> -> memref<32xi32, #tpu.memory_space<hbm>>
      tpu.wait_dma2 semaphore(%run_scoped3A : memref<!tpu.dma_semaphore, #tpu.memory_space<semaphore_mem>>) src(%dma_wait3A_52 : memref<32xi32, #tpu.memory_space<hbm>>) dst(%arg6 : memref<32xi32, #tpu.memory_space<vmem>>)
      tpu.yield
    }) : () -> ()
    "tpu.region"() ({
      %run_scoped3A = tpu.sem_alloc : memref<!tpu.dma_semaphore, #tpu.memory_space<semaphore_mem>>
      %dma_start3A_49 = tpu.memref_slice %arg4[%add3A_4] : memref<2048xi32, #tpu.memory_space<hbm>> -> memref<32xi32, #tpu.memory_space<hbm>>
      %dma_start3A_50 = tpu.memref_slice %arg4[%add3A_4] : memref<2048xi32, #tpu.memory_space<hbm>> -> memref<32xi32, #tpu.memory_space<hbm>>
      tpu.enqueue_dma source(%dma_start3A_50 : memref<32xi32, #tpu.memory_space<hbm>>) target(%arg8 : memref<32xi32, #tpu.memory_space<vmem>>) target_semaphore(%run_scoped3A : memref<!tpu.dma_semaphore, #tpu.memory_space<semaphore_mem>>)
      %dma_wait3A_51 = tpu.memref_slice %arg4[%add3A_4] : memref<2048xi32, #tpu.memory_space<hbm>> -> memref<32xi32, #tpu.memory_space<hbm>>
      %dma_wait3A_52 = tpu.memref_slice %arg4[%add3A_4] : memref<2048xi32, #tpu.memory_space<hbm>> -> memref<32xi32, #tpu.memory_space<hbm>>
      tpu.wait_dma2 semaphore(%run_scoped3A : memref<!tpu.dma_semaphore, #tpu.memory_space<semaphore_mem>>) src(%dma_wait3A_52 : memref<32xi32, #tpu.memory_space<hbm>>) dst(%arg8 : memref<32xi32, #tpu.memory_space<vmem>>)
      tpu.yield
    }) : () -> ()
    %add3A_8 = arith.constant 32 : i32
    %add3A_9 = arith.addi %mul3A_2, %add3A_8 : i32
    %dma_start3A_10 = arith.constant 0 : i32
    %dma_start3A_11 = tpu.memref_slice %arg2[%add3A_9, %dma_start3A_10] : memref<2048x1024xf32, #tpu.memory_space<hbm>> -> memref<32x1024xf32, #tpu.memory_space<hbm>>
    %dma_start3A_12 = arith.constant 0 : i32
    %dma_start3A_13 = tpu.memref_slice %arg2[%add3A_9, %dma_start3A_12] : memref<2048x1024xf32, #tpu.memory_space<hbm>> -> memref<32x1024xf32, #tpu.memory_space<hbm>>
    tpu.enqueue_dma source(%dma_start3A_13 : memref<32x1024xf32, #tpu.memory_space<hbm>>) target(%arg11 : memref<32x1024xf32, #tpu.memory_space<vmem>>) target_semaphore(%arg13 : memref<!tpu.dma_semaphore, #tpu.memory_space<semaphore_mem>>)
    "tpu.region"() ({
      %run_scoped3A = tpu.sem_alloc : memref<!tpu.dma_semaphore, #tpu.memory_space<semaphore_mem>>
      %dma_start3A_49 = tpu.memref_slice %arg3[%add3A_9] : memref<2048xi32, #tpu.memory_space<hbm>> -> memref<32xi32, #tpu.memory_space<hbm>>
      %dma_start3A_50 = tpu.memref_slice %arg3[%add3A_9] : memref<2048xi32, #tpu.memory_space<hbm>> -> memref<32xi32, #tpu.memory_space<hbm>>
      tpu.enqueue_dma source(%dma_start3A_50 : memref<32xi32, #tpu.memory_space<hbm>>) target(%arg7 : memref<32xi32, #tpu.memory_space<vmem>>) target_semaphore(%run_scoped3A : memref<!tpu.dma_semaphore, #tpu.memory_space<semaphore_mem>>)
      %dma_wait3A_51 = tpu.memref_slice %arg3[%add3A_9] : memref<2048xi32, #tpu.memory_space<hbm>> -> memref<32xi32, #tpu.memory_space<hbm>>
      %dma_wait3A_52 = tpu.memref_slice %arg3[%add3A_9] : memref<2048xi32, #tpu.memory_space<hbm>> -> memref<32xi32, #tpu.memory_space<hbm>>
      tpu.wait_dma2 semaphore(%run_scoped3A : memref<!tpu.dma_semaphore, #tpu.memory_space<semaphore_mem>>) src(%dma_wait3A_52 : memref<32xi32, #tpu.memory_space<hbm>>) dst(%arg7 : memref<32xi32, #tpu.memory_space<vmem>>)
      tpu.yield
    }) : () -> ()
    "tpu.region"() ({
      %run_scoped3A = tpu.sem_alloc : memref<!tpu.dma_semaphore, #tpu.memory_space<semaphore_mem>>
      %dma_start3A_49 = tpu.memref_slice %arg4[%add3A_9] : memref<2048xi32, #tpu.memory_space<hbm>> -> memref<32xi32, #tpu.memory_space<hbm>>
      %dma_start3A_50 = tpu.memref_slice %arg4[%add3A_9] : memref<2048xi32, #tpu.memory_space<hbm>> -> memref<32xi32, #tpu.memory_space<hbm>>
      tpu.enqueue_dma source(%dma_start3A_50 : memref<32xi32, #tpu.memory_space<hbm>>) target(%arg9 : memref<32xi32, #tpu.memory_space<vmem>>) target_semaphore(%run_scoped3A : memref<!tpu.dma_semaphore, #tpu.memory_space<semaphore_mem>>)
      %dma_wait3A_51 = tpu.memref_slice %arg4[%add3A_9] : memref<2048xi32, #tpu.memory_space<hbm>> -> memref<32xi32, #tpu.memory_space<hbm>>
      %dma_wait3A_52 = tpu.memref_slice %arg4[%add3A_9] : memref<2048xi32, #tpu.memory_space<hbm>> -> memref<32xi32, #tpu.memory_space<hbm>>
      tpu.wait_dma2 semaphore(%run_scoped3A : memref<!tpu.dma_semaphore, #tpu.memory_space<semaphore_mem>>) src(%dma_wait3A_52 : memref<32xi32, #tpu.memory_space<hbm>>) dst(%arg9 : memref<32xi32, #tpu.memory_space<vmem>>)
      tpu.yield
    }) : () -> ()
    %add3A_14 = arith.constant 0 : i32
    %add3A_15 = arith.addi %mul3A_2, %add3A_14 : i32
    %dma_wait3A = arith.constant 0 : i32
    %dma_wait3A_16 = tpu.memref_slice %arg2[%add3A_15, %dma_wait3A] : memref<2048x1024xf32, #tpu.memory_space<hbm>> -> memref<32x1024xf32, #tpu.memory_space<hbm>>
    %dma_wait3A_17 = arith.constant 0 : i32
    %dma_wait3A_18 = tpu.memref_slice %arg2[%add3A_15, %dma_wait3A_17] : memref<2048x1024xf32, #tpu.memory_space<hbm>> -> memref<32x1024xf32, #tpu.memory_space<hbm>>
    tpu.wait_dma2 semaphore(%arg12 : memref<!tpu.dma_semaphore, #tpu.memory_space<semaphore_mem>>) src(%dma_wait3A_18 : memref<32x1024xf32, #tpu.memory_space<hbm>>) dst(%arg10 : memref<32x1024xf32, #tpu.memory_space<vmem>>)
    %dma_start3A_19 = arith.constant 0 : i32
    %dma_start3A_20 = arith.constant 0 : i32
    %dma_start3A_21 = tpu.memref_slice %arg5[%dma_start3A_19, %dma_start3A_20] : memref<8928x1024xf32, #tpu.memory_space<hbm>> -> memref<8928x1024xf32, #tpu.memory_space<hbm>>
    tpu.enqueue_indirect_dma source(%arg10 : memref<32x1024xf32, #tpu.memory_space<vmem>>) target(%dma_start3A_21 : memref<8928x1024xf32, #tpu.memory_space<hbm>>) offsets(%arg6 : memref<32xi32, #tpu.memory_space<vmem>>) semaphore(%arg14 : memref<!tpu.dma_semaphore, #tpu.memory_space<semaphore_mem>>)
    %dma_start3A_22 = arith.constant 0 : i32
    %dma_start3A_23 = arith.constant 0 : i32
    %dma_start3A_24 = tpu.memref_slice %arg5[%dma_start3A_22, %dma_start3A_23] : memref<8928x1024xf32, #tpu.memory_space<hbm>> -> memref<8928x1024xf32, #tpu.memory_space<hbm>>
    tpu.enqueue_indirect_dma source(%arg10 : memref<32x1024xf32, #tpu.memory_space<vmem>>) target(%dma_start3A_24 : memref<8928x1024xf32, #tpu.memory_space<hbm>>) offsets(%arg8 : memref<32xi32, #tpu.memory_space<vmem>>) semaphore(%arg16 : memref<!tpu.dma_semaphore, #tpu.memory_space<semaphore_mem>>)
    %add3A_25 = arith.constant 32 : i32
    %add3A_26 = arith.addi %mul3A_2, %add3A_25 : i32
    %dma_wait3A_27 = arith.constant 0 : i32
    %dma_wait3A_28 = tpu.memref_slice %arg2[%add3A_26, %dma_wait3A_27] : memref<2048x1024xf32, #tpu.memory_space<hbm>> -> memref<32x1024xf32, #tpu.memory_space<hbm>>
    %dma_wait3A_29 = arith.constant 0 : i32
    %dma_wait3A_30 = tpu.memref_slice %arg2[%add3A_26, %dma_wait3A_29] : memref<2048x1024xf32, #tpu.memory_space<hbm>> -> memref<32x1024xf32, #tpu.memory_space<hbm>>
    tpu.wait_dma2 semaphore(%arg13 : memref<!tpu.dma_semaphore, #tpu.memory_space<semaphore_mem>>) src(%dma_wait3A_30 : memref<32x1024xf32, #tpu.memory_space<hbm>>) dst(%arg11 : memref<32x1024xf32, #tpu.memory_space<vmem>>)
    %dma_start3A_31 = arith.constant 0 : i32
    %dma_start3A_32 = arith.constant 0 : i32
    %dma_start3A_33 = tpu.memref_slice %arg5[%dma_start3A_31, %dma_start3A_32] : memref<8928x1024xf32, #tpu.memory_space<hbm>> -> memref<8928x1024xf32, #tpu.memory_space<hbm>>
    tpu.enqueue_indirect_dma source(%arg11 : memref<32x1024xf32, #tpu.memory_space<vmem>>) target(%dma_start3A_33 : memref<8928x1024xf32, #tpu.memory_space<hbm>>) offsets(%arg7 : memref<32xi32, #tpu.memory_space<vmem>>) semaphore(%arg15 : memref<!tpu.dma_semaphore, #tpu.memory_space<semaphore_mem>>)
    %dma_start3A_34 = arith.constant 0 : i32
    %dma_start3A_35 = arith.constant 0 : i32
    %dma_start3A_36 = tpu.memref_slice %arg5[%dma_start3A_34, %dma_start3A_35] : memref<8928x1024xf32, #tpu.memory_space<hbm>> -> memref<8928x1024xf32, #tpu.memory_space<hbm>>
    tpu.enqueue_indirect_dma source(%arg11 : memref<32x1024xf32, #tpu.memory_space<vmem>>) target(%dma_start3A_36 : memref<8928x1024xf32, #tpu.memory_space<hbm>>) offsets(%arg9 : memref<32xi32, #tpu.memory_space<vmem>>) semaphore(%arg17 : memref<!tpu.dma_semaphore, #tpu.memory_space<semaphore_mem>>)
    %dma_wait3A_37 = arith.constant 0 : i32
    %dma_wait3A_38 = arith.constant 0 : i32
    %dma_wait3A_39 = tpu.memref_slice %arg5[%dma_wait3A_37, %dma_wait3A_38] : memref<8928x1024xf32, #tpu.memory_space<hbm>> -> memref<8928x1024xf32, #tpu.memory_space<hbm>>
    tpu.wait_indirect_dma semaphore(%arg14 : memref<!tpu.dma_semaphore, #tpu.memory_space<semaphore_mem>>) src(%arg10 : memref<32x1024xf32, #tpu.memory_space<vmem>>) dst(%dma_wait3A_39 : memref<8928x1024xf32, #tpu.memory_space<hbm>>)
    %dma_wait3A_40 = arith.constant 0 : i32
    %dma_wait3A_41 = arith.constant 0 : i32
    %dma_wait3A_42 = tpu.memref_slice %arg5[%dma_wait3A_40, %dma_wait3A_41] : memref<8928x1024xf32, #tpu.memory_space<hbm>> -> memref<8928x1024xf32, #tpu.memory_space<hbm>>
    tpu.wait_indirect_dma semaphore(%arg16 : memref<!tpu.dma_semaphore, #tpu.memory_space<semaphore_mem>>) src(%arg10 : memref<32x1024xf32, #tpu.memory_space<vmem>>) dst(%dma_wait3A_42 : memref<8928x1024xf32, #tpu.memory_space<hbm>>)
    %dma_wait3A_43 = arith.constant 0 : i32
    %dma_wait3A_44 = arith.constant 0 : i32
    %dma_wait3A_45 = tpu.memref_slice %arg5[%dma_wait3A_43, %dma_wait3A_44] : memref<8928x1024xf32, #tpu.memory_space<hbm>> -> memref<8928x1024xf32, #tpu.memory_space<hbm>>
    tpu.wait_indirect_dma semaphore(%arg15 : memref<!tpu.dma_semaphore, #tpu.memory_space<semaphore_mem>>) src(%arg11 : memref<32x1024xf32, #tpu.memory_space<vmem>>) dst(%dma_wait3A_45 : memref<8928x1024xf32, #tpu.memory_space<hbm>>)
    %dma_wait3A_46 = arith.constant 0 : i32
    %dma_wait3A_47 = arith.constant 0 : i32
    %dma_wait3A_48 = tpu.memref_slice %arg5[%dma_wait3A_46, %dma_wait3A_47] : memref<8928x1024xf32, #tpu.memory_space<hbm>> -> memref<8928x1024xf32, #tpu.memory_space<hbm>>
    tpu.wait_indirect_dma semaphore(%arg17 : memref<!tpu.dma_semaphore, #tpu.memory_space<semaphore_mem>>) src(%arg11 : memref<32x1024xf32, #tpu.memory_space<vmem>>) dst(%dma_wait3A_48 : memref<8928x1024xf32, #tpu.memory_space<hbm>>)
    return
  }
}

module attributes {stable_mosaic.version = 14 : i64} {
  func.func @_router_body(%arg0: memref<2048x1024xf32, #tpu.memory_space<vmem>>, %arg1: memref<16x1024xf32, #tpu.memory_space<vmem>>, %arg2: memref<2048x16xf32, #tpu.memory_space<vmem>>, %arg3: memref<2048x2xf32, #tpu.memory_space<vmem>>, %arg4: memref<2048x2xi32, #tpu.memory_space<vmem>>, %arg5: memref<31x1xi32, #tpu.memory_space<vmem>>, %arg6: memref<31x1xi32, #tpu.memory_space<vmem>>, %arg7: memref<2048x16xf32, #tpu.memory_space<vmem>>, %arg8: memref<2048x16xf32, #tpu.memory_space<vmem>>) attributes {dimension_semantics = [], scalar_prefetch = 0 : i64, scratch_operands = 2 : i64, tpu.core_type = #tpu.core_type<tc>} {
    %get3A = arith.constant 0 : index
    %get3A_0 = arith.constant 0 : index
    %get3A_1 = vector.load %arg0[%get3A, %get3A_0] : memref<2048x1024xf32, #tpu.memory_space<vmem>>, vector<2048x1024xf32>
    %get3A_2 = arith.constant 0 : index
    %get3A_3 = arith.constant 0 : index
    %get3A_4 = vector.load %arg1[%get3A_2, %get3A_3] : memref<16x1024xf32, #tpu.memory_space<vmem>>, vector<16x1024xf32>
    %dot_general3A = arith.constant dense<0.000000e+00> : vector<2048x16xf32>
    %dot_general3A_5 = tpu.matmul %get3A_1, %get3A_4, %dot_general3A {dimension_numbers = #tpu.dot_dimension_numbers<[1], [1], [0], [0], [0, 0, 1, 0], [], []>, transpose_lhs_hint = false} : vector<2048x1024xf32>, vector<16x1024xf32>, vector<2048x16xf32> -> vector<2048x16xf32>
    %swap3A = arith.constant 0 : index
    %swap3A_6 = arith.constant 0 : index
    %swap3A_7 = vector.load %arg2[%swap3A, %swap3A_6] : memref<2048x16xf32, #tpu.memory_space<vmem>>, vector<2048x16xf32>
    tpu.vector_store %arg2[%swap3A, %swap3A_6], %dot_general3A_5 {strides = array<i32>} : memref<2048x16xf32, #tpu.memory_space<vmem>>, vector<2048x16xf32>,
    %iota3A = tpu.iota {dimensions = array<i32: 1>} : vector<2048x16xi32>
    %reduce_max3A = arith.constant dense<0xFF800000> : vector<2048xf32>
    %reduce_max3A_8 = vector.multi_reduction <maximumf>, %dot_general3A_5, %reduce_max3A [1] : vector<2048x16xf32> to vector<2048xf32>
    %broadcast_in_dim3A = vector.shape_cast %reduce_max3A_8 : vector<2048xf32> to vector<2048x1xf32>
    %eq3A = vector.broadcast %broadcast_in_dim3A : vector<2048x1xf32> to vector<2048x16xf32>
    %eq3A_9 = arith.cmpf oeq, %dot_general3A_5, %eq3A : vector<2048x16xf32>
    %jit3A = arith.constant 16 : i32
    %broadcast_in_dim3A_10 = vector.broadcast %jit3A : i32 to vector<2048x16xi32>
    %select_n3A = arith.select %eq3A_9, %iota3A, %broadcast_in_dim3A_10 : vector<2048x16xi1>, vector<2048x16xi32>
    %reduce_min3A = arith.constant dense<2147483647> : vector<2048xi32>
    %reduce_min3A_11 = vector.multi_reduction <minsi>, %select_n3A, %reduce_min3A [1] : vector<2048x16xi32> to vector<2048xi32>
    %broadcast_in_dim3A_12 = vector.shape_cast %reduce_min3A_11 : vector<2048xi32> to vector<2048x1xi32>
    %eq3A_13 = vector.broadcast %broadcast_in_dim3A_12 : vector<2048x1xi32> to vector<2048x16xi32>
    %eq3A_14 = arith.cmpi eq, %iota3A, %eq3A_13 : vector<2048x16xi32>
    %jit3A_15 = arith.constant 0xFF800000 : f32
    %broadcast_in_dim3A_16 = vector.broadcast %jit3A_15 : f32 to vector<2048x16xf32>
    %select_n3A_17 = arith.select %eq3A_14, %broadcast_in_dim3A_16, %dot_general3A_5 : vector<2048x16xi1>, vector<2048x16xf32>
    %reduce_max3A_18 = arith.constant dense<0xFF800000> : vector<2048xf32>
    %reduce_max3A_19 = vector.multi_reduction <maximumf>, %select_n3A_17, %reduce_max3A_18 [1] : vector<2048x16xf32> to vector<2048xf32>
    %broadcast_in_dim3A_20 = vector.shape_cast %reduce_max3A_19 : vector<2048xf32> to vector<2048x1xf32>
    %eq3A_21 = vector.broadcast %broadcast_in_dim3A_20 : vector<2048x1xf32> to vector<2048x16xf32>
    %eq3A_22 = arith.cmpf oeq, %select_n3A_17, %eq3A_21 : vector<2048x16xf32>
    %jit3A_23 = arith.constant 16 : i32
    %broadcast_in_dim3A_24 = vector.broadcast %jit3A_23 : i32 to vector<2048x16xi32>
    %select_n3A_25 = arith.select %eq3A_22, %iota3A, %broadcast_in_dim3A_24 : vector<2048x16xi1>, vector<2048x16xi32>
    %reduce_min3A_26 = arith.constant dense<2147483647> : vector<2048xi32>
    %reduce_min3A_27 = vector.multi_reduction <minsi>, %select_n3A_25, %reduce_min3A_26 [1] : vector<2048x16xi32> to vector<2048xi32>
    %broadcast_in_dim3A_28 = vector.shape_cast %reduce_min3A_27 : vector<2048xi32> to vector<2048x1xi32>
    %sub3A = arith.subf %broadcast_in_dim3A, %broadcast_in_dim3A_20 : vector<2048x1xf32>
    %logistic3A = arith.negf %sub3A : vector<2048x1xf32>
    %logistic3A_29 = math.exp %logistic3A : vector<2048x1xf32>
    %logistic3A_30 = arith.constant 1.000000e+00 : f32
    %logistic3A_31 = vector.broadcast %logistic3A_30 : f32 to vector<2048x1xf32>
    %logistic3A_32 = arith.addf %logistic3A_31, %logistic3A_29 : vector<2048x1xf32>
    %logistic3A_33 = arith.divf %logistic3A_31, %logistic3A_32 : vector<2048x1xf32>
    %sub3A_34 = arith.constant 1.000000e+00 : f32
    %sub3A_35 = vector.broadcast %sub3A_34 : f32 to vector<2048x1xf32>
    %sub3A_36 = arith.subf %sub3A_35, %logistic3A_33 : vector<2048x1xf32>
    %concatenate3A = tpu.concatenate %logistic3A_33, %sub3A_36 in 1 : vector<2048x1xf32>, vector<2048x1xf32> -> vector<2048x2xf32>
    %swap3A_37 = arith.constant 0 : index
    %swap3A_38 = arith.constant 0 : index
    %swap3A_39 = vector.load %arg3[%swap3A_37, %swap3A_38] : memref<2048x2xf32, #tpu.memory_space<vmem>>, vector<2048x2xf32>
    tpu.vector_store %arg3[%swap3A_37, %swap3A_38], %concatenate3A {strides = array<i32>} : memref<2048x2xf32, #tpu.memory_space<vmem>>, vector<2048x2xf32>,
    %eq3A_40 = vector.broadcast %broadcast_in_dim3A_12 : vector<2048x1xi32> to vector<2048x16xi32>
    %eq3A_41 = arith.cmpi eq, %iota3A, %eq3A_40 : vector<2048x16xi32>
    %convert_element_type3A = arith.extui %eq3A_41 : vector<2048x16xi1> to vector<2048x16xi32>
    %convert_element_type3A_42 = arith.sitofp %convert_element_type3A : vector<2048x16xi32> to vector<2048x16xf32>
    %eq3A_43 = vector.broadcast %broadcast_in_dim3A_28 : vector<2048x1xi32> to vector<2048x16xi32>
    %eq3A_44 = arith.cmpi eq, %iota3A, %eq3A_43 : vector<2048x16xi32>
    %convert_element_type3A_45 = arith.extui %eq3A_44 : vector<2048x16xi1> to vector<2048x16xi32>
    %convert_element_type3A_46 = arith.sitofp %convert_element_type3A_45 : vector<2048x16xi32> to vector<2048x16xf32>
    %add3A = arith.addf %convert_element_type3A_42, %convert_element_type3A_46 : vector<2048x16xf32>
    %swap3A_47 = arith.constant 0 : index
    %swap3A_48 = arith.constant 0 : index
    %swap3A_49 = vector.load %arg7[%swap3A_47, %swap3A_48] : memref<2048x16xf32, #tpu.memory_space<vmem>>, vector<2048x16xf32>
    tpu.vector_store %arg7[%swap3A_47, %swap3A_48], %add3A {strides = array<i32>} : memref<2048x16xf32, #tpu.memory_space<vmem>>, vector<2048x16xf32>,
    %iota3A_50 = tpu.iota {dimensions = array<i32: 0>} : vector<128x128xi32>
    %iota3A_51 = tpu.iota {dimensions = array<i32: 1>} : vector<128x128xi32>
    %lt3A = arith.cmpi slt, %iota3A_51, %iota3A_50 : vector<128x128xi32>
    %convert_element_type3A_52 = arith.extui %lt3A : vector<128x128xi1> to vector<128x128xi32>
    %convert_element_type3A_53 = arith.sitofp %convert_element_type3A_52 : vector<128x128xi32> to vector<128x128xf32>
    %broadcast_in_dim3A_54 = arith.constant 0.000000e+00 : f32
    %broadcast_in_dim3A_55 = vector.broadcast %broadcast_in_dim3A_54 : f32 to vector<1x16xf32>
    %scan3A = arith.constant 0 : i32
    %scan3A_56 = arith.constant 16 : i32
    %scan3A_57 = arith.addi %scan3A, %scan3A_56 : i32
    %scan3A_58 = arith.constant 1 : i32
    %scan3A_59 = scf.for %scan3A_120 = %scan3A to %scan3A_57 step %scan3A_58 iter_args(%scan3A_121 = %broadcast_in_dim3A_55) -> (vector<1x16xf32>)  : i32 {
      %mul3A_122 = arith.constant 128 : i32
      %mul3A_123 = arith.muli %scan3A_120, %mul3A_122 : i32
      %get3A_124 = arith.index_cast %mul3A_123 : i32 to index
      %get3A_125 = arith.constant 0 : index
      %get3A_126 = vector.load %arg7[%get3A_124, %get3A_125] : memref<2048x16xf32, #tpu.memory_space<vmem>>, vector<128x16xf32>
      %dot_general3A_127 = arith.constant dense<0.000000e+00> : vector<128x16xf32>
      %dot_general3A_128 = tpu.matmul %convert_element_type3A_53, %get3A_126, %dot_general3A_127 {dimension_numbers = #tpu.dot_dimension_numbers<[1], [0], [0], [1], [0, 0, 1, 1], [], []>, transpose_lhs_hint = false} : vector<128x128xf32>, vector<128x16xf32>, vector<128x16xf32> -> vector<128x16xf32>
      %add3A_129 = vector.broadcast %scan3A_121 : vector<1x16xf32> to vector<128x16xf32>
      %add3A_130 = arith.addf %dot_general3A_128, %add3A_129 : vector<128x16xf32>
      %mul3A_131 = arith.constant 128 : i32
      %mul3A_132 = arith.muli %scan3A_120, %mul3A_131 : i32
      %swap3A_133 = arith.index_cast %mul3A_132 : i32 to index
      %swap3A_134 = arith.constant 0 : index
      %swap3A_135 = vector.load %arg8[%swap3A_133, %swap3A_134] : memref<2048x16xf32, #tpu.memory_space<vmem>>, vector<128x16xf32>
      tpu.vector_store %arg8[%swap3A_133, %swap3A_134], %add3A_130 {strides = array<i32>} : memref<2048x16xf32, #tpu.memory_space<vmem>>, vector<128x16xf32>,
      %reduce_sum3A_136 = arith.constant dense<0.000000e+00> : vector<16xf32>
      %reduce_sum3A_137 = vector.multi_reduction <add>, %get3A_126, %reduce_sum3A_136 [0] : vector<128x16xf32> to vector<16xf32>
      %broadcast_in_dim3A_138 = vector.shape_cast %reduce_sum3A_137 : vector<16xf32> to vector<1x16xf32>
      %add3A_139 = arith.addf %scan3A_121, %broadcast_in_dim3A_138 : vector<1x16xf32>
      scf.yield %add3A_139 : vector<1x16xf32>
    }
    %scan3A_60 = arith.constant 16 : i32
    %add3A_61 = arith.constant 2.870000e+02 : f32
    %add3A_62 = vector.broadcast %add3A_61 : f32 to vector<1x16xf32>
    %add3A_63 = arith.addf %scan3A_59, %add3A_62 : vector<1x16xf32>
    %mul3A = arith.constant 0.00347222225 : f32
    %mul3A_64 = vector.broadcast %mul3A : f32 to vector<1x16xf32>
    %mul3A_65 = arith.mulf %add3A_63, %mul3A_64 : vector<1x16xf32>
    %floor3A = math.floor %mul3A_65 : vector<1x16xf32>
    %iota3A_66 = tpu.iota {dimensions = array<i32: 0>} : vector<16x16xi32>
    %iota3A_67 = tpu.iota {dimensions = array<i32: 1>} : vector<16x16xi32>
    %le3A = arith.cmpi sle, %iota3A_66, %iota3A_67 : vector<16x16xi32>
    %convert_element_type3A_68 = arith.extui %le3A : vector<16x16xi1> to vector<16x16xi32>
    %convert_element_type3A_69 = arith.sitofp %convert_element_type3A_68 : vector<16x16xi32> to vector<16x16xf32>
    %dot_general3A_70 = arith.constant dense<0.000000e+00> : vector<1x16xf32>
    %dot_general3A_71 = tpu.matmul %floor3A, %convert_element_type3A_69, %dot_general3A_70 {dimension_numbers = #tpu.dot_dimension_numbers<[1], [0], [0], [1], [0, 0, 1, 1], [], []>, transpose_lhs_hint = false} : vector<1x16xf32>, vector<16x16xf32>, vector<1x16xf32> -> vector<1x16xf32>
    %sub3A_72 = arith.subf %dot_general3A_71, %floor3A : vector<1x16xf32>
    %mul3A_73 = arith.constant 2.880000e+02 : f32
    %mul3A_74 = vector.broadcast %mul3A_73 : f32 to vector<1x16xf32>
    %mul3A_75 = arith.mulf %sub3A_72, %mul3A_74 : vector<1x16xf32>
    %get3A_76 = arith.constant 0 : index
    %get3A_77 = arith.constant 0 : index
    %get3A_78 = vector.load %arg8[%get3A_76, %get3A_77] : memref<2048x16xf32, #tpu.memory_space<vmem>>, vector<2048x16xf32>
    %add3A_79 = vector.broadcast %mul3A_75 : vector<1x16xf32> to vector<2048x16xf32>
    %add3A_80 = arith.addf %get3A_78, %add3A_79 : vector<2048x16xf32>
    %mul3A_81 = arith.mulf %convert_element_type3A_42, %add3A_80 : vector<2048x16xf32>
    %reduce_sum3A = arith.constant dense<0.000000e+00> : vector<2048xf32>
    %reduce_sum3A_82 = vector.multi_reduction <add>, %mul3A_81, %reduce_sum3A [1] : vector<2048x16xf32> to vector<2048xf32>
    %broadcast_in_dim3A_83 = vector.shape_cast %reduce_sum3A_82 : vector<2048xf32> to vector<2048x1xf32>
    %mul3A_84 = arith.mulf %convert_element_type3A_46, %add3A_80 : vector<2048x16xf32>
    %reduce_sum3A_85 = arith.constant dense<0.000000e+00> : vector<2048xf32>
    %reduce_sum3A_86 = vector.multi_reduction <add>, %mul3A_84, %reduce_sum3A_85 [1] : vector<2048x16xf32> to vector<2048xf32>
    %broadcast_in_dim3A_87 = vector.shape_cast %reduce_sum3A_86 : vector<2048xf32> to vector<2048x1xf32>
    %concatenate3A_88 = tpu.concatenate %broadcast_in_dim3A_83, %broadcast_in_dim3A_87 in 1 : vector<2048x1xf32>, vector<2048x1xf32> -> vector<2048x2xf32>
    %convert_element_type3A_89 = arith.fptosi %concatenate3A_88 : vector<2048x2xf32> to vector<2048x2xi32>
    %swap3A_90 = arith.constant 0 : index
    %swap3A_91 = arith.constant 0 : index
    %swap3A_92 = vector.load %arg4[%swap3A_90, %swap3A_91] : memref<2048x2xi32, #tpu.memory_space<vmem>>, vector<2048x2xi32>
    tpu.vector_store %arg4[%swap3A_90, %swap3A_91], %convert_element_type3A_89 {strides = array<i32>} : memref<2048x2xi32, #tpu.memory_space<vmem>>, vector<2048x2xi32>,
    %iota3A_93 = tpu.iota {dimensions = array<i32: 0>} : vector<31x16xi32>
    %convert_element_type3A_94 = arith.sitofp %iota3A_93 : vector<31x16xi32> to vector<31x16xf32>
    %broadcast_in_dim3A_95 = vector.shape_cast %dot_general3A_71 : vector<1x16xf32> to vector<1x16xf32>
    %broadcast_in_dim3A_96 = vector.broadcast %broadcast_in_dim3A_95 : vector<1x16xf32> to vector<31x16xf32>
    %ge3A = arith.cmpf oge, %convert_element_type3A_94, %broadcast_in_dim3A_96 : vector<31x16xf32>
    %convert_element_type3A_97 = arith.extui %ge3A : vector<31x16xi1> to vector<31x16xi32>
    %convert_element_type3A_98 = arith.sitofp %convert_element_type3A_97 : vector<31x16xi32> to vector<31x16xf32>
    %reduce_sum3A_99 = arith.constant dense<0.000000e+00> : vector<31xf32>
    %reduce_sum3A_100 = vector.multi_reduction <add>, %convert_element_type3A_98, %reduce_sum3A_99 [1] : vector<31x16xf32> to vector<31xf32>
    %broadcast_in_dim3A_101 = vector.shape_cast %reduce_sum3A_100 : vector<31xf32> to vector<31x1xf32>
    %min3A = arith.constant 1.500000e+01 : f32
    %min3A_102 = vector.broadcast %min3A : f32 to vector<31x1xf32>
    %min3A_103 = arith.minimumf %broadcast_in_dim3A_101, %min3A_102 : vector<31x1xf32>
    %convert_element_type3A_104 = arith.fptosi %min3A_103 : vector<31x1xf32> to vector<31x1xi32>
    %swap3A_105 = arith.constant 0 : index
    %swap3A_106 = arith.constant 0 : index
    %swap3A_107 = vector.load %arg5[%swap3A_105, %swap3A_106] : memref<31x1xi32, #tpu.memory_space<vmem>>, vector<31x1xi32>
    tpu.vector_store %arg5[%swap3A_105, %swap3A_106], %convert_element_type3A_104 {strides = array<i32>} : memref<31x1xi32, #tpu.memory_space<vmem>>, vector<31x1xi32>,
    %reduce_max3A_108 = arith.constant dense<0xFF800000> : vector<1xf32>
    %reduce_max3A_109 = vector.multi_reduction <maximumf>, %dot_general3A_71, %reduce_max3A_108 [1] : vector<1x16xf32> to vector<1xf32>
    %broadcast_in_dim3A_110 = vector.shape_cast %reduce_max3A_109 : vector<1xf32> to vector<1x1xf32>
    %broadcast_in_dim3A_111 = vector.shape_cast %broadcast_in_dim3A_110 : vector<1x1xf32> to vector<1x1xf32>
    %broadcast_in_dim3A_112 = vector.broadcast %broadcast_in_dim3A_111 : vector<1x1xf32> to vector<31x1xf32>
    %iota3A_113 = tpu.iota {dimensions = array<i32: 0>} : vector<31x1xi32>
    %convert_element_type3A_114 = arith.sitofp %iota3A_113 : vector<31x1xi32> to vector<31x1xf32>
    %lt3A_115 = arith.cmpf olt, %convert_element_type3A_114, %broadcast_in_dim3A_112 : vector<31x1xf32>
    %convert_element_type3A_116 = arith.extui %lt3A_115 : vector<31x1xi1> to vector<31x1xi32>
    %swap3A_117 = arith.constant 0 : index
    %swap3A_118 = arith.constant 0 : index
    %swap3A_119 = vector.load %arg6[%swap3A_117, %swap3A_118] : memref<31x1xi32, #tpu.memory_space<vmem>>, vector<31x1xi32>
    tpu.vector_store %arg6[%swap3A_117, %swap3A_118], %convert_element_type3A_116 {strides = array<i32>} : memref<31x1xi32, #tpu.memory_space<vmem>>, vector<31x1xi32>,
    return
  }
}

module attributes {stable_mosaic.version = 14 : i64} {
  func.func @_ffn_body(%arg0: i32, %arg1: memref<31xi32, #tpu.memory_space<smem>>, %arg2: memref<31xi32, #tpu.memory_space<smem>>, %arg3: memref<288x1024xf32, #tpu.memory_space<vmem>>, %arg4: memref<1x256x1024xf32, #tpu.memory_space<vmem>>, %arg5: memref<1x256x1024xf32, #tpu.memory_space<vmem>>, %arg6: memref<1x256x1024xf32, #tpu.memory_space<vmem>>, %arg7: memref<1x256x1024xf32, #tpu.memory_space<vmem>>, %arg8: memref<1x256x1024xf32, #tpu.memory_space<vmem>>, %arg9: memref<1x256x1024xf32, #tpu.memory_space<vmem>>, %arg10: memref<1x1024x256xf32, #tpu.memory_space<vmem>>, %arg11: memref<1x1024x256xf32, #tpu.memory_space<vmem>>, %arg12: memref<1x1024x256xf32, #tpu.memory_space<vmem>>, %arg13: memref<288x1024xf32, #tpu.memory_space<vmem>>) attributes {dimension_semantics = [#tpu.dimension_semantics<arbitrary>], iteration_bounds = array<i64: 31>, scalar_prefetch = 2 : i64, scratch_operands = 0 : i64, tpu.core_type = #tpu.core_type<tc>, window_params = [{transform_indices = @transform_0, window_bounds = array<i64: 288, 1024>}, {transform_indices = @transform_1, window_bounds = array<i64: 1, 256, 1024>}, {transform_indices = @transform_2, window_bounds = array<i64: 1, 256, 1024>}, {transform_indices = @transform_3, window_bounds = array<i64: 1, 256, 1024>}, {transform_indices = @transform_4, window_bounds = array<i64: 1, 256, 1024>}, {transform_indices = @transform_5, window_bounds = array<i64: 1, 256, 1024>}, {transform_indices = @transform_6, window_bounds = array<i64: 1, 256, 1024>}, {transform_indices = @transform_7, window_bounds = array<i64: 1, 1024, 256>}, {transform_indices = @transform_8, window_bounds = array<i64: 1, 1024, 256>}, {transform_indices = @transform_9, window_bounds = array<i64: 1, 1024, 256>}, {transform_indices = @transform_10, window_bounds = array<i64: 288, 1024>}]} {
    %get3A = arith.index_cast %arg0 : i32 to index
    %get3A_0 = memref.load %arg2[%get3A] : memref<31xi32, #tpu.memory_space<smem>>
    %eq3A = arith.constant 1 : i32
    %eq3A_1 = arith.cmpi eq, %get3A_0, %eq3A : i32
    %convert_element_type3A = arith.extui %eq3A_1 : i1 to i32
    %cond3A = arith.constant 0 : i32
    %cond3A_2 = arith.cmpi ne, %convert_element_type3A, %cond3A : i32
    scf.if %cond3A_2 {
      %get3A_3 = arith.constant 0 : index
      %get3A_4 = arith.constant 0 : index
      %get3A_5 = vector.load %arg3[%get3A_3, %get3A_4] : memref<288x1024xf32, #tpu.memory_space<vmem>>, vector<288x1024xf32>
      %get3A_6 = arith.constant 0 : index
      %get3A_7 = arith.constant 0 : index
      %get3A_8 = arith.constant 0 : index
      %get3A_9 = vector.load %arg4[%get3A_6, %get3A_7, %get3A_8] : memref<1x256x1024xf32, #tpu.memory_space<vmem>>, vector<1x256x1024xf32>
      %get3A_10 = vector.shape_cast %get3A_9 : vector<1x256x1024xf32> to vector<256x1024xf32>
      %dot_general3A = arith.constant dense<0.000000e+00> : vector<288x256xf32>
      %dot_general3A_11 = tpu.matmul %get3A_5, %get3A_10, %dot_general3A {dimension_numbers = #tpu.dot_dimension_numbers<[1], [1], [0], [0], [0, 0, 1, 0], [], []>, transpose_lhs_hint = false} : vector<288x1024xf32>, vector<256x1024xf32>, vector<288x256xf32> -> vector<288x256xf32>
      %get3A_12 = arith.constant 0 : index
      %get3A_13 = arith.constant 0 : index
      %get3A_14 = arith.constant 0 : index
      %get3A_15 = vector.load %arg7[%get3A_12, %get3A_13, %get3A_14] : memref<1x256x1024xf32, #tpu.memory_space<vmem>>, vector<1x256x1024xf32>
      %get3A_16 = vector.shape_cast %get3A_15 : vector<1x256x1024xf32> to vector<256x1024xf32>
      %dot_general3A_17 = arith.constant dense<0.000000e+00> : vector<288x256xf32>
      %dot_general3A_18 = tpu.matmul %get3A_5, %get3A_16, %dot_general3A_17 {dimension_numbers = #tpu.dot_dimension_numbers<[1], [1], [0], [0], [0, 0, 1, 0], [], []>, transpose_lhs_hint = false} : vector<288x1024xf32>, vector<256x1024xf32>, vector<288x256xf32> -> vector<288x256xf32>
      %logistic3A = arith.negf %dot_general3A_11 : vector<288x256xf32>
      %logistic3A_19 = math.exp %logistic3A : vector<288x256xf32>
      %logistic3A_20 = arith.constant 1.000000e+00 : f32
      %logistic3A_21 = vector.broadcast %logistic3A_20 : f32 to vector<288x256xf32>
      %logistic3A_22 = arith.addf %logistic3A_21, %logistic3A_19 : vector<288x256xf32>
      %logistic3A_23 = arith.divf %logistic3A_21, %logistic3A_22 : vector<288x256xf32>
      %mul3A = arith.mulf %dot_general3A_11, %logistic3A_23 : vector<288x256xf32>
      %mul3A_24 = arith.mulf %mul3A, %dot_general3A_18 : vector<288x256xf32>
      %get3A_25 = arith.constant 0 : index
      %get3A_26 = arith.constant 0 : index
      %get3A_27 = arith.constant 0 : index
      %get3A_28 = vector.load %arg10[%get3A_25, %get3A_26, %get3A_27] : memref<1x1024x256xf32, #tpu.memory_space<vmem>>, vector<1x1024x256xf32>
      %get3A_29 = vector.shape_cast %get3A_28 : vector<1x1024x256xf32> to vector<1024x256xf32>
      %dot_general3A_30 = arith.constant dense<0.000000e+00> : vector<288x1024xf32>
      %dot_general3A_31 = tpu.matmul %mul3A_24, %get3A_29, %dot_general3A_30 {dimension_numbers = #tpu.dot_dimension_numbers<[1], [1], [0], [0], [0, 0, 1, 0], [], []>, transpose_lhs_hint = false} : vector<288x256xf32>, vector<1024x256xf32>, vector<288x1024xf32> -> vector<288x1024xf32>
      %get3A_32 = arith.constant 0 : index
      %get3A_33 = arith.constant 0 : index
      %get3A_34 = arith.constant 0 : index
      %get3A_35 = vector.load %arg5[%get3A_32, %get3A_33, %get3A_34] : memref<1x256x1024xf32, #tpu.memory_space<vmem>>, vector<1x256x1024xf32>
      %get3A_36 = vector.shape_cast %get3A_35 : vector<1x256x1024xf32> to vector<256x1024xf32>
      %dot_general3A_37 = arith.constant dense<0.000000e+00> : vector<288x256xf32>
      %dot_general3A_38 = tpu.matmul %get3A_5, %get3A_36, %dot_general3A_37 {dimension_numbers = #tpu.dot_dimension_numbers<[1], [1], [0], [0], [0, 0, 1, 0], [], []>, transpose_lhs_hint = false} : vector<288x1024xf32>, vector<256x1024xf32>, vector<288x256xf32> -> vector<288x256xf32>
      %get3A_39 = arith.constant 0 : index
      %get3A_40 = arith.constant 0 : index
      %get3A_41 = arith.constant 0 : index
      %get3A_42 = vector.load %arg8[%get3A_39, %get3A_40, %get3A_41] : memref<1x256x1024xf32, #tpu.memory_space<vmem>>, vector<1x256x1024xf32>
      %get3A_43 = vector.shape_cast %get3A_42 : vector<1x256x1024xf32> to vector<256x1024xf32>
      %dot_general3A_44 = arith.constant dense<0.000000e+00> : vector<288x256xf32>
      %dot_general3A_45 = tpu.matmul %get3A_5, %get3A_43, %dot_general3A_44 {dimension_numbers = #tpu.dot_dimension_numbers<[1], [1], [0], [0], [0, 0, 1, 0], [], []>, transpose_lhs_hint = false} : vector<288x1024xf32>, vector<256x1024xf32>, vector<288x256xf32> -> vector<288x256xf32>
      %logistic3A_46 = arith.negf %dot_general3A_38 : vector<288x256xf32>
      %logistic3A_47 = math.exp %logistic3A_46 : vector<288x256xf32>
      %logistic3A_48 = arith.constant 1.000000e+00 : f32
      %logistic3A_49 = vector.broadcast %logistic3A_48 : f32 to vector<288x256xf32>
      %logistic3A_50 = arith.addf %logistic3A_49, %logistic3A_47 : vector<288x256xf32>
      %logistic3A_51 = arith.divf %logistic3A_49, %logistic3A_50 : vector<288x256xf32>
      %mul3A_52 = arith.mulf %dot_general3A_38, %logistic3A_51 : vector<288x256xf32>
      %mul3A_53 = arith.mulf %mul3A_52, %dot_general3A_45 : vector<288x256xf32>
      %get3A_54 = arith.constant 0 : index
      %get3A_55 = arith.constant 0 : index
      %get3A_56 = arith.constant 0 : index
      %get3A_57 = vector.load %arg11[%get3A_54, %get3A_55, %get3A_56] : memref<1x1024x256xf32, #tpu.memory_space<vmem>>, vector<1x1024x256xf32>
      %get3A_58 = vector.shape_cast %get3A_57 : vector<1x1024x256xf32> to vector<1024x256xf32>
      %dot_general3A_59 = arith.constant dense<0.000000e+00> : vector<288x1024xf32>
      %dot_general3A_60 = tpu.matmul %mul3A_53, %get3A_58, %dot_general3A_59 {dimension_numbers = #tpu.dot_dimension_numbers<[1], [1], [0], [0], [0, 0, 1, 0], [], []>, transpose_lhs_hint = false} : vector<288x256xf32>, vector<1024x256xf32>, vector<288x1024xf32> -> vector<288x1024xf32>
      %add3A = arith.addf %dot_general3A_31, %dot_general3A_60 : vector<288x1024xf32>
      %get3A_61 = arith.constant 0 : index
      %get3A_62 = arith.constant 0 : index
      %get3A_63 = arith.constant 0 : index
      %get3A_64 = vector.load %arg6[%get3A_61, %get3A_62, %get3A_63] : memref<1x256x1024xf32, #tpu.memory_space<vmem>>, vector<1x256x1024xf32>
      %get3A_65 = vector.shape_cast %get3A_64 : vector<1x256x1024xf32> to vector<256x1024xf32>
      %dot_general3A_66 = arith.constant dense<0.000000e+00> : vector<288x256xf32>
      %dot_general3A_67 = tpu.matmul %get3A_5, %get3A_65, %dot_general3A_66 {dimension_numbers = #tpu.dot_dimension_numbers<[1], [1], [0], [0], [0, 0, 1, 0], [], []>, transpose_lhs_hint = false} : vector<288x1024xf32>, vector<256x1024xf32>, vector<288x256xf32> -> vector<288x256xf32>
      %get3A_68 = arith.constant 0 : index
      %get3A_69 = arith.constant 0 : index
      %get3A_70 = arith.constant 0 : index
      %get3A_71 = vector.load %arg9[%get3A_68, %get3A_69, %get3A_70] : memref<1x256x1024xf32, #tpu.memory_space<vmem>>, vector<1x256x1024xf32>
      %get3A_72 = vector.shape_cast %get3A_71 : vector<1x256x1024xf32> to vector<256x1024xf32>
      %dot_general3A_73 = arith.constant dense<0.000000e+00> : vector<288x256xf32>
      %dot_general3A_74 = tpu.matmul %get3A_5, %get3A_72, %dot_general3A_73 {dimension_numbers = #tpu.dot_dimension_numbers<[1], [1], [0], [0], [0, 0, 1, 0], [], []>, transpose_lhs_hint = false} : vector<288x1024xf32>, vector<256x1024xf32>, vector<288x256xf32> -> vector<288x256xf32>
      %logistic3A_75 = arith.negf %dot_general3A_67 : vector<288x256xf32>
      %logistic3A_76 = math.exp %logistic3A_75 : vector<288x256xf32>
      %logistic3A_77 = arith.constant 1.000000e+00 : f32
      %logistic3A_78 = vector.broadcast %logistic3A_77 : f32 to vector<288x256xf32>
      %logistic3A_79 = arith.addf %logistic3A_78, %logistic3A_76 : vector<288x256xf32>
      %logistic3A_80 = arith.divf %logistic3A_78, %logistic3A_79 : vector<288x256xf32>
      %mul3A_81 = arith.mulf %dot_general3A_67, %logistic3A_80 : vector<288x256xf32>
      %mul3A_82 = arith.mulf %mul3A_81, %dot_general3A_74 : vector<288x256xf32>
      %get3A_83 = arith.constant 0 : index
      %get3A_84 = arith.constant 0 : index
      %get3A_85 = arith.constant 0 : index
      %get3A_86 = vector.load %arg12[%get3A_83, %get3A_84, %get3A_85] : memref<1x1024x256xf32, #tpu.memory_space<vmem>>, vector<1x1024x256xf32>
      %get3A_87 = vector.shape_cast %get3A_86 : vector<1x1024x256xf32> to vector<1024x256xf32>
      %dot_general3A_88 = arith.constant dense<0.000000e+00> : vector<288x1024xf32>
      %dot_general3A_89 = tpu.matmul %mul3A_82, %get3A_87, %dot_general3A_88 {dimension_numbers = #tpu.dot_dimension_numbers<[1], [1], [0], [0], [0, 0, 1, 0], [], []>, transpose_lhs_hint = false} : vector<288x256xf32>, vector<1024x256xf32>, vector<288x1024xf32> -> vector<288x1024xf32>
      %add3A_90 = arith.addf %add3A, %dot_general3A_89 : vector<288x1024xf32>
      %swap3A = arith.constant 0 : index
      %swap3A_91 = arith.constant 0 : index
      %swap3A_92 = vector.load %arg13[%swap3A, %swap3A_91] : memref<288x1024xf32, #tpu.memory_space<vmem>>, vector<288x1024xf32>
      tpu.vector_store %arg13[%swap3A, %swap3A_91], %add3A_90 {strides = array<i32>} : memref<288x1024xf32, #tpu.memory_space<vmem>>, vector<288x1024xf32>,
    } else {
    }
    return
  }
  func.func @transform_0(%arg0: i32, %arg1: memref<31xi32, #tpu.memory_space<smem>>, %arg2: memref<31xi32, #tpu.memory_space<smem>>) -> (i32, i32) {
    %c0_i32 = arith.constant 0 : i32
    %c0_i32_0 = arith.constant 0 : i32
    return %arg0, %c0_i32 : i32, i32
  }
  func.func @transform_1(%arg0: i32, %arg1: memref<31xi32, #tpu.memory_space<smem>>, %arg2: memref<31xi32, #tpu.memory_space<smem>>) -> (i32, i32, i32) {
    %get3A = arith.index_cast %arg0 : i32 to index
    %get3A_0 = memref.load %arg1[%get3A] : memref<31xi32, #tpu.memory_space<smem>>
    %c0_i32 = arith.constant 0 : i32
    %c0_i32_1 = arith.constant 0 : i32
    %c0_i32_2 = arith.constant 0 : i32
    return %get3A_0, %c0_i32, %c0_i32_1 : i32, i32, i32
  }
  func.func @transform_2(%arg0: i32, %arg1: memref<31xi32, #tpu.memory_space<smem>>, %arg2: memref<31xi32, #tpu.memory_space<smem>>) -> (i32, i32, i32) {
    %get3A = arith.index_cast %arg0 : i32 to index
    %get3A_0 = memref.load %arg1[%get3A] : memref<31xi32, #tpu.memory_space<smem>>
    %c1_i32 = arith.constant 1 : i32
    %c0_i32 = arith.constant 0 : i32
    %c0_i32_1 = arith.constant 0 : i32
    return %get3A_0, %c1_i32, %c0_i32 : i32, i32, i32
  }
  func.func @transform_3(%arg0: i32, %arg1: memref<31xi32, #tpu.memory_space<smem>>, %arg2: memref<31xi32, #tpu.memory_space<smem>>) -> (i32, i32, i32) {
    %get3A = arith.index_cast %arg0 : i32 to index
    %get3A_0 = memref.load %arg1[%get3A] : memref<31xi32, #tpu.memory_space<smem>>
    %c2_i32 = arith.constant 2 : i32
    %c0_i32 = arith.constant 0 : i32
    %c0_i32_1 = arith.constant 0 : i32
    return %get3A_0, %c2_i32, %c0_i32 : i32, i32, i32
  }
  func.func @transform_4(%arg0: i32, %arg1: memref<31xi32, #tpu.memory_space<smem>>, %arg2: memref<31xi32, #tpu.memory_space<smem>>) -> (i32, i32, i32) {
    %get3A = arith.index_cast %arg0 : i32 to index
    %get3A_0 = memref.load %arg1[%get3A] : memref<31xi32, #tpu.memory_space<smem>>
    %c0_i32 = arith.constant 0 : i32
    %c0_i32_1 = arith.constant 0 : i32
    %c0_i32_2 = arith.constant 0 : i32
    return %get3A_0, %c0_i32, %c0_i32_1 : i32, i32, i32
  }
  func.func @transform_5(%arg0: i32, %arg1: memref<31xi32, #tpu.memory_space<smem>>, %arg2: memref<31xi32, #tpu.memory_space<smem>>) -> (i32, i32, i32) {
    %get3A = arith.index_cast %arg0 : i32 to index
    %get3A_0 = memref.load %arg1[%get3A] : memref<31xi32, #tpu.memory_space<smem>>
    %c1_i32 = arith.constant 1 : i32
    %c0_i32 = arith.constant 0 : i32
    %c0_i32_1 = arith.constant 0 : i32
    return %get3A_0, %c1_i32, %c0_i32 : i32, i32, i32
  }
  func.func @transform_6(%arg0: i32, %arg1: memref<31xi32, #tpu.memory_space<smem>>, %arg2: memref<31xi32, #tpu.memory_space<smem>>) -> (i32, i32, i32) {
    %get3A = arith.index_cast %arg0 : i32 to index
    %get3A_0 = memref.load %arg1[%get3A] : memref<31xi32, #tpu.memory_space<smem>>
    %c2_i32 = arith.constant 2 : i32
    %c0_i32 = arith.constant 0 : i32
    %c0_i32_1 = arith.constant 0 : i32
    return %get3A_0, %c2_i32, %c0_i32 : i32, i32, i32
  }
  func.func @transform_7(%arg0: i32, %arg1: memref<31xi32, #tpu.memory_space<smem>>, %arg2: memref<31xi32, #tpu.memory_space<smem>>) -> (i32, i32, i32) {
    %get3A = arith.index_cast %arg0 : i32 to index
    %get3A_0 = memref.load %arg1[%get3A] : memref<31xi32, #tpu.memory_space<smem>>
    %c0_i32 = arith.constant 0 : i32
    %c0_i32_1 = arith.constant 0 : i32
    %c0_i32_2 = arith.constant 0 : i32
    return %get3A_0, %c0_i32, %c0_i32_1 : i32, i32, i32
  }
  func.func @transform_8(%arg0: i32, %arg1: memref<31xi32, #tpu.memory_space<smem>>, %arg2: memref<31xi32, #tpu.memory_space<smem>>) -> (i32, i32, i32) {
    %get3A = arith.index_cast %arg0 : i32 to index
    %get3A_0 = memref.load %arg1[%get3A] : memref<31xi32, #tpu.memory_space<smem>>
    %c0_i32 = arith.constant 0 : i32
    %c1_i32 = arith.constant 1 : i32
    %c0_i32_1 = arith.constant 0 : i32
    return %get3A_0, %c0_i32, %c1_i32 : i32, i32, i32
  }
  func.func @transform_9(%arg0: i32, %arg1: memref<31xi32, #tpu.memory_space<smem>>, %arg2: memref<31xi32, #tpu.memory_space<smem>>) -> (i32, i32, i32) {
    %get3A = arith.index_cast %arg0 : i32 to index
    %get3A_0 = memref.load %arg1[%get3A] : memref<31xi32, #tpu.memory_space<smem>>
    %c0_i32 = arith.constant 0 : i32
    %c2_i32 = arith.constant 2 : i32
    %c0_i32_1 = arith.constant 0 : i32
    return %get3A_0, %c0_i32, %c2_i32 : i32, i32, i32
  }
  func.func @transform_10(%arg0: i32, %arg1: memref<31xi32, #tpu.memory_space<smem>>, %arg2: memref<31xi32, #tpu.memory_space<smem>>) -> (i32, i32) {
    %c0_i32 = arith.constant 0 : i32
    %c0_i32_0 = arith.constant 0 : i32
    return %arg0, %c0_i32 : i32, i32
  }
}

</mosaic_0001>

<sc_bundles>
// kernel: kernel.6.cloned.1.call-start
scs
__scs_entry_jumppad:
0x0: {  	(pc) =	sbr.rel $0x88, $3  }
0x1: {  	(tag) =	ssettag $0x0;
	lr =	simm.s32 $0x1  }
0x2: {  	[smem:$0x3F9C] =	sst lr;
	_ =	strace $0xD0000000  }
0x3: {  	_ = 	snop  }
0x4: {  	_ = 	snop  }
0x5: {  	_ = 	snop  }
0x6: {  	_ = 	snop  }
0x7: {  	_ = 	snop  }
__scs_overlays_trampoline_lowered:
0x8: {  	[smem:$0x3FAB] =	sst s0  }
0x9: {  	[smem:$0x3FAC] =	sst s1  }
0xa: {  	[smem:$0x3FAD] =	sst s2  }
0xb: {  	[smem:$0x3FAE] =	sst s3  }
0xc: {  	[smem:$0x3FAF] =	sst s4  }
0xd: {  	[smem:$0x3FB0] =	sst s5  }
0xe: {  	[smem:$0x3FB1] =	sst s6  }
0xf: {  	[smem:$0x3FB2] =	sst s7  }
0x10: {  	[smem:$0x3FB3] =	sst s8  }
0x11: {  	[smem:$0x3FB4] =	sst s9;
	s0 =	simm.s32 @!p0 $0x0  }
0x12: {  	s1 =	sld [smem:$0x3F9A];
	s0 =	simm.s32 @p0 $0x1  }
0x13: {  	[smem:$0x3FB5] =	sst s0;
	s0 =	simm.s32 @!p1 $0x0  }
0x14: {  	s2 =	sld [smem:$0x3F99];
	s0 =	simm.s32 @p1 $0x1  }
0x15: {  	[smem:$0x3FB6] =	sst s0;
	s0 =	simm.s32 @!p2 $0x0  }
0x16: {  	s3 =	sld [smem:$0x3FDB];
	s0 =	simm.s32 @p2 $0x1  }
0x17: {  	s4 =	simm.s32 $0x1BF5;
	[smem:$0x3FB8] =	sst s0  }
0x18: {  	s0 =	sld [smem:$0x3F9B];
	_ =	swait.ge [sflag:s4], $0x0  }
0x19: {  	s7 =	sld [smem:$0x3F9C]  }
0x1a: {  	s8 =	sadd.s32 $0xFFFFE003, lr  }
0x1b: {  	s9 =	sadd.s32 $0xFFFFFEF7, lr;
	s5 =	simm.s32 $0xFFFFFFFF;
	p2 =	slt.u32 s8, $0xFFFFF086  }
0x1c: {  	p1 =	slt.u32 s9, $0xF7A;
	s5 =	simm.s32 @!p2 $0x0  }
0x1d: {  	s5 =	simm.s32 @p1 $0x1;
	p0 =	seq.s32 s7, s2  }
0x1e: {  	s7 =	smul.u32 @!p0 $0xF7A, s2;
	p2 =	seq.s32 @!p0 s5, $0x0  }
0x1f: {  	s9 =	smul.u32 $0xF7A, s1;
	s8 =	simm.s32 @!p0 $0x1BF5;
	p2 =	por !p2, p0  }
0x20: {  	[sflag:s8] =	ssyncset.s32 @!p0 $0xFFFFF086;
	s6 =	sadd.s32 @!p0 s3, s7;
	s7 =	simm.s32 @!p0 $0x108  }
0x21: {  	s3 =	sadd.s32 s3, s9;
	s6 =	sadd.s32 @!p0 $0x88, s6;
	s7 =	simm.s32 @p2 $0x1082  }
0x22: {  	[simem:s7], [sflag:s8] =	dma.local @!p0 [hbm:s6], $0xF7A  }
0x23: {  	s9 =	sor.u32 $0xD0000000, s2;
	s6 =	simm.s32 $0x108;
	_ =	swait.ge @!p0 [sflag:s8], $0x0  }
0x24: {  	s3 =	sadd.s32 $0x88, s3;
	s6 =	simm.s32 @!p1 $0x1082;
	[sflag:s4] =	ssyncset.s32 $0xFFFFF086  }
0x25: {  	[simem:s6], [sflag:s4] =	dma.local [hbm:s3], $0xF7A  }
0x26: {  	[smem:$0x3F9C] =	sst s1;
	(tag) =	ssettag s2;
	_ =	strace s9  }
0x27: {  	s1 =	sld [smem:$0x3FAC]  }
0x28: {  	s2 =	sld [smem:$0x3FAD]  }
0x29: {  	s4 =	sld [smem:$0x3FAF]  }
0x2a: {  	p0 =	seq.s32 s5, $0x0;
	s5 =	sld [smem:$0x3FB0]  }
0x2b: {  	s6 =	sld [smem:$0x3FB1]  }
0x2c: {  	s7 =	sld [smem:$0x3FB2]  }
0x2d: {  	s3 =	simm.s32 $0x108;
	s8 =	sld [smem:$0x3FB3]  }
0x2e: {  	s3 =	simm.s32 @!p0 $0x1082;
	s9 =	sld [smem:$0x3FB4]  }
0x2f: {  	lr =	sadd.s32 s0, s3;
	s0 =	sld [smem:$0x3FAB]  }
0x30: {  	s3 =	sld [smem:$0x3FAE]  }
0x31: {  	[smem:$0x3FB7] =	sst s10  }
0x32: {  	s10 =	sld [smem:$0x3FB5];
	_ =	sdelay $0x3  }
0x33: {  	p0 =	seq.s32 s10, $0x1;
	s10 =	sld [smem:$0x3FB7];
	_ =	sdelay $0x3  }
0x34: {  	[smem:$0x3FB7] =	sst s10  }
0x35: {  	s10 =	sld [smem:$0x3FB6];
	_ =	sdelay $0x3  }
0x36: {  	p1 =	seq.s32 s10, $0x1;
	s10 =	sld [smem:$0x3FB7];
	_ =	sdelay $0x3  }
0x37: {  	[smem:$0x3FB7] =	sst s10  }
0x38: {  	s10 =	sld [smem:$0x3FB8]  }
0x39: {  	_ = 	snop;
	(pc) =	sbr.ind lr, $3  }
0x3a: {  	_ = 	snop  }
0x3b: {  	_ = 	snop  }
0x3c: {  	p2 =	seq.s32 s10, $0x1;
	s10 =	sld [smem:$0x3FB7]  }
0x3d: {  	_ =	shalt  }
0x3e: {  	_ =	shalt  }
0x3f: {  	_ =	shalt  }
0x40: {  	_ =	shalt  }
0x41: {  	_ =	shalt  }
0x42: {  	_ =	shalt  }
0x43: {  	_ =	shalt  }
0x44: {  	_ =	shalt  }
0x45: {  	_ =	shalt  }
0x46: {  	_ =	shalt  }
0x47: {  	_ =	shalt  }
0x48: {  	_ =	shalt  }
0x49: {  	_ =	shalt  }
0x4a: {  	_ =	shalt  }
0x4b: {  	_ =	shalt  }
0x4c: {  	_ =	shalt  }
0x4d: {  	_ =	shalt  }
0x4e: {  	_ =	shalt  }
0x4f: {  	_ =	shalt  }
0x50: {  	_ =	shalt  }
0x51: {  	_ =	shalt  }
0x52: {  	_ =	shalt  }
0x53: {  	_ =	shalt  }
0x54: {  	_ =	shalt  }
0x55: {  	_ =	shalt  }
0x56: {  	_ =	shalt  }
0x57: {  	_ =	shalt  }
0x58: {  	_ =	shalt  }
0x59: {  	_ =	shalt  }
0x5a: {  	_ =	shalt  }
0x5b: {  	_ =	shalt  }
0x5c: {  	_ =	shalt  }
0x5d: {  	_ =	shalt  }
0x5e: {  	_ =	shalt  }
0x5f: {  	_ =	shalt  }
0x60: {  	_ =	shalt  }
0x61: {  	_ =	shalt  }
0x62: {  	_ =	shalt  }
0x63: {  	_ =	shalt  }
0x64: {  	_ =	shalt  }
0x65: {  	_ =	shalt  }
0x66: {  	_ =	shalt  }
0x67: {  	_ =	shalt  }
0x68: {  	_ =	shalt  }
0x69: {  	_ =	shalt  }
0x6a: {  	_ =	shalt  }
0x6b: {  	_ =	shalt  }
0x6c: {  	_ =	shalt  }
0x6d: {  	_ =	shalt  }
0x6e: {  	_ =	shalt  }
0x6f: {  	_ =	shalt  }
0x70: {  	_ =	shalt  }
0x71: {  	_ =	shalt  }
0x72: {  	_ =	shalt  }
0x73: {  	_ =	shalt  }
0x74: {  	_ =	shalt  }
0x75: {  	_ =	shalt  }
0x76: {  	_ =	shalt  }
0x77: {  	_ =	shalt  }
0x78: {  	_ =	shalt  }
0x79: {  	_ =	shalt  }
0x7a: {  	_ =	shalt  }
0x7b: {  	_ =	shalt  }
0x7c: {  	_ =	shalt  }
0x7d: {  	_ =	shalt  }
0x7e: {  	_ =	shalt  }
0x7f: {  	_ =	shalt  }
0x80: {  	_ =	shalt  }
0x81: {  	_ =	shalt  }
0x82: {  	_ =	shalt  }
0x83: {  	_ =	shalt  }
0x84: {  	_ =	shalt  }
0x85: {  	_ =	shalt  }
0x86: {  	_ =	shalt  }
0x87: {  	_ =	shalt  }
.Lfunc_end0:
.L_simem_size_0:
called_computation_lowered:
.L_overlay_start_0:
0x88: {  	s2 =	sld [smem:$0x3FD9]  }
0x89: {  	s3 =	sld [smem:$0x3FFE];
	_ =	sdelay $0x1  }
0x8a: {  	s1 =	srdreg.scid  }
0x8b: {  	s0 =	sand.u32 $0x1, s1  }
0x8c: {  	s17 =	sshll.u32 s0, $0xA;
	s2 =	sadd.s32 s3, s2  }
0x8d: {  	s2 =	sadd.s32 s2, s17  }
0x8e: {  	[smem:$0x3FC3] =	sst s2  }
0x8f: {  	_ = 	snop  }
0x90: {  	s2 =	sld [smem:$0x3FC9];
	(tm) =	ssettm $0x1  }
0x91: {  	s18 =	sld [smem:$0x3FFB];
	_ =	sdelay $0x3  }
0x92: {  	_ =	strace s18  }
0x93: {  	s3 =	sld [smem:$0x3FFC];
	_ =	sdelay $0x3  }
0x94: {  	_ =	strace s3  }
0x95: {  	s3 =	sld [smem:$0x3FFD];
	_ =	sdelay $0x3  }
0x96: {  	_ =	strace s3  }
0x97: {  	_ =	strace $0x8FFFFFFF  }
0x98: {  	s19 =	sld [smem:$0x3FDB];
	_ =	sdelay $0x1  }
0x99: {  	s4 =	simm.s32 $_scs_section_size  }
0x9a: {  	s5 =	simm.s32 $_size__tile_overlayer_lowered;
	s6 =	simm.s32 $_tile_overlayer_lowered  }
0x9b: {  	s22 =	simm.s32 $0x1BFF;
	s21 =	sshll.u32 s6, $0x1;
	s3 =	sadd.s32 s4, s19  }
0x9c: {  	s7 =	simm.s32 $0x0;
	s20 =	sshll.u32 s5, $0x1;
	s5 =	sadd.s32 s21, s3  }
0x9d: {  	[timem:s7], [sflag:s22] =	dma.local [hbm:s5], s20  }
0x9e: {  	_ =	swait.ge [sflag:s22], s20  }
0x9f: {  	s4 =	ssub.s32 $0x0, s20;
	[sflag:s22] =	ssyncset.done $0x0  }
0xa0: {  	[sflag:s22] =	ssyncadd.s32 s4;
	_ =	sdelay $0x1  }
0xa1: {  	s23 =	simm.s32 $0x1B8B  }
0xa2: {  	_ =	swait.ge [sflag:s23], $0x1  }
0xa3: {  	[sflag:s23] =	ssyncset.done $0x0  }
0xa4: {  	s25 =	simm.s32 $0x1B8E;
	s24 =	sld [smem:$0x3FFE];
	[sflag:s23] =	ssyncadd.s32 $0xFFFFFFFF  }
0xa5: {  	s26 =	simm.s32 $execute0_lowered;
	[smem:$0x3FD2] =	sst s25  }
0xa6: {  	s5 =	sshll.u32 s26, $0x1;
	_ =	strace $0x80000046;
	[dreg:$0x1] =	wrdreg $0xFFFFFFFF  }
0xa7: {  	s28 =	simm.s32 $_size_execute0_lowered;
	s3 =	sadd.s32 s3, s5;
	[dreg:$0x0] =	wrdreg $0x0  }
0xa8: {  	s5 =	sshll.u32 s28, $0x1;
	[dreg:$0x2] =	wrdreg s3  }
0xa9: {  	[dreg:$0x3] =	wrdreg s5  }
0xaa: {  	[dreg:$0x4] =	wrdreg $0xC0  }
0xab: {  	_ =	task [dreg:s7], $0x5FFFF  }
0xac: {  	[dreg:$0x1] =	wrdreg $0xFFFFFFFF  }
0xad: {  	[dreg:$0x0] =	wrdreg $0x60  }
0xae: {  	[dreg:$0x2] =	wrdreg s2  }
0xaf: {  	[dreg:$0x3] =	wrdreg s24  }
0xb0: {  	[dreg:$0x4] =	wrdreg $0x9  }
0xb1: {  	_ =	task.clear_ibuf [dreg:s7], $0x5FFFF;
	_ =	strace $0x90000046  }
0xb2: {  	s29 =	simm.s32 $0x9;
	_ =	strace $0x80000048  }
0xb3: {  	_ =	swait.ge [sflag:s29], $0x1  }
0xb4: {  	[sflag:s29] =	ssyncadd.s32 $0xFFFFFFFF  }
0xb5: {  	_ =	strace $0x90000048  }
0xb6: {  	_ =	sfence  }
0xb7: {  	s30 =	sld [smem:$0x0];
	_ =	sdelay $0x2  }
0xb8: {  	s31 =	sshll.u32 s1, $0xD;
	s1 =	sshrl.u32 s1, $0x2  }
0xb9: {  	s3 =	sand.u32 $0x4000, s31;
	s1 =	sadd.s32 s1, s30  }
0xba: {  	s0 =	sor.u32 s3, s0;
	s1 =	sshll.u32 s1, $0x11  }
0xbb: {  	s0 =	sor.u32 s1, s0  }
0xbc: {  	s0 =	sadd.s32 $0x8F2B, s0  }
0xbd: {  	[sflag:s0] =	ssyncadd.remote.s32 $0x1  }
0xbe: {  	_ =	sfence.sel $0xFFFF  }
0xbf: {  	[dreg:$0x0] =	wrdreg $0xFFFFFFFF;
	(pc) =	sbr.abs _section_cstart, $3  }
0xc0: {  	[dreg:$0x1] =	wrdreg $0xFFFFFFFF  }
0xc1: {  	_ =	task.clear_ibuf [dreg:s7], $0x2FFFF;
	_ =	strace $0x9FFFFFFF  }
0xc2: {  	(tm) =	ssettm $0x7FFFFFFF  }
0xc3: {  	_ =	shalt  }
tec
execute0_lowered:
.L_overlay_start_1:
0x0: {  	(tag) =	ssettag $0x1  }
0x1: {  	s0 =	rddreg [dreg:$0x0]  }
0x2: {  	s1 =	rddreg [dreg:$0x1];
	s3 =	srdreg.scid;
	s2 =	simm.s32 $0x0  }
0x3: {  	s5 =	stileid.u32;
	s26 =	simm.s32 $0x100;
	s29 =	simm.s32 $0x80  }
0x4: {  	s30 =	simm.s32 $0x180;
	s10 =	simm.s32 $0x8200;
	s11 =	simm.s32 $0x1  }
0x5: {  	s28 =	simm.s32 $0x2;
	s31 =	simm.s32 $0x2200;
	s4 =	sand.u32 $0x1, s3  }
0x6: {  	[smem:$0x7FF] =	sst s2;
	s17 =	sshll.u32 s5, $0x7;
	s6 =	sadd.s32 $0x8200, s1  }
0x7: {  	s7 =	sadd.s32 $0x8000, s1;
	_ =	strace $0x80000047;
	[dreg:$0x9] =	wrdreg s26  }
0x8: {  	s3 =	sadd.s32 $0x8400, s1;
	s18 =	sshll.u32 s4, $0x6;
	[dreg:$0xa] =	wrdreg s29  }
0x9: {  	s4 =	ssub.s32 $0x2, s4;
	[dreg:$0xb] =	wrdreg s30;
	s5 =	sor.u32 s18, s17  }
0xa: {  	s23 =	sshrl.u32 s4, $0x1;
	s8 =	sshll.u32 s5, $0x7;
	s9 =	sshrl.u32 s5, $0x3  }
0xb: {  	s5 =	sor.u32 $0x20, s5;
	s25 =	ssub.s32 s4, s23;
	s4 =	sadd.s32 $0x8500, s1  }
0xc: {  	s23 =	simm.s32 $0x5;
	s8 =	sadd.s32 s0, s8;
	s19 =	sadd.s32 s6, s9  }
0xd: {  	s20 =	sadd.s32 s7, s9;
	s21 =	sshll.u32 s5, $0x7;
	[dreg:$0x3] =	wrdreg s8  }
0xe: {  	s5 =	sshrl.u32 s5, $0x3;
	s9 =	simm.s32 $0x7;
	[dreg:$0x4] =	wrdreg s19  }
0xf: {  	[dreg:$0x5] =	wrdreg s20;
	s0 =	sadd.s32 s0, s21;
	s22 =	sadd.s32 s6, s5  }
0x10: {  	s24 =	sadd.s32 s7, s5;
	s5 =	sadd.s32 $0x8600, s1;
	s6 =	sadd.s32 $0x8700, s1  }
0x11: {  	v2 =	vlaneseq.u32;
	s7 =	smax.u32 s25, $0x1;
	s8 =	simm.s32 $0x200;
	[dreg:$0x6] =	wrdreg s0  }
0x12: {  	vm0 =	vmmov $0xffff;
	v1 =	vshrl.u32 v2, $0x3;
	s21 =	simm.s32 $0xFA00;
	s25 =	simm.s32 $0x6;
	[dreg:$0x7] =	wrdreg s22  }
0x13: {  	v0 =	vand.u32 $0x7, v2;
	v2 =	vor.u32 $0x8, v2;
	v1 =	vmul.u32 $0x8, v1;
	[dreg:$0x8] =	wrdreg s24;
	s22 =	simm.s32 $0x3;
	s24 =	simm.s32 $0x4  }
.LBB2_1:
0x14: {  	s26 =	rddreg [dreg:$0x3]  }
0x15: {  	[tilespmem:s8], [sflag:$0x1] =	stream.linear.gather [hbm4b:s26+s2], $0x8000, $0x38;
	[tilespmem:$0x10200] =	vst v63  }
0x16: {  	s29 =	rddreg [dreg:$0x4]  }
0x17: {  	[tilespmem:s2], [sflag:$0x7] =	stream.linear.gather [hbm4b:s29+s2], $0x20, $0x38;
	[tilespmem:$0x10200] =	vst v63  }
0x18: {  	_ =	swait.ge [sflag:s9], $0x20  }
0x19: {  	s16 =	rddreg [dreg:$0x5];
	[sflag:s9] =	ssyncset.done $0x0  }
0x1a: {  	s17 =	rddreg [dreg:$0x9];
	[sflag:s9] =	ssyncadd.s32 $0xFFFFFFE0  }
0x1b: {  	[tilespmem:s17], [sflag:$0x7] =	stream.linear.gather [hbm4b:s16+s2], $0x20, $0x38;
	[tilespmem:$0x10200] =	vst v63  }
0x1c: {  	_ =	swait.ge [sflag:s9], $0x20  }
0x1d: {  	s18 =	rddreg [dreg:$0x6];
	[sflag:s9] =	ssyncset.done $0x0  }
0x1e: {  	s19 =	rddreg [dreg:$0x7];
	[sflag:s9] =	ssyncadd.s32 $0xFFFFFFE0  }
0x1f: {  	[tilespmem:s10], [sflag:$0x2] =	stream.linear.gather [hbm4b:s18+s2], $0x8000, $0x38;
	[tilespmem:$0x10200] =	vst v63  }
0x20: {  	s30 =	rddreg [dreg:$0xa]  }
0x21: {  	[tilespmem:s30], [sflag:$0x7] =	stream.linear.gather [hbm4b:s19+s2], $0x20, $0x38;
	[tilespmem:$0x10200] =	vst v63  }
0x22: {  	_ =	swait.ge [sflag:s9], $0x20  }
0x23: {  	s20 =	rddreg [dreg:$0x8];
	[sflag:s9] =	ssyncset.done $0x0  }
0x24: {  	s30 =	rddreg [dreg:$0xb];
	[sflag:s9] =	ssyncadd.s32 $0xFFFFFFE0  }
0x25: {  	[tilespmem:s30], [sflag:$0x7] =	stream.linear.gather [hbm4b:s20+s2], $0x20, $0x38;
	[tilespmem:$0x10200] =	vst v63  }
0x26: {  	_ =	swait.ge [sflag:s9], $0x20  }
0x27: {  	[sflag:s9] =	ssyncset.done $0x0  }
0x28: {  	[sflag:s9] =	ssyncadd.s32 $0xFFFFFFE0  }
0x29: {  	_ =	swait.ge [sflag:s11], $0x8000  }
0x2a: {  	[sflag:s11] =	ssyncset.done $0x0  }
0x2b: {  	[sflag:s11] =	ssyncadd.s32 $0xFFFF8000  }
0x2c: {  	v3 =	vld [tilespmem:$0x0];
	_ =	sdelay $0x4  }
0x2d: {  	v4 =	vshll.u32 v3, $0x3  }
0x2e: {  	v3 =	vand.u32 $0x7, v3;
	v4 =	vand.u32 $0xFFFFFFC0, v4  }
0x2f: {  	v3 =	vor.u32 v3, v4  }
0x30: {  	v4 =	vperm.xlane v3, v0;
	_ =	sdelay $0x1  }
0x31: {  	v4 =	vadd.s32 v1, v4;
	_ =	sdelay $0x4  }
0x32: {  	[hbm4b:s3+s2] =	stream.indirect_vreg.scatter [tilespmem:s8], [sflag:$0x3], $0x80, v4, vm0, $0xb8;
	[tilespmem:$0x10200] =	vst v63  }
0x33: {  	s26 =	simm.s32 $0xA00;
	v3 =	vperm.xlane v3, v2  }
0x34: {  	[hbm4b:s4+s2] =	stream.indirect_vreg.scatter [tilespmem:s26], [sflag:$0x3], $0x80, v4, vm0, $0xb8;
	[tilespmem:$0x10200] =	vst v63  }
0x35: {  	s29 =	simm.s32 $0x1200;
	v3 =	vadd.s32 v1, v3  }
0x36: {  	[hbm4b:s5+s2] =	stream.indirect_vreg.scatter [tilespmem:s29], [sflag:$0x3], $0x80, v4, vm0, $0xb8;
	[tilespmem:$0x10200] =	vst v63  }
0x37: {  	s30 =	simm.s32 $0x1A00  }
0x38: {  	[hbm4b:s6+s2] =	stream.indirect_vreg.scatter [tilespmem:s30], [sflag:$0x3], $0x80, v4, vm0, $0xb8;
	[tilespmem:$0x10200] =	vst v63  }
0x39: {  	_ = 	snop  }
0x3a: {  	[hbm4b:s3+s2] =	stream.indirect_vreg.scatter [tilespmem:s31], [sflag:$0x3], $0x80, v3, vm0, $0xb8;
	[tilespmem:$0x10200] =	vst v63  }
0x3b: {  	s0 =	simm.s32 $0x2A00  }
0x3c: {  	[hbm4b:s4+s2] =	stream.indirect_vreg.scatter [tilespmem:s0], [sflag:$0x3], $0x80, v3, vm0, $0xb8;
	[tilespmem:$0x10200] =	vst v63  }
0x3d: {  	s1 =	simm.s32 $0x3200  }
0x3e: {  	[hbm4b:s5+s2] =	stream.indirect_vreg.scatter [tilespmem:s1], [sflag:$0x3], $0x80, v3, vm0, $0xb8;
	[tilespmem:$0x10200] =	vst v63  }
0x3f: {  	s12 =	simm.s32 $0x3A00  }
0x40: {  	[hbm4b:s6+s2] =	stream.indirect_vreg.scatter [tilespmem:s12], [sflag:$0x3], $0x80, v3, vm0, $0xb8;
	[tilespmem:$0x10200] =	vst v63  }
0x41: {  	v3 =	vld [tilespmem:$0x10];
	_ =	sdelay $0x4  }
0x42: {  	v57 =	vshll.u32 v3, $0x3  }
0x43: {  	v3 =	vand.u32 $0x7, v3;
	v4 =	vand.u32 $0xFFFFFFC0, v57  }
0x44: {  	v3 =	vor.u32 v3, v4  }
0x45: {  	v4 =	vperm.xlane v3, v0;
	_ =	sdelay $0x1  }
0x46: {  	v4 =	vadd.s32 v1, v4;
	_ =	sdelay $0x3  }
0x47: {  	s13 =	simm.s32 $0x4200  }
0x48: {  	[hbm4b:s3+s2] =	stream.indirect_vreg.scatter [tilespmem:s13], [sflag:$0x3], $0x80, v4, vm0, $0xb8;
	[tilespmem:$0x10200] =	vst v63  }
0x49: {  	s14 =	simm.s32 $0x4A00;
	v3 =	vperm.xlane v3, v2  }
0x4a: {  	[hbm4b:s4+s2] =	stream.indirect_vreg.scatter [tilespmem:s14], [sflag:$0x3], $0x80, v4, vm0, $0xb8;
	[tilespmem:$0x10200] =	vst v63  }
0x4b: {  	s15 =	simm.s32 $0x5200;
	v3 =	vadd.s32 v1, v3  }
0x4c: {  	[hbm4b:s5+s2] =	stream.indirect_vreg.scatter [tilespmem:s15], [sflag:$0x3], $0x80, v4, vm0, $0xb8;
	[tilespmem:$0x10200] =	vst v63  }
0x4d: {  	s16 =	simm.s32 $0x5A00  }
0x4e: {  	[hbm4b:s6+s2] =	stream.indirect_vreg.scatter [tilespmem:s16], [sflag:$0x3], $0x80, v4, vm0, $0xb8;
	[tilespmem:$0x10200] =	vst v63  }
0x4f: {  	s17 =	simm.s32 $0x6200  }
0x50: {  	[hbm4b:s3+s2] =	stream.indirect_vreg.scatter [tilespmem:s17], [sflag:$0x3], $0x80, v3, vm0, $0xb8;
	[tilespmem:$0x10200] =	vst v63  }
0x51: {  	s18 =	simm.s32 $0x6A00  }
0x52: {  	[hbm4b:s4+s2] =	stream.indirect_vreg.scatter [tilespmem:s18], [sflag:$0x3], $0x80, v3, vm0, $0xb8;
	[tilespmem:$0x10200] =	vst v63  }
0x53: {  	s19 =	simm.s32 $0x7200  }
0x54: {  	[hbm4b:s5+s2] =	stream.indirect_vreg.scatter [tilespmem:s19], [sflag:$0x3], $0x80, v3, vm0, $0xb8;
	[tilespmem:$0x10200] =	vst v63  }
0x55: {  	s20 =	simm.s32 $0x7A00  }
0x56: {  	[hbm4b:s6+s2] =	stream.indirect_vreg.scatter [tilespmem:s20], [sflag:$0x3], $0x80, v3, vm0, $0xb8;
	[tilespmem:$0x10200] =	vst v63  }
0x57: {  	v3 =	vld [tilespmem:$0x100];
	_ =	sdelay $0x4  }
0x58: {  	v58 =	vshll.u32 v3, $0x3  }
0x59: {  	v3 =	vand.u32 $0x7, v3;
	v4 =	vand.u32 $0xFFFFFFC0, v58  }
0x5a: {  	v3 =	vor.u32 v3, v4  }
0x5b: {  	v4 =	vperm.xlane v3, v0;
	_ =	sdelay $0x1  }
0x5c: {  	v4 =	vadd.s32 v1, v4;
	_ =	sdelay $0x4  }
0x5d: {  	[hbm4b:s3+s2] =	stream.indirect_vreg.scatter [tilespmem:s8], [sflag:$0x5], $0x80, v4, vm0, $0xb8;
	[tilespmem:$0x10200] =	vst v63  }
0x5e: {  	v3 =	vperm.xlane v3, v2  }
0x5f: {  	[hbm4b:s4+s2] =	stream.indirect_vreg.scatter [tilespmem:s26], [sflag:$0x5], $0x80, v4, vm0, $0xb8;
	[tilespmem:$0x10200] =	vst v63  }
0x60: {  	v3 =	vadd.s32 v1, v3  }
0x61: {  	[hbm4b:s5+s2] =	stream.indirect_vreg.scatter [tilespmem:s29], [sflag:$0x5], $0x80, v4, vm0, $0xb8;
	[tilespmem:$0x10200] =	vst v63  }
0x62: {  	_ = 	snop  }
0x63: {  	[hbm4b:s6+s2] =	stream.indirect_vreg.scatter [tilespmem:s30], [sflag:$0x5], $0x80, v4, vm0, $0xb8;
	[tilespmem:$0x10200] =	vst v63  }
0x64: {  	_ = 	snop  }
0x65: {  	[hbm4b:s3+s2] =	stream.indirect_vreg.scatter [tilespmem:s31], [sflag:$0x5], $0x80, v3, vm0, $0xb8;
	[tilespmem:$0x10200] =	vst v63  }
0x66: {  	_ = 	snop  }
0x67: {  	[hbm4b:s4+s2] =	stream.indirect_vreg.scatter [tilespmem:s0], [sflag:$0x5], $0x80, v3, vm0, $0xb8;
	[tilespmem:$0x10200] =	vst v63  }
0x68: {  	_ = 	snop  }
0x69: {  	[hbm4b:s5+s2] =	stream.indirect_vreg.scatter [tilespmem:s1], [sflag:$0x5], $0x80, v3, vm0, $0xb8;
	[tilespmem:$0x10200] =	vst v63  }
0x6a: {  	_ = 	snop  }
0x6b: {  	[hbm4b:s6+s2] =	stream.indirect_vreg.scatter [tilespmem:s12], [sflag:$0x5], $0x80, v3, vm0, $0xb8;
	[tilespmem:$0x10200] =	vst v63  }
0x6c: {  	v3 =	vld [tilespmem:$0x110];
	_ =	sdelay $0x4  }
0x6d: {  	v59 =	vshll.u32 v3, $0x3  }
0x6e: {  	v3 =	vand.u32 $0x7, v3;
	v4 =	vand.u32 $0xFFFFFFC0, v59  }
0x6f: {  	v3 =	vor.u32 v3, v4  }
0x70: {  	v4 =	vperm.xlane v3, v0;
	_ =	sdelay $0x1  }
0x71: {  	v4 =	vadd.s32 v1, v4;
	_ =	sdelay $0x4  }
0x72: {  	[hbm4b:s3+s2] =	stream.indirect_vreg.scatter [tilespmem:s13], [sflag:$0x5], $0x80, v4, vm0, $0xb8;
	[tilespmem:$0x10200] =	vst v63  }
0x73: {  	v3 =	vperm.xlane v3, v2  }
0x74: {  	[hbm4b:s4+s2] =	stream.indirect_vreg.scatter [tilespmem:s14], [sflag:$0x5], $0x80, v4, vm0, $0xb8;
	[tilespmem:$0x10200] =	vst v63  }
0x75: {  	v3 =	vadd.s32 v1, v3  }
0x76: {  	[hbm4b:s5+s2] =	stream.indirect_vreg.scatter [tilespmem:s15], [sflag:$0x5], $0x80, v4, vm0, $0xb8;
	[tilespmem:$0x10200] =	vst v63  }
0x77: {  	_ = 	snop  }
0x78: {  	[hbm4b:s6+s2] =	stream.indirect_vreg.scatter [tilespmem:s16], [sflag:$0x5], $0x80, v4, vm0, $0xb8;
	[tilespmem:$0x10200] =	vst v63  }
0x79: {  	_ = 	snop  }
0x7a: {  	[hbm4b:s3+s2] =	stream.indirect_vreg.scatter [tilespmem:s17], [sflag:$0x5], $0x80, v3, vm0, $0xb8;
	[tilespmem:$0x10200] =	vst v63  }
0x7b: {  	_ = 	snop  }
0x7c: {  	[hbm4b:s4+s2] =	stream.indirect_vreg.scatter [tilespmem:s18], [sflag:$0x5], $0x80, v3, vm0, $0xb8;
	[tilespmem:$0x10200] =	vst v63  }
0x7d: {  	_ = 	snop  }
0x7e: {  	[hbm4b:s5+s2] =	stream.indirect_vreg.scatter [tilespmem:s19], [sflag:$0x5], $0x80, v3, vm0, $0xb8;
	[tilespmem:$0x10200] =	vst v63  }
0x7f: {  	_ = 	snop  }
0x80: {  	[hbm4b:s6+s2] =	stream.indirect_vreg.scatter [tilespmem:s20], [sflag:$0x5], $0x80, v3, vm0, $0xb8;
	[tilespmem:$0x10200] =	vst v63  }
0x81: {  	_ =	swait.ge [sflag:s28], $0x8000  }
0x82: {  	[sflag:s28] =	ssyncset.done $0x0  }
0x83: {  	[sflag:s28] =	ssyncadd.s32 $0xFFFF8000  }
0x84: {  	v3 =	vld [tilespmem:$0x80];
	_ =	sdelay $0x4  }
0x85: {  	v60 =	vshll.u32 v3, $0x3  }
0x86: {  	v3 =	vand.u32 $0x7, v3;
	v4 =	vand.u32 $0xFFFFFFC0, v60  }
0x87: {  	v3 =	vor.u32 v3, v4  }
0x88: {  	v4 =	vperm.xlane v3, v0;
	_ =	sdelay $0x1  }
0x89: {  	v4 =	vadd.s32 v1, v4;
	_ =	sdelay $0x4  }
0x8a: {  	[hbm4b:s3+s2] =	stream.indirect_vreg.scatter [tilespmem:s10], [sflag:$0x4], $0x80, v4, vm0, $0xb8;
	[tilespmem:$0x10200] =	vst v63  }
0x8b: {  	s0 =	simm.s32 $0x8A00;
	v3 =	vperm.xlane v3, v2  }
0x8c: {  	[hbm4b:s4+s2] =	stream.indirect_vreg.scatter [tilespmem:s0], [sflag:$0x4], $0x80, v4, vm0, $0xb8;
	[tilespmem:$0x10200] =	vst v63  }
0x8d: {  	s1 =	simm.s32 $0x9200;
	v3 =	vadd.s32 v1, v3  }
0x8e: {  	[hbm4b:s5+s2] =	stream.indirect_vreg.scatter [tilespmem:s1], [sflag:$0x4], $0x80, v4, vm0, $0xb8;
	[tilespmem:$0x10200] =	vst v63  }
0x8f: {  	s12 =	simm.s32 $0x9A00  }
0x90: {  	[hbm4b:s6+s2] =	stream.indirect_vreg.scatter [tilespmem:s12], [sflag:$0x4], $0x80, v4, vm0, $0xb8;
	[tilespmem:$0x10200] =	vst v63  }
0x91: {  	s13 =	simm.s32 $0xA200  }
0x92: {  	[hbm4b:s3+s2] =	stream.indirect_vreg.scatter [tilespmem:s13], [sflag:$0x4], $0x80, v3, vm0, $0xb8;
	[tilespmem:$0x10200] =	vst v63  }
0x93: {  	s14 =	simm.s32 $0xAA00  }
0x94: {  	[hbm4b:s4+s2] =	stream.indirect_vreg.scatter [tilespmem:s14], [sflag:$0x4], $0x80, v3, vm0, $0xb8;
	[tilespmem:$0x10200] =	vst v63  }
0x95: {  	s15 =	simm.s32 $0xB200  }
0x96: {  	[hbm4b:s5+s2] =	stream.indirect_vreg.scatter [tilespmem:s15], [sflag:$0x4], $0x80, v3, vm0, $0xb8;
	[tilespmem:$0x10200] =	vst v63  }
0x97: {  	s16 =	simm.s32 $0xBA00  }
0x98: {  	[hbm4b:s6+s2] =	stream.indirect_vreg.scatter [tilespmem:s16], [sflag:$0x4], $0x80, v3, vm0, $0xb8;
	[tilespmem:$0x10200] =	vst v63  }
0x99: {  	v3 =	vld [tilespmem:$0x90];
	_ =	sdelay $0x4  }
0x9a: {  	v61 =	vshll.u32 v3, $0x3  }
0x9b: {  	v3 =	vand.u32 $0x7, v3;
	v4 =	vand.u32 $0xFFFFFFC0, v61  }
0x9c: {  	v3 =	vor.u32 v3, v4  }
0x9d: {  	v4 =	vperm.xlane v3, v0;
	_ =	sdelay $0x1  }
0x9e: {  	v4 =	vadd.s32 v1, v4;
	_ =	sdelay $0x3  }
0x9f: {  	s17 =	simm.s32 $0xC200  }
0xa0: {  	[hbm4b:s3+s2] =	stream.indirect_vreg.scatter [tilespmem:s17], [sflag:$0x4], $0x80, v4, vm0, $0xb8;
	[tilespmem:$0x10200] =	vst v63  }
0xa1: {  	s18 =	simm.s32 $0xCA00;
	v3 =	vperm.xlane v3, v2  }
0xa2: {  	[hbm4b:s4+s2] =	stream.indirect_vreg.scatter [tilespmem:s18], [sflag:$0x4], $0x80, v4, vm0, $0xb8;
	[tilespmem:$0x10200] =	vst v63  }
0xa3: {  	s19 =	simm.s32 $0xD200;
	v3 =	vadd.s32 v1, v3  }
0xa4: {  	[hbm4b:s5+s2] =	stream.indirect_vreg.scatter [tilespmem:s19], [sflag:$0x4], $0x80, v4, vm0, $0xb8;
	[tilespmem:$0x10200] =	vst v63  }
0xa5: {  	s20 =	simm.s32 $0xDA00  }
0xa6: {  	[hbm4b:s6+s2] =	stream.indirect_vreg.scatter [tilespmem:s20], [sflag:$0x4], $0x80, v4, vm0, $0xb8;
	[tilespmem:$0x10200] =	vst v63  }
0xa7: {  	s26 =	simm.s32 $0xE200  }
0xa8: {  	[hbm4b:s3+s2] =	stream.indirect_vreg.scatter [tilespmem:s26], [sflag:$0x4], $0x80, v3, vm0, $0xb8;
	[tilespmem:$0x10200] =	vst v63  }
0xa9: {  	s29 =	simm.s32 $0xEA00  }
0xaa: {  	[hbm4b:s4+s2] =	stream.indirect_vreg.scatter [tilespmem:s29], [sflag:$0x4], $0x80, v3, vm0, $0xb8;
	[tilespmem:$0x10200] =	vst v63  }
0xab: {  	s30 =	simm.s32 $0xF200  }
0xac: {  	[hbm4b:s5+s2] =	stream.indirect_vreg.scatter [tilespmem:s30], [sflag:$0x4], $0x80, v3, vm0, $0xb8;
	[tilespmem:$0x10200] =	vst v63  }
0xad: {  	_ = 	snop  }
0xae: {  	[hbm4b:s6+s2] =	stream.indirect_vreg.scatter [tilespmem:s21], [sflag:$0x4], $0x80, v3, vm0, $0xb8;
	[tilespmem:$0x10200] =	vst v63  }
0xaf: {  	v3 =	vld [tilespmem:$0x180];
	_ =	sdelay $0x4  }
0xb0: {  	v62 =	vshll.u32 v3, $0x3  }
0xb1: {  	v3 =	vand.u32 $0x7, v3;
	v4 =	vand.u32 $0xFFFFFFC0, v62  }
0xb2: {  	v3 =	vor.u32 v3, v4  }
0xb3: {  	v4 =	vperm.xlane v3, v0;
	_ =	sdelay $0x1  }
0xb4: {  	v4 =	vadd.s32 v1, v4;
	_ =	sdelay $0x4  }
0xb5: {  	[hbm4b:s3+s2] =	stream.indirect_vreg.scatter [tilespmem:s10], [sflag:$0x6], $0x80, v4, vm0, $0xb8;
	[tilespmem:$0x10200] =	vst v63  }
0xb6: {  	v3 =	vperm.xlane v3, v2  }
0xb7: {  	[hbm4b:s4+s2] =	stream.indirect_vreg.scatter [tilespmem:s0], [sflag:$0x6], $0x80, v4, vm0, $0xb8;
	[tilespmem:$0x10200] =	vst v63  }
0xb8: {  	v3 =	vadd.s32 v1, v3  }
0xb9: {  	[hbm4b:s5+s2] =	stream.indirect_vreg.scatter [tilespmem:s1], [sflag:$0x6], $0x80, v4, vm0, $0xb8;
	[tilespmem:$0x10200] =	vst v63  }
0xba: {  	_ = 	snop  }
0xbb: {  	[hbm4b:s6+s2] =	stream.indirect_vreg.scatter [tilespmem:s12], [sflag:$0x6], $0x80, v4, vm0, $0xb8;
	[tilespmem:$0x10200] =	vst v63  }
0xbc: {  	_ = 	snop  }
0xbd: {  	[hbm4b:s3+s2] =	stream.indirect_vreg.scatter [tilespmem:s13], [sflag:$0x6], $0x80, v3, vm0, $0xb8;
	[tilespmem:$0x10200] =	vst v63  }
0xbe: {  	_ = 	snop  }
0xbf: {  	[hbm4b:s4+s2] =	stream.indirect_vreg.scatter [tilespmem:s14], [sflag:$0x6], $0x80, v3, vm0, $0xb8;
	[tilespmem:$0x10200] =	vst v63  }
0xc0: {  	_ = 	snop  }
0xc1: {  	[hbm4b:s5+s2] =	stream.indirect_vreg.scatter [tilespmem:s15], [sflag:$0x6], $0x80, v3, vm0, $0xb8;
	[tilespmem:$0x10200] =	vst v63  }
0xc2: {  	_ = 	snop  }
0xc3: {  	[hbm4b:s6+s2] =	stream.indirect_vreg.scatter [tilespmem:s16], [sflag:$0x6], $0x80, v3, vm0, $0xb8;
	[tilespmem:$0x10200] =	vst v63  }
0xc4: {  	v3 =	vld [tilespmem:$0x190];
	_ =	sdelay $0x4  }
0xc5: {  	v63 =	vshll.u32 v3, $0x3  }
0xc6: {  	v3 =	vand.u32 $0x7, v3;
	v4 =	vand.u32 $0xFFFFFFC0, v63  }
0xc7: {  	v3 =	vor.u32 v3, v4  }
0xc8: {  	v4 =	vperm.xlane v3, v0;
	_ =	sdelay $0x1  }
0xc9: {  	v4 =	vadd.s32 v1, v4;
	_ =	sdelay $0x4  }
0xca: {  	[hbm4b:s3+s2] =	stream.indirect_vreg.scatter [tilespmem:s17], [sflag:$0x6], $0x80, v4, vm0, $0xb8;
	[tilespmem:$0x10200] =	vst v63  }
0xcb: {  	v3 =	vperm.xlane v3, v2  }
0xcc: {  	[hbm4b:s4+s2] =	stream.indirect_vreg.scatter [tilespmem:s18], [sflag:$0x6], $0x80, v4, vm0, $0xb8;
	[tilespmem:$0x10200] =	vst v63  }
0xcd: {  	v3 =	vadd.s32 v1, v3  }
0xce: {  	[hbm4b:s5+s2] =	stream.indirect_vreg.scatter [tilespmem:s19], [sflag:$0x6], $0x80, v4, vm0, $0xb8;
	[tilespmem:$0x10200] =	vst v63  }
0xcf: {  	_ = 	snop  }
0xd0: {  	[hbm4b:s6+s2] =	stream.indirect_vreg.scatter [tilespmem:s20], [sflag:$0x6], $0x80, v4, vm0, $0xb8;
	[tilespmem:$0x10200] =	vst v63  }
0xd1: {  	_ = 	snop  }
0xd2: {  	[hbm4b:s3+s2] =	stream.indirect_vreg.scatter [tilespmem:s26], [sflag:$0x6], $0x80, v3, vm0, $0xb8;
	[tilespmem:$0x10200] =	vst v63  }
0xd3: {  	_ = 	snop  }
0xd4: {  	[hbm4b:s4+s2] =	stream.indirect_vreg.scatter [tilespmem:s29], [sflag:$0x6], $0x80, v3, vm0, $0xb8;
	[tilespmem:$0x10200] =	vst v63  }
0xd5: {  	_ = 	snop  }
0xd6: {  	[hbm4b:s5+s2] =	stream.indirect_vreg.scatter [tilespmem:s30], [sflag:$0x6], $0x80, v3, vm0, $0xb8;
	[tilespmem:$0x10200] =	vst v63  }
0xd7: {  	_ = 	snop  }
0xd8: {  	[hbm4b:s6+s2] =	stream.indirect_vreg.scatter [tilespmem:s21], [sflag:$0x6], $0x80, v3, vm0, $0xb8;
	[tilespmem:$0x10200] =	vst v63  }
0xd9: {  	_ =	swait.ge [sflag:s22], $0x8000  }
0xda: {  	[sflag:s22] =	ssyncset.done $0x0  }
0xdb: {  	[sflag:s22] =	ssyncadd.s32 $0xFFFF8000  }
0xdc: {  	_ =	swait.ge [sflag:s23], $0x8000  }
0xdd: {  	[sflag:s23] =	ssyncset.done $0x0  }
0xde: {  	[sflag:s23] =	ssyncadd.s32 $0xFFFF8000  }
0xdf: {  	p0 =	sne.s32 s7, $0x1;
	_ =	swait.ge [sflag:s24], $0x8000  }
.Ltmp0:
0xe0: {  	[sflag:s24] =	ssyncset.done $0x0;
	(pc) =	sbr.rel @p0 .LBB2_1-.Ltmp0, $4  }
0xe1: {  	[sflag:s24] =	ssyncadd.s32 $0xFFFF8000  }
0xe2: {  	_ =	swait.ge [sflag:s25], $0x8000  }
0xe3: {  	[sflag:s25] =	ssyncset.done $0x0  }
0xe4: {  	s7 =	sadd.s32 $0xFFFFFFFF, s7;
	[sflag:s25] =	ssyncadd.s32 $0xFFFF8000  }
0xe5: {  	_ =	sfence.sel $0x180000  }
0xe6: {  	[bflag:$0x0] =	sbarrier.arrive $0xFFFF  }
0xe7: {  	_ =	strace $0x90000047  }
0xe8: {  	s0 =	stileid.u32;
	[bflag:$0x2] =	sbarrier.arrive $0xFFFF  }
0xe9: {  	p0 =	sne.s32 s0, $0x0;
	s0 =	rddreg [dreg:$0x2]  }
0xea: {  	s0 =	sadd.s32 @!p0 $0x100000, s0  }
0xeb: {  	[sflag:s0] =	ssyncadd.tile.s32 @!p0 $0x1;
	_ =	shalt  }
.Lfunc_end2:
_tile_overlayer_lowered:
.L_overlay_start_2:
0xec: {  	(tag) =	ssettag $0x2  }
0xed: {  	s0 =	rddreg [dreg:$0x0];
	s2 =	stileid.u32  }
0xee: {  	s1 =	rddreg [dreg:$0x1];
	p0 =	sne.s32 s2, $0x0  }
0xef: {  	s3 =	rddreg [dreg:$0x2];
	[bflag:$0x3] =	sbarrier.arrive $0xFFFF;
	s2 =	simm.s32 @!p0 $0x1C07  }
0xf0: {  	[timem:s3], [sflag:s2] =	dma.local @!p0 [hbm:s0], s1  }
0xf1: {  	s0 =	simm.s32 @!p0 $0x7  }
0xf2: {  	_ =	swait.ge @!p0 [sflag:s0], s1  }
0xf3: {  	s1 =	ssub.s32 @!p0 $0x0, s1;
	[sflag:s0] =	ssyncset.done @!p0 $0x0  }
0xf4: {  	[sflag:s0] =	ssyncadd.s32 @!p0 s1  }
0xf5: {  	[bflag:$0x3] =	sbarrier.arrive $0xFFFF  }
0xf6: {  	_ =	shalt  }

// kernel: kernel.9.cloned.1.call-start
scs
__scs_entry_jumppad:
0x0: {  	(pc) =	sbr.rel $0x88, $3  }
0x1: {  	(tag) =	ssettag $0x0;
	lr =	simm.s32 $0x1  }
0x2: {  	[smem:$0x3F9C] =	sst lr;
	_ =	strace $0xD0000000  }
0x3: {  	_ = 	snop  }
0x4: {  	_ = 	snop  }
0x5: {  	_ = 	snop  }
0x6: {  	_ = 	snop  }
0x7: {  	_ = 	snop  }
__scs_overlays_trampoline_lowered:
0x8: {  	[smem:$0x3FAB] =	sst s0  }
0x9: {  	[smem:$0x3FAC] =	sst s1  }
0xa: {  	[smem:$0x3FAD] =	sst s2  }
0xb: {  	[smem:$0x3FAE] =	sst s3  }
0xc: {  	[smem:$0x3FAF] =	sst s4  }
0xd: {  	[smem:$0x3FB0] =	sst s5  }
0xe: {  	[smem:$0x3FB1] =	sst s6  }
0xf: {  	[smem:$0x3FB2] =	sst s7  }
0x10: {  	[smem:$0x3FB3] =	sst s8  }
0x11: {  	[smem:$0x3FB4] =	sst s9;
	s0 =	simm.s32 @!p0 $0x0  }
0x12: {  	s1 =	sld [smem:$0x3F9A];
	s0 =	simm.s32 @p0 $0x1  }
0x13: {  	[smem:$0x3FB5] =	sst s0;
	s0 =	simm.s32 @!p1 $0x0  }
0x14: {  	s2 =	sld [smem:$0x3F99];
	s0 =	simm.s32 @p1 $0x1  }
0x15: {  	[smem:$0x3FB6] =	sst s0;
	s0 =	simm.s32 @!p2 $0x0  }
0x16: {  	s3 =	sld [smem:$0x3FDB];
	s0 =	simm.s32 @p2 $0x1  }
0x17: {  	s4 =	simm.s32 $0x1BF5;
	[smem:$0x3FB8] =	sst s0  }
0x18: {  	s0 =	sld [smem:$0x3F9B];
	_ =	swait.ge [sflag:s4], $0x0  }
0x19: {  	s7 =	sld [smem:$0x3F9C]  }
0x1a: {  	s8 =	sadd.s32 $0xFFFFE003, lr  }
0x1b: {  	s9 =	sadd.s32 $0xFFFFFEF7, lr;
	s5 =	simm.s32 $0xFFFFFFFF;
	p2 =	slt.u32 s8, $0xFFFFF086  }
0x1c: {  	p1 =	slt.u32 s9, $0xF7A;
	s5 =	simm.s32 @!p2 $0x0  }
0x1d: {  	s5 =	simm.s32 @p1 $0x1;
	p0 =	seq.s32 s7, s2  }
0x1e: {  	s7 =	smul.u32 @!p0 $0xF7A, s2;
	p2 =	seq.s32 @!p0 s5, $0x0  }
0x1f: {  	s9 =	smul.u32 $0xF7A, s1;
	s8 =	simm.s32 @!p0 $0x1BF5;
	p2 =	por !p2, p0  }
0x20: {  	[sflag:s8] =	ssyncset.s32 @!p0 $0xFFFFF086;
	s6 =	sadd.s32 @!p0 s3, s7;
	s7 =	simm.s32 @!p0 $0x108  }
0x21: {  	s3 =	sadd.s32 s3, s9;
	s6 =	sadd.s32 @!p0 $0x88, s6;
	s7 =	simm.s32 @p2 $0x1082  }
0x22: {  	[simem:s7], [sflag:s8] =	dma.local @!p0 [hbm:s6], $0xF7A  }
0x23: {  	s9 =	sor.u32 $0xD0000000, s2;
	s6 =	simm.s32 $0x108;
	_ =	swait.ge @!p0 [sflag:s8], $0x0  }
0x24: {  	s3 =	sadd.s32 $0x88, s3;
	s6 =	simm.s32 @!p1 $0x1082;
	[sflag:s4] =	ssyncset.s32 $0xFFFFF086  }
0x25: {  	[simem:s6], [sflag:s4] =	dma.local [hbm:s3], $0xF7A  }
0x26: {  	[smem:$0x3F9C] =	sst s1;
	(tag) =	ssettag s2;
	_ =	strace s9  }
0x27: {  	s1 =	sld [smem:$0x3FAC]  }
0x28: {  	s2 =	sld [smem:$0x3FAD]  }
0x29: {  	s4 =	sld [smem:$0x3FAF]  }
0x2a: {  	p0 =	seq.s32 s5, $0x0;
	s5 =	sld [smem:$0x3FB0]  }
0x2b: {  	s6 =	sld [smem:$0x3FB1]  }
0x2c: {  	s7 =	sld [smem:$0x3FB2]  }
0x2d: {  	s3 =	simm.s32 $0x108;
	s8 =	sld [smem:$0x3FB3]  }
0x2e: {  	s3 =	simm.s32 @!p0 $0x1082;
	s9 =	sld [smem:$0x3FB4]  }
0x2f: {  	lr =	sadd.s32 s0, s3;
	s0 =	sld [smem:$0x3FAB]  }
0x30: {  	s3 =	sld [smem:$0x3FAE]  }
0x31: {  	[smem:$0x3FB7] =	sst s10  }
0x32: {  	s10 =	sld [smem:$0x3FB5];
	_ =	sdelay $0x3  }
0x33: {  	p0 =	seq.s32 s10, $0x1;
	s10 =	sld [smem:$0x3FB7];
	_ =	sdelay $0x3  }
0x34: {  	[smem:$0x3FB7] =	sst s10  }
0x35: {  	s10 =	sld [smem:$0x3FB6];
	_ =	sdelay $0x3  }
0x36: {  	p1 =	seq.s32 s10, $0x1;
	s10 =	sld [smem:$0x3FB7];
	_ =	sdelay $0x3  }
0x37: {  	[smem:$0x3FB7] =	sst s10  }
0x38: {  	s10 =	sld [smem:$0x3FB8]  }
0x39: {  	_ = 	snop;
	(pc) =	sbr.ind lr, $3  }
0x3a: {  	_ = 	snop  }
0x3b: {  	_ = 	snop  }
0x3c: {  	p2 =	seq.s32 s10, $0x1;
	s10 =	sld [smem:$0x3FB7]  }
0x3d: {  	_ =	shalt  }
0x3e: {  	_ =	shalt  }
0x3f: {  	_ =	shalt  }
0x40: {  	_ =	shalt  }
0x41: {  	_ =	shalt  }
0x42: {  	_ =	shalt  }
0x43: {  	_ =	shalt  }
0x44: {  	_ =	shalt  }
0x45: {  	_ =	shalt  }
0x46: {  	_ =	shalt  }
0x47: {  	_ =	shalt  }
0x48: {  	_ =	shalt  }
0x49: {  	_ =	shalt  }
0x4a: {  	_ =	shalt  }
0x4b: {  	_ =	shalt  }
0x4c: {  	_ =	shalt  }
0x4d: {  	_ =	shalt  }
0x4e: {  	_ =	shalt  }
0x4f: {  	_ =	shalt  }
0x50: {  	_ =	shalt  }
0x51: {  	_ =	shalt  }
0x52: {  	_ =	shalt  }
0x53: {  	_ =	shalt  }
0x54: {  	_ =	shalt  }
0x55: {  	_ =	shalt  }
0x56: {  	_ =	shalt  }
0x57: {  	_ =	shalt  }
0x58: {  	_ =	shalt  }
0x59: {  	_ =	shalt  }
0x5a: {  	_ =	shalt  }
0x5b: {  	_ =	shalt  }
0x5c: {  	_ =	shalt  }
0x5d: {  	_ =	shalt  }
0x5e: {  	_ =	shalt  }
0x5f: {  	_ =	shalt  }
0x60: {  	_ =	shalt  }
0x61: {  	_ =	shalt  }
0x62: {  	_ =	shalt  }
0x63: {  	_ =	shalt  }
0x64: {  	_ =	shalt  }
0x65: {  	_ =	shalt  }
0x66: {  	_ =	shalt  }
0x67: {  	_ =	shalt  }
0x68: {  	_ =	shalt  }
0x69: {  	_ =	shalt  }
0x6a: {  	_ =	shalt  }
0x6b: {  	_ =	shalt  }
0x6c: {  	_ =	shalt  }
0x6d: {  	_ =	shalt  }
0x6e: {  	_ =	shalt  }
0x6f: {  	_ =	shalt  }
0x70: {  	_ =	shalt  }
0x71: {  	_ =	shalt  }
0x72: {  	_ =	shalt  }
0x73: {  	_ =	shalt  }
0x74: {  	_ =	shalt  }
0x75: {  	_ =	shalt  }
0x76: {  	_ =	shalt  }
0x77: {  	_ =	shalt  }
0x78: {  	_ =	shalt  }
0x79: {  	_ =	shalt  }
0x7a: {  	_ =	shalt  }
0x7b: {  	_ =	shalt  }
0x7c: {  	_ =	shalt  }
0x7d: {  	_ =	shalt  }
0x7e: {  	_ =	shalt  }
0x7f: {  	_ =	shalt  }
0x80: {  	_ =	shalt  }
0x81: {  	_ =	shalt  }
0x82: {  	_ =	shalt  }
0x83: {  	_ =	shalt  }
0x84: {  	_ =	shalt  }
0x85: {  	_ =	shalt  }
0x86: {  	_ =	shalt  }
0x87: {  	_ =	shalt  }
.Lfunc_end0:
.L_simem_size_0:
called_computation.1_lowered:
.L_overlay_start_0:
0x88: {  	s2 =	sld [smem:$0x3FD9]  }
0x89: {  	s3 =	sld [smem:$0x3FFE];
	_ =	sdelay $0x1  }
0x8a: {  	s1 =	srdreg.scid  }
0x8b: {  	s0 =	sand.u32 $0x1, s1  }
0x8c: {  	s14 =	sshll.u32 s0, $0xA;
	s2 =	sadd.s32 s3, s2  }
0x8d: {  	s2 =	sadd.s32 s2, s14  }
0x8e: {  	[smem:$0x3FC3] =	sst s2  }
0x8f: {  	_ = 	snop  }
0x90: {  	s2 =	sld [smem:$0x3FD0];
	_ =	sdelay $0x2  }
0x91: {  	s15 =	simm.s32 $0xA;
	s4 =	simm.s32 $0x10  }
0x92: {  	[smem:s4], [sflag:s15] =	dma.local [hbm:s2], $0x1  }
0x93: {  	_ =	swait.eq [sflag:s15], $0x1  }
0x94: {  	[sflag:s15] =	ssyncset.done $0x0  }
0x95: {  	[sflag:s15] =	ssyncadd.s32 $0xFFFFFFFF  }
0x96: {  	s16 =	sld [smem:$0x10];
	(tm) =	ssettm $0x1  }
0x97: {  	s17 =	sld [smem:$0x3FFB];
	_ =	sdelay $0x3  }
0x98: {  	_ =	strace s17  }
0x99: {  	s3 =	sld [smem:$0x3FFC];
	_ =	sdelay $0x3  }
0x9a: {  	_ =	strace s3  }
0x9b: {  	s3 =	sld [smem:$0x3FFD];
	_ =	sdelay $0x3  }
0x9c: {  	_ =	strace s3  }
0x9d: {  	_ =	strace $0x8FFFFFFF  }
0x9e: {  	s18 =	sld [smem:$0x3FDB];
	_ =	sdelay $0x1  }
0x9f: {  	s19 =	simm.s32 $_scs_section_size  }
0xa0: {  	s5 =	simm.s32 $_size__tile_overlayer_lowered;
	s6 =	simm.s32 $_tile_overlayer_lowered  }
0xa1: {  	s22 =	simm.s32 $0x1BFF;
	s21 =	sshll.u32 s6, $0x1;
	s3 =	sadd.s32 s19, s18  }
0xa2: {  	s7 =	simm.s32 $0x0;
	s20 =	sshll.u32 s5, $0x1;
	s5 =	sadd.s32 s21, s3  }
0xa3: {  	[timem:s7], [sflag:s22] =	dma.local [hbm:s5], s20  }
0xa4: {  	_ =	swait.ge [sflag:s22], s20  }
0xa5: {  	s4 =	ssub.s32 $0x0, s20;
	[sflag:s22] =	ssyncset.done $0x0  }
0xa6: {  	[sflag:s22] =	ssyncadd.s32 s4;
	_ =	sdelay $0x1  }
0xa7: {  	s23 =	simm.s32 $0x1B8B  }
0xa8: {  	_ =	swait.ge [sflag:s23], $0x1  }
0xa9: {  	[sflag:s23] =	ssyncset.done $0x0  }
0xaa: {  	s25 =	simm.s32 $0x1B8E;
	s24 =	sld [smem:$0x3FFE];
	[sflag:s23] =	ssyncadd.s32 $0xFFFFFFFF  }
0xab: {  	s26 =	simm.s32 $execute0_lowered;
	[smem:$0x3FD2] =	sst s25  }
0xac: {  	s5 =	sshll.u32 s26, $0x1;
	_ =	strace $0x80000049;
	[dreg:$0x1] =	wrdreg $0xFFFFFFFF  }
0xad: {  	s28 =	simm.s32 $_size_execute0_lowered;
	s3 =	sadd.s32 s3, s5;
	[dreg:$0x0] =	wrdreg $0x0  }
0xae: {  	s5 =	sshll.u32 s28, $0x1;
	[dreg:$0x2] =	wrdreg s3  }
0xaf: {  	[dreg:$0x3] =	wrdreg s5  }
0xb0: {  	[dreg:$0x4] =	wrdreg $0xC0  }
0xb1: {  	_ =	task [dreg:s7], $0x5FFFF  }
0xb2: {  	[dreg:$0x1] =	wrdreg $0xFFFFFFFF  }
0xb3: {  	[dreg:$0x0] =	wrdreg $0x60  }
0xb4: {  	[dreg:$0x2] =	wrdreg s24  }
0xb5: {  	[dreg:$0x3] =	wrdreg s16  }
0xb6: {  	[dreg:$0x4] =	wrdreg $0x9  }
0xb7: {  	_ =	task.clear_ibuf [dreg:s7], $0x5FFFF;
	_ =	strace $0x90000049  }
0xb8: {  	s29 =	simm.s32 $0x9;
	_ =	strace $0x8000004B  }
0xb9: {  	_ =	swait.ge [sflag:s29], $0x1  }
0xba: {  	[sflag:s29] =	ssyncadd.s32 $0xFFFFFFFF  }
0xbb: {  	_ =	strace $0x9000004B  }
0xbc: {  	_ =	sfence  }
0xbd: {  	s30 =	sld [smem:$0x0];
	_ =	sdelay $0x2  }
0xbe: {  	s31 =	sshll.u32 s1, $0xD;
	s1 =	sshrl.u32 s1, $0x2  }
0xbf: {  	s3 =	sand.u32 $0x4000, s31;
	s1 =	sadd.s32 s1, s30  }
0xc0: {  	s0 =	sor.u32 s3, s0;
	s1 =	sshll.u32 s1, $0x11  }
0xc1: {  	s0 =	sor.u32 s1, s0  }
0xc2: {  	s0 =	sadd.s32 $0x8F2B, s0  }
0xc3: {  	[sflag:s0] =	ssyncadd.remote.s32 $0x1  }
0xc4: {  	_ =	sfence.sel $0xFFFF  }
0xc5: {  	[dreg:$0x0] =	wrdreg $0xFFFFFFFF;
	(pc) =	sbr.abs _section_cstart, $3  }
0xc6: {  	[dreg:$0x1] =	wrdreg $0xFFFFFFFF  }
0xc7: {  	_ =	task.clear_ibuf [dreg:s7], $0x2FFFF;
	_ =	strace $0x9FFFFFFF  }
0xc8: {  	(tm) =	ssettm $0x7FFFFFFF  }
0xc9: {  	_ =	shalt  }
tec
execute0_lowered:
.L_overlay_start_1:
0x0: {  	(tag) =	ssettag $0x1  }
0x1: {  	s0 =	rddreg [dreg:$0x0]  }
0x2: {  	s1 =	rddreg [dreg:$0x1];
	s3 =	srdreg.scid  }
0x3: {  	s2 =	simm.s32 $0x0;
	s5 =	stileid.u32;
	s31 =	simm.s32 $0x100  }
0x4: {  	s4 =	sand.u32 $0x1, s3;
	[smem:$0x7FF] =	sst s2;
	s13 =	sshll.u32 s5, $0x7  }
0x5: {  	s3 =	sadd.s32 $0x11F800, s0;
	s7 =	sadd.s32 $0x8200, s0;
	s11 =	sadd.s32 $0x8000, s0  }
0x6: {  	s10 =	sadd.s32 $0x11FB00, s0;
	s14 =	sshll.u32 s4, $0x6;
	s4 =	ssub.s32 $0x2, s4  }
0x7: {  	_ =	strace $0x8000004A;
	s5 =	sor.u32 s14, s13;
	s9 =	sshrl.u32 s4, $0x1  }
0x8: {  	s14 =	simm.s32 $0x6;
	s6 =	sshrl.u32 s5, $0x3;
	s4 =	ssub.s32 s4, s9  }
0x9: {  	s12 =	sor.u32 $0x10, s5;
	s9 =	sadd.s32 $0x11FA00, s0;
	s20 =	sshll.u32 s5, $0x7  }
0xa: {  	s21 =	sor.u32 $0x20, s5;
	s5 =	sor.u32 $0x30, s5;
	s8 =	sadd.s32 s6, s0  }
0xb: {  	s16 =	sadd.s32 s7, s6;
	s6 =	sadd.s32 s11, s6;
	s17 =	sshrl.u32 s12, $0x3  }
0xc: {  	s22 =	sshrl.u32 s21, $0x3;
	s12 =	sshll.u32 s12, $0x7;
	[dreg:$0x5] =	wrdreg s16  }
0xd: {  	s23 =	sshrl.u32 s5, $0x3;
	s30 =	smax.u32 s4, $0x1;
	[dreg:$0x6] =	wrdreg s6  }
0xe: {  	s28 =	sshll.u32 s21, $0x7;
	s15 =	sadd.s32 $0x11F600, s8;
	[dreg:$0x11] =	wrdreg s30  }
0xf: {  	s5 =	sshll.u32 s5, $0x7;
	s8 =	sadd.s32 $0x11F400, s8;
	[dreg:$0x3] =	wrdreg s15  }
0x10: {  	s21 =	simm.s32 $0xE300;
	s18 =	sadd.s32 s7, s17;
	[dreg:$0x4] =	wrdreg s8  }
0x11: {  	s4 =	simm.s32 $0xF300;
	s19 =	sadd.s32 s11, s17;
	[dreg:$0x7] =	wrdreg s18  }
0x12: {  	s13 =	sadd.s32 s7, s22;
	s24 =	sadd.s32 s1, s12;
	[dreg:$0x8] =	wrdreg s19  }
0x13: {  	s25 =	sadd.s32 s7, s23;
	s26 =	sadd.s32 s11, s23;
	[dreg:$0xa] =	wrdreg s13  }
0x14: {  	s29 =	sadd.s32 s1, s5;
	s23 =	simm.s32 $0xEB00;
	[dreg:$0xc] =	wrdreg s24  }
0x15: {  	s5 =	simm.s32 $0xFB00;
	s6 =	simm.s32 $0x1;
	[dreg:$0xd] =	wrdreg s25  }
0x16: {  	s7 =	simm.s32 $0x3;
	s12 =	simm.s32 $0x2;
	[dreg:$0xe] =	wrdreg s26  }
0x17: {  	s8 =	sadd.s32 $0x11F900, s0;
	s0 =	sadd.s32 s1, s20;
	[dreg:$0x10] =	wrdreg s29  }
0x18: {  	s26 =	simm.s32 $0x300;
	s25 =	simm.s32 $0x4300;
	s19 =	simm.s32 $0xC300  }
0x19: {  	s20 =	simm.s32 $0xD300;
	s13 =	simm.s32 $0x4;
	s24 =	simm.s32 $0x0  }
0x1a: {  	v2 =	vlaneseq.u32;
	[dreg:$0x9] =	wrdreg s0;
	s0 =	sadd.s32 s11, s22;
	s22 =	simm.s32 $0x7  }
0x1b: {  	vm0 =	vmmov $0xffff;
	v1 =	vshrl.u32 v2, $0x3;
	s11 =	simm.s32 $0x5;
	[dreg:$0xb] =	wrdreg s0;
	s0 =	sadd.s32 s1, s28  }
0x1c: {  	v0 =	vand.u32 $0x7, v2;
	v2 =	vor.u32 $0x8, v2;
	v1 =	vmul.u32 $0x8, v1;
	s1 =	simm.s32 $0xDB00;
	[dreg:$0xf] =	wrdreg s0;
	s0 =	simm.s32 $0xCB00  }
.LBB2_1:
0x1d: {  	s15 =	rddreg [dreg:$0x3]  }
0x1e: {  	[tilespmem:s2], [sflag:$0x7] =	stream.linear.gather [hbm4b:s15+s2], $0x40, $0x38;
	[tilespmem:$0x10300] =	vst v63  }
0x1f: {  	_ =	swait.ge [sflag:s22], $0x40  }
0x20: {  	[sflag:s22] =	ssyncset.done $0x0  }
0x21: {  	s16 =	simm.s32 $0x80;
	s30 =	rddreg [dreg:$0x4];
	[sflag:s22] =	ssyncadd.s32 $0xFFFFFFC0  }
0x22: {  	[tilespmem:s16], [sflag:$0x7] =	stream.linear.gather [hbm4b:s30+s2], $0x40, $0x38;
	[tilespmem:$0x10300] =	vst v63  }
0x23: {  	_ =	swait.ge [sflag:s22], $0x40  }
0x24: {  	[sflag:s22] =	ssyncset.done $0x0  }
0x25: {  	s17 =	rddreg [dreg:$0x5];
	[sflag:s22] =	ssyncadd.s32 $0xFFFFFFC0  }
0x26: {  	[tilespmem:s31], [sflag:$0x7] =	stream.linear.gather [hbm4b:s17+s2], $0x10, $0x38;
	[tilespmem:$0x10300] =	vst v63  }
0x27: {  	_ =	swait.ge [sflag:s22], $0x10  }
0x28: {  	[sflag:s22] =	ssyncset.done $0x0  }
0x29: {  	s28 =	simm.s32 $0x200;
	s18 =	rddreg [dreg:$0x6];
	[sflag:s22] =	ssyncadd.s32 $0xFFFFFFF0  }
0x2a: {  	[tilespmem:s28], [sflag:$0x7] =	stream.linear.gather [hbm4b:s18+s2], $0x10, $0x38;
	[tilespmem:$0x10300] =	vst v63  }
0x2b: {  	_ =	swait.ge [sflag:s22], $0x10  }
0x2c: {  	[sflag:s22] =	ssyncset.done $0x0  }
0x2d: {  	[sflag:s22] =	ssyncadd.s32 $0xFFFFFFF0  }
0x2e: {  	v3 =	vld [tilespmem:$0x100];
	_ =	sdelay $0x4  }
0x2f: {  	v4 =	vshll.u32 v3, $0x3  }
0x30: {  	v3 =	vand.u32 $0x7, v3;
	v4 =	vand.u32 $0xFFFFFFC0, v4  }
0x31: {  	v3 =	vor.u32 v3, v4  }
0x32: {  	v4 =	vperm.xlane v3, v0;
	_ =	sdelay $0x1  }
0x33: {  	v4 =	vadd.s32 v1, v4;
	_ =	sdelay $0x4  }
0x34: {  	[tilespmem:s26], [sflag:$0x1] =	stream.indirect_vreg.gather [hbm4b:s3+s2], $0x80, v4, vm0, $0xb8;
	[tilespmem:$0x10300] =	vst v63  }
0x35: {  	s29 =	simm.s32 $0xB00;
	v3 =	vperm.xlane v3, v2  }
0x36: {  	[tilespmem:s29], [sflag:$0x1] =	stream.indirect_vreg.gather [hbm4b:s8+s2], $0x80, v4, vm0, $0xb8;
	[tilespmem:$0x10300] =	vst v63  }
0x37: {  	s30 =	simm.s32 $0x1300;
	v3 =	vadd.s32 v1, v3  }
0x38: {  	[tilespmem:s30], [sflag:$0x1] =	stream.indirect_vreg.gather [hbm4b:s9+s2], $0x80, v4, vm0, $0xb8;
	[tilespmem:$0x10300] =	vst v63  }
0x39: {  	s16 =	simm.s32 $0x1B00  }
0x3a: {  	[tilespmem:s16], [sflag:$0x1] =	stream.indirect_vreg.gather [hbm4b:s10+s2], $0x80, v4, vm0, $0xb8;
	[tilespmem:$0x10300] =	vst v63  }
0x3b: {  	s17 =	simm.s32 $0x2300  }
0x3c: {  	[tilespmem:s17], [sflag:$0x1] =	stream.indirect_vreg.gather [hbm4b:s3+s2], $0x80, v3, vm0, $0xb8;
	[tilespmem:$0x10300] =	vst v63  }
0x3d: {  	s18 =	simm.s32 $0x2B00  }
0x3e: {  	[tilespmem:s18], [sflag:$0x1] =	stream.indirect_vreg.gather [hbm4b:s8+s2], $0x80, v3, vm0, $0xb8;
	[tilespmem:$0x10300] =	vst v63  }
0x3f: {  	s28 =	simm.s32 $0x3300  }
0x40: {  	[tilespmem:s28], [sflag:$0x1] =	stream.indirect_vreg.gather [hbm4b:s9+s2], $0x80, v3, vm0, $0xb8;
	[tilespmem:$0x10300] =	vst v63  }
0x41: {  	s29 =	simm.s32 $0x3B00  }
0x42: {  	[tilespmem:s29], [sflag:$0x1] =	stream.indirect_vreg.gather [hbm4b:s10+s2], $0x80, v3, vm0, $0xb8;
	[tilespmem:$0x10300] =	vst v63  }
0x43: {  	v3 =	vld [tilespmem:$0x200];
	_ =	sdelay $0x4  }
0x44: {  	v61 =	vshll.u32 v3, $0x3  }
0x45: {  	v3 =	vand.u32 $0x7, v3;
	v4 =	vand.u32 $0xFFFFFFC0, v61  }
0x46: {  	v3 =	vor.u32 v3, v4  }
0x47: {  	v4 =	vperm.xlane v3, v0;
	_ =	sdelay $0x1  }
0x48: {  	v4 =	vadd.s32 v1, v4;
	_ =	sdelay $0x3  }
0x49: {  	s30 =	simm.s32 $0x8300  }
0x4a: {  	[tilespmem:s30], [sflag:$0x3] =	stream.indirect_vreg.gather [hbm4b:s3+s2], $0x80, v4, vm0, $0xb8;
	[tilespmem:$0x10300] =	vst v63  }
0x4b: {  	s16 =	simm.s32 $0x8B00;
	v3 =	vperm.xlane v3, v2  }
0x4c: {  	[tilespmem:s16], [sflag:$0x3] =	stream.indirect_vreg.gather [hbm4b:s8+s2], $0x80, v4, vm0, $0xb8;
	[tilespmem:$0x10300] =	vst v63  }
0x4d: {  	s17 =	simm.s32 $0x9300;
	v3 =	vadd.s32 v1, v3  }
0x4e: {  	[tilespmem:s17], [sflag:$0x3] =	stream.indirect_vreg.gather [hbm4b:s9+s2], $0x80, v4, vm0, $0xb8;
	[tilespmem:$0x10300] =	vst v63  }
0x4f: {  	s18 =	simm.s32 $0x9B00  }
0x50: {  	[tilespmem:s18], [sflag:$0x3] =	stream.indirect_vreg.gather [hbm4b:s10+s2], $0x80, v4, vm0, $0xb8;
	[tilespmem:$0x10300] =	vst v63  }
0x51: {  	s28 =	simm.s32 $0xA300  }
0x52: {  	[tilespmem:s28], [sflag:$0x3] =	stream.indirect_vreg.gather [hbm4b:s3+s2], $0x80, v3, vm0, $0xb8;
	[tilespmem:$0x10300] =	vst v63  }
0x53: {  	s29 =	simm.s32 $0xAB00  }
0x54: {  	[tilespmem:s29], [sflag:$0x3] =	stream.indirect_vreg.gather [hbm4b:s8+s2], $0x80, v3, vm0, $0xb8;
	[tilespmem:$0x10300] =	vst v63  }
0x55: {  	s30 =	simm.s32 $0xB300  }
0x56: {  	[tilespmem:s30], [sflag:$0x3] =	stream.indirect_vreg.gather [hbm4b:s9+s2], $0x80, v3, vm0, $0xb8;
	[tilespmem:$0x10300] =	vst v63  }
0x57: {  	s16 =	simm.s32 $0xBB00  }
0x58: {  	[tilespmem:s16], [sflag:$0x3] =	stream.indirect_vreg.gather [hbm4b:s10+s2], $0x80, v3, vm0, $0xb8;
	[tilespmem:$0x10300] =	vst v63  }
0x59: {  	s17 =	rddreg [dreg:$0x7];
	s18 =	simm.s32 $0x180  }
0x5a: {  	[tilespmem:s18], [sflag:$0x7] =	stream.linear.gather [hbm4b:s17+s2], $0x10, $0x38;
	[tilespmem:$0x10300] =	vst v63  }
0x5b: {  	_ =	swait.ge [sflag:s22], $0x10  }
0x5c: {  	[sflag:s22] =	ssyncset.done $0x0  }
0x5d: {  	s29 =	simm.s32 $0x280;
	s28 =	rddreg [dreg:$0x8];
	[sflag:s22] =	ssyncadd.s32 $0xFFFFFFF0  }
0x5e: {  	[tilespmem:s29], [sflag:$0x7] =	stream.linear.gather [hbm4b:s28+s2], $0x10, $0x38;
	[tilespmem:$0x10300] =	vst v63  }
0x5f: {  	_ =	swait.ge [sflag:s22], $0x10  }
0x60: {  	[sflag:s22] =	ssyncset.done $0x0  }
0x61: {  	[sflag:s22] =	ssyncadd.s32 $0xFFFFFFF0  }
0x62: {  	v3 =	vld [tilespmem:$0x180];
	_ =	sdelay $0x4  }
0x63: {  	v62 =	vshll.u32 v3, $0x3  }
0x64: {  	v3 =	vand.u32 $0x7, v3;
	v4 =	vand.u32 $0xFFFFFFC0, v62  }
0x65: {  	v3 =	vor.u32 v3, v4  }
0x66: {  	v4 =	vperm.xlane v3, v0;
	_ =	sdelay $0x1  }
0x67: {  	v4 =	vadd.s32 v1, v4;
	_ =	sdelay $0x4  }
0x68: {  	[tilespmem:s25], [sflag:$0x2] =	stream.indirect_vreg.gather [hbm4b:s3+s2], $0x80, v4, vm0, $0xb8;
	[tilespmem:$0x10300] =	vst v63  }
0x69: {  	s30 =	simm.s32 $0x4B00;
	v3 =	vperm.xlane v3, v2  }
0x6a: {  	[tilespmem:s30], [sflag:$0x2] =	stream.indirect_vreg.gather [hbm4b:s8+s2], $0x80, v4, vm0, $0xb8;
	[tilespmem:$0x10300] =	vst v63  }
0x6b: {  	s16 =	simm.s32 $0x5300;
	v3 =	vadd.s32 v1, v3  }
0x6c: {  	[tilespmem:s16], [sflag:$0x2] =	stream.indirect_vreg.gather [hbm4b:s9+s2], $0x80, v4, vm0, $0xb8;
	[tilespmem:$0x10300] =	vst v63  }
0x6d: {  	s17 =	simm.s32 $0x5B00  }
0x6e: {  	[tilespmem:s17], [sflag:$0x2] =	stream.indirect_vreg.gather [hbm4b:s10+s2], $0x80, v4, vm0, $0xb8;
	[tilespmem:$0x10300] =	vst v63  }
0x6f: {  	s18 =	simm.s32 $0x6300  }
0x70: {  	[tilespmem:s18], [sflag:$0x2] =	stream.indirect_vreg.gather [hbm4b:s3+s2], $0x80, v3, vm0, $0xb8;
	[tilespmem:$0x10300] =	vst v63  }
0x71: {  	s28 =	simm.s32 $0x6B00  }
0x72: {  	[tilespmem:s28], [sflag:$0x2] =	stream.indirect_vreg.gather [hbm4b:s8+s2], $0x80, v3, vm0, $0xb8;
	[tilespmem:$0x10300] =	vst v63  }
0x73: {  	s29 =	simm.s32 $0x7300  }
0x74: {  	[tilespmem:s29], [sflag:$0x2] =	stream.indirect_vreg.gather [hbm4b:s9+s2], $0x80, v3, vm0, $0xb8;
	[tilespmem:$0x10300] =	vst v63  }
0x75: {  	s30 =	simm.s32 $0x7B00  }
0x76: {  	[tilespmem:s30], [sflag:$0x2] =	stream.indirect_vreg.gather [hbm4b:s10+s2], $0x80, v3, vm0, $0xb8;
	[tilespmem:$0x10300] =	vst v63  }
0x77: {  	v3 =	vld [tilespmem:$0x280];
	_ =	sdelay $0x4  }
0x78: {  	v63 =	vshll.u32 v3, $0x3  }
0x79: {  	v3 =	vand.u32 $0x7, v3;
	v4 =	vand.u32 $0xFFFFFFC0, v63  }
0x7a: {  	v3 =	vor.u32 v3, v4  }
0x7b: {  	v4 =	vperm.xlane v3, v0;
	_ =	sdelay $0x1  }
0x7c: {  	v4 =	vadd.s32 v1, v4;
	_ =	sdelay $0x4  }
0x7d: {  	[tilespmem:s19], [sflag:$0x4] =	stream.indirect_vreg.gather [hbm4b:s3+s2], $0x80, v4, vm0, $0xb8;
	[tilespmem:$0x10300] =	vst v63  }
0x7e: {  	v3 =	vperm.xlane v3, v2  }
0x7f: {  	[tilespmem:s0], [sflag:$0x4] =	stream.indirect_vreg.gather [hbm4b:s8+s2], $0x80, v4, vm0, $0xb8;
	[tilespmem:$0x10300] =	vst v63  }
0x80: {  	v3 =	vadd.s32 v1, v3  }
0x81: {  	[tilespmem:s20], [sflag:$0x4] =	stream.indirect_vreg.gather [hbm4b:s9+s2], $0x80, v4, vm0, $0xb8;
	[tilespmem:$0x10300] =	vst v63  }
0x82: {  	_ = 	snop  }
0x83: {  	[tilespmem:s1], [sflag:$0x4] =	stream.indirect_vreg.gather [hbm4b:s10+s2], $0x80, v4, vm0, $0xb8;
	[tilespmem:$0x10300] =	vst v63  }
0x84: {  	_ = 	snop  }
0x85: {  	[tilespmem:s21], [sflag:$0x4] =	stream.indirect_vreg.gather [hbm4b:s3+s2], $0x80, v3, vm0, $0xb8;
	[tilespmem:$0x10300] =	vst v63  }
0x86: {  	_ = 	snop  }
0x87: {  	[tilespmem:s23], [sflag:$0x4] =	stream.indirect_vreg.gather [hbm4b:s8+s2], $0x80, v3, vm0, $0xb8;
	[tilespmem:$0x10300] =	vst v63  }
0x88: {  	_ = 	snop  }
0x89: {  	[tilespmem:s4], [sflag:$0x4] =	stream.indirect_vreg.gather [hbm4b:s9+s2], $0x80, v3, vm0, $0xb8;
	[tilespmem:$0x10300] =	vst v63  }
0x8a: {  	_ = 	snop  }
0x8b: {  	[tilespmem:s5], [sflag:$0x4] =	stream.indirect_vreg.gather [hbm4b:s10+s2], $0x80, v3, vm0, $0xb8;
	[tilespmem:$0x10300] =	vst v63  }
0x8c: {  	_ =	swait.ge [sflag:s6], $0x4000  }
0x8d: {  	[sflag:s6] =	ssyncset.done $0x0  }
0x8e: {  	[sflag:s6] =	ssyncadd.s32 $0xFFFFC000  }
0x8f: {  	_ =	swait.ge [sflag:s7], $0x4000  }
0x90: {  	[sflag:s7] =	ssyncset.done $0x0  }
0x91: {  	s15 =	simm.s32 $0x0;
	[sflag:s7] =	ssyncadd.s32 $0xFFFFC000  }
.LBB2_2:
0x92: {  	s16 =	sshll.u32 s15, $0xA;
	s17 =	sshll.u32 s15, $0x7  }
0x93: {  	s18 =	simm.s32 $0x0;
	s16 =	sand.u32 $0x2000, s16;
	s17 =	sand.u32 $0x380, s17  }
0x94: {  	s30 =	sand.u32 $0x40, s18;
	s16 =	sor.u32 s16, s17  }
0x95: {  	v3 =	vld.msk [tilespmem:s15+$0x0 ss:$0x0], $0xffff;
	s18 =	sand.u32 $0x1C00, s18;
	s17 =	sor.u32 s30, s16  }
0x96: {  	v4 =	vld.msk [tilespmem:s15+$0x80 ss:$0x0], $0xffff;
	s17 =	sor.u32 s18, s17  }
0x97: {  	v5 =	vld [tilespmem:s17+$0x8300]  }
0x98: {  	v7 =	vld [tilespmem:s17+$0x8310]  }
0x99: {  	v8 =	vld [tilespmem:s17+$0x8320]  }
0x9a: {  	v6 =	vld [tilespmem:s17+$0x300]  }
0x9b: {  	v9 =	vld [tilespmem:s17+$0x8330]  }
0x9c: {  	v10 =	vld [tilespmem:s17+$0x310]  }
0x9d: {  	s30 =	simm.s32 $0x40;
	v11 =	vld [tilespmem:s17+$0x320]  }
0x9e: {  	s28 =	sand.u32 $0x40, s30;
	s18 =	simm.s32 $0x200;
	v12 =	vld [tilespmem:s17+$0x330]  }
0x9f: {  	s29 =	sand.u32 $0x1C00, s18;
	s28 =	sor.u32 s28, s16  }
0xa0: {  	s28 =	sor.u32 s29, s28;
	v13 =	vmul.f32 v6, v3;
	v14 =	vmul.f32 v5, v4  }
0xa1: {  	v6 =	vld [tilespmem:s28+$0x8300];
	v10 =	vmul.f32 v10, v3;
	v15 =	vmul.f32 v7, v4  }
0xa2: {  	v5 =	vld [tilespmem:s28+$0x8310];
	v11 =	vmul.f32 v11, v3;
	v63 =	vmul.f32 v8, v4;
	v13 =	vadd.f32 v14, v13  }
0xa3: {  	v7 =	vld [tilespmem:s28+$0x8320];
	v12 =	vmul.f32 v12, v3;
	v16 =	vmul.f32 v9, v4;
	v15 =	vadd.f32 v15, v10  }
0xa4: {  	v8 =	vld [tilespmem:s28+$0x8330];
	v10 =	vadd.f32 v63, v11;
	[tilespmem:s17+$0x300] =	vst v13  }
0xa5: {  	s29 =	simm.s32 $0x80;
	v11 =	vadd.f32 v16, v12;
	v9 =	vld [tilespmem:s28+$0x300];
	[tilespmem:s17+$0x310] =	vst v15  }
.LBB2_3:
0xa6: {  	p0 =	sne.s32 s29, $0x3C0;
	v12 =	vld [tilespmem:s28+$0x310];
	[tilespmem:s17+$0x320] =	vst v10  }
0xa7: {  	v10 =	vld [tilespmem:s28+$0x320];
	[tilespmem:s17+$0x330] =	vst v11;
	s17 =	smov.u32 s28  }
0xa8: {  	s18 =	sadd.s32 $0x200, s18;
	s28 =	sand.u32 $0x40, s29;
	v11 =	vld [tilespmem:s17+$0x330]  }
0xa9: {  	s30 =	sand.u32 $0x1C00, s18;
	s28 =	sor.u32 s28, s16  }
0xaa: {  	v13 =	vmul.f32 v6, v4;
	s28 =	sor.u32 s30, s28;
	v9 =	vmul.f32 v9, v3  }
.Ltmp0:
0xab: {  	v14 =	vmul.f32 v5, v4;
	v6 =	vld [tilespmem:s28+$0x8300];
	v12 =	vmul.f32 v12, v3;
	(pc) =	sbr.rel @p0 .LBB2_3-.Ltmp0, $4  }
0xac: {  	v5 =	vld [tilespmem:s28+$0x8310];
	v9 =	vadd.f32 v13, v9;
	v10 =	vmul.f32 v10, v3;
	v13 =	vmul.f32 v7, v4  }
0xad: {  	v7 =	vld [tilespmem:s28+$0x8320];
	v12 =	vadd.f32 v14, v12;
	v11 =	vmul.f32 v11, v3;
	v14 =	vmul.f32 v8, v4  }
0xae: {  	v8 =	vld [tilespmem:s28+$0x8330];
	[tilespmem:s17+$0x300] =	vst v9;
	v10 =	vadd.f32 v13, v10  }
0xaf: {  	s29 =	sadd.s32 $0x40, s29;
	v9 =	vld [tilespmem:s28+$0x300];
	[tilespmem:s17+$0x310] =	vst v12;
	v11 =	vadd.f32 v14, v11  }
0xb0: {  	v12 =	vld [tilespmem:s28+$0x310];
	[tilespmem:s17+$0x320] =	vst v10  }
0xb1: {  	v10 =	vld [tilespmem:s28+$0x320];
	[tilespmem:s17+$0x330] =	vst v11  }
0xb2: {  	v11 =	vld [tilespmem:s28+$0x330];
	_ =	sdelay $0x1  }
0xb3: {  	v6 =	vmul.f32 v6, v4;
	v9 =	vmul.f32 v9, v3  }
0xb4: {  	s15 =	sadd.s32 $0x1, s15;
	v5 =	vmul.f32 v5, v4;
	v12 =	vmul.f32 v12, v3  }
0xb5: {  	p0 =	sne.s32 s15, $0x10;
	v7 =	vmul.f32 v7, v4;
	v6 =	vadd.f32 v6, v9;
	v61 =	vmul.f32 v10, v3  }
.Ltmp1:
0xb6: {  	v62 =	vmul.f32 v8, v4;
	v5 =	vadd.f32 v5, v12;
	v3 =	vmul.f32 v11, v3;
	(pc) =	sbr.rel @p0 .LBB2_2-.Ltmp1, $4  }
0xb7: {  	[tilespmem:s28+$0x300] =	vst v6;
	v63 =	vadd.f32 v7, v61  }
0xb8: {  	[tilespmem:s28+$0x310] =	vst v5;
	v3 =	vadd.f32 v62, v3  }
0xb9: {  	[tilespmem:s28+$0x320] =	vst v63  }
0xba: {  	[tilespmem:s28+$0x330] =	vst v3  }
0xbb: {  	s15 =	simm.s32 $0x0;
	s16 =	rddreg [dreg:$0x9]  }
0xbc: {  	[hbm4b:s16+s15] =	stream.linear.scatter [tilespmem:s26], [sflag:$0x5], $0x4000, $0x38;
	[tilespmem:$0x10300] =	vst v63  }
0xbd: {  	_ =	swait.ge [sflag:s11], $0x4000  }
0xbe: {  	[sflag:s11] =	ssyncset.done $0x0  }
0xbf: {  	s18 =	rddreg [dreg:$0xa];
	[sflag:s11] =	ssyncadd.s32 $0xFFFFC000  }
0xc0: {  	[tilespmem:s31], [sflag:$0x7] =	stream.linear.gather [hbm4b:s18+s15], $0x10, $0x38;
	[tilespmem:$0x10300] =	vst v63  }
0xc1: {  	_ =	swait.ge [sflag:s22], $0x10  }
0xc2: {  	[sflag:s22] =	ssyncset.done $0x0  }
0xc3: {  	s17 =	simm.s32 $0x200;
	s28 =	rddreg [dreg:$0xb];
	[sflag:s22] =	ssyncadd.s32 $0xFFFFFFF0  }
0xc4: {  	[tilespmem:s17], [sflag:$0x7] =	stream.linear.gather [hbm4b:s28+s15], $0x10, $0x38;
	[tilespmem:$0x10300] =	vst v63  }
0xc5: {  	_ =	swait.ge [sflag:s22], $0x10  }
0xc6: {  	[sflag:s22] =	ssyncset.done $0x0  }
0xc7: {  	[sflag:s22] =	ssyncadd.s32 $0xFFFFFFF0  }
0xc8: {  	v3 =	vld [tilespmem:$0x100];
	_ =	sdelay $0x4  }
0xc9: {  	v4 =	vshll.u32 v3, $0x3  }
0xca: {  	v3 =	vand.u32 $0x7, v3;
	v4 =	vand.u32 $0xFFFFFFC0, v4  }
0xcb: {  	v3 =	vor.u32 v3, v4  }
0xcc: {  	v4 =	vperm.xlane v3, v0;
	_ =	sdelay $0x1  }
0xcd: {  	v4 =	vadd.s32 v1, v4;
	_ =	sdelay $0x4  }
0xce: {  	[tilespmem:s26], [sflag:$0x1] =	stream.indirect_vreg.gather [hbm4b:s3+s15], $0x80, v4, vm0, $0xb8;
	[tilespmem:$0x10300] =	vst v63  }
0xcf: {  	s29 =	simm.s32 $0xB00;
	v3 =	vperm.xlane v3, v2  }
0xd0: {  	[tilespmem:s29], [sflag:$0x1] =	stream.indirect_vreg.gather [hbm4b:s8+s15], $0x80, v4, vm0, $0xb8;
	[tilespmem:$0x10300] =	vst v63  }
0xd1: {  	s30 =	simm.s32 $0x1300;
	v3 =	vadd.s32 v1, v3  }
0xd2: {  	[tilespmem:s30], [sflag:$0x1] =	stream.indirect_vreg.gather [hbm4b:s9+s15], $0x80, v4, vm0, $0xb8;
	[tilespmem:$0x10300] =	vst v63  }
0xd3: {  	s31 =	simm.s32 $0x1B00  }
0xd4: {  	[tilespmem:s31], [sflag:$0x1] =	stream.indirect_vreg.gather [hbm4b:s10+s15], $0x80, v4, vm0, $0xb8;
	[tilespmem:$0x10300] =	vst v63  }
0xd5: {  	s17 =	simm.s32 $0x2300  }
0xd6: {  	[tilespmem:s17], [sflag:$0x1] =	stream.indirect_vreg.gather [hbm4b:s3+s15], $0x80, v3, vm0, $0xb8;
	[tilespmem:$0x10300] =	vst v63  }
0xd7: {  	s18 =	simm.s32 $0x2B00  }
0xd8: {  	[tilespmem:s18], [sflag:$0x1] =	stream.indirect_vreg.gather [hbm4b:s8+s15], $0x80, v3, vm0, $0xb8;
	[tilespmem:$0x10300] =	vst v63  }
0xd9: {  	s28 =	simm.s32 $0x3300  }
0xda: {  	[tilespmem:s28], [sflag:$0x1] =	stream.indirect_vreg.gather [hbm4b:s9+s15], $0x80, v3, vm0, $0xb8;
	[tilespmem:$0x10300] =	vst v63  }
0xdb: {  	s29 =	simm.s32 $0x3B00  }
0xdc: {  	[tilespmem:s29], [sflag:$0x1] =	stream.indirect_vreg.gather [hbm4b:s10+s15], $0x80, v3, vm0, $0xb8;
	[tilespmem:$0x10300] =	vst v63  }
0xdd: {  	v3 =	vld [tilespmem:$0x200];
	_ =	sdelay $0x4  }
0xde: {  	v63 =	vshll.u32 v3, $0x3  }
0xdf: {  	v3 =	vand.u32 $0x7, v3;
	v4 =	vand.u32 $0xFFFFFFC0, v63  }
0xe0: {  	v3 =	vor.u32 v3, v4  }
0xe1: {  	v4 =	vperm.xlane v3, v0;
	_ =	sdelay $0x1  }
0xe2: {  	v4 =	vadd.s32 v1, v4;
	_ =	sdelay $0x3  }
0xe3: {  	s30 =	simm.s32 $0x8300  }
0xe4: {  	[tilespmem:s30], [sflag:$0x3] =	stream.indirect_vreg.gather [hbm4b:s3+s15], $0x80, v4, vm0, $0xb8;
	[tilespmem:$0x10300] =	vst v63  }
0xe5: {  	s31 =	simm.s32 $0x8B00;
	v3 =	vperm.xlane v3, v2  }
0xe6: {  	[tilespmem:s31], [sflag:$0x3] =	stream.indirect_vreg.gather [hbm4b:s8+s15], $0x80, v4, vm0, $0xb8;
	[tilespmem:$0x10300] =	vst v63  }
0xe7: {  	s17 =	simm.s32 $0x9300;
	v3 =	vadd.s32 v1, v3  }
0xe8: {  	[tilespmem:s17], [sflag:$0x3] =	stream.indirect_vreg.gather [hbm4b:s9+s15], $0x80, v4, vm0, $0xb8;
	[tilespmem:$0x10300] =	vst v63  }
0xe9: {  	s18 =	simm.s32 $0x9B00  }
0xea: {  	[tilespmem:s18], [sflag:$0x3] =	stream.indirect_vreg.gather [hbm4b:s10+s15], $0x80, v4, vm0, $0xb8;
	[tilespmem:$0x10300] =	vst v63  }
0xeb: {  	s28 =	simm.s32 $0xA300  }
0xec: {  	[tilespmem:s28], [sflag:$0x3] =	stream.indirect_vreg.gather [hbm4b:s3+s15], $0x80, v3, vm0, $0xb8;
	[tilespmem:$0x10300] =	vst v63  }
0xed: {  	s29 =	simm.s32 $0xAB00  }
0xee: {  	[tilespmem:s29], [sflag:$0x3] =	stream.indirect_vreg.gather [hbm4b:s8+s15], $0x80, v3, vm0, $0xb8;
	[tilespmem:$0x10300] =	vst v63  }
0xef: {  	s30 =	simm.s32 $0xB300  }
0xf0: {  	[tilespmem:s30], [sflag:$0x3] =	stream.indirect_vreg.gather [hbm4b:s9+s15], $0x80, v3, vm0, $0xb8;
	[tilespmem:$0x10300] =	vst v63  }
0xf1: {  	s31 =	simm.s32 $0xBB00  }
0xf2: {  	[tilespmem:s31], [sflag:$0x3] =	stream.indirect_vreg.gather [hbm4b:s10+s15], $0x80, v3, vm0, $0xb8;
	[tilespmem:$0x10300] =	vst v63  }
0xf3: {  	_ =	swait.ge [sflag:s12], $0x4000  }
0xf4: {  	[sflag:s12] =	ssyncset.done $0x0  }
0xf5: {  	[sflag:s12] =	ssyncadd.s32 $0xFFFFC000  }
0xf6: {  	_ =	swait.ge [sflag:s13], $0x4000  }
0xf7: {  	[sflag:s13] =	ssyncset.done $0x0  }
0xf8: {  	s16 =	simm.s32 $0x0;
	[sflag:s13] =	ssyncadd.s32 $0xFFFFC000  }
.LBB2_6:
0xf9: {  	s17 =	sshll.u32 s16, $0xA;
	s18 =	sshll.u32 s16, $0x7  }
0xfa: {  	s17 =	sand.u32 $0x2000, s17;
	s18 =	sand.u32 $0x380, s18  }
0xfb: {  	s28 =	sor.u32 $0x10, s16;
	s31 =	sand.u32 $0x40, s15;
	s17 =	sor.u32 s17, s18  }
0xfc: {  	v3 =	vld.msk [tilespmem:s28+$0x0 ss:$0x0], $0xffff;
	s28 =	sand.u32 $0x1C00, s15;
	s18 =	sor.u32 s31, s17  }
0xfd: {  	v4 =	vld.msk [tilespmem:s16+$0x90 ss:$0x0], $0xffff;
	s28 =	sor.u32 s28, s18  }
0xfe: {  	v5 =	vld [tilespmem:s28+$0xC300]  }
0xff: {  	v7 =	vld [tilespmem:s28+$0xC310]  }
0x100: {  	v8 =	vld [tilespmem:s28+$0xC320]  }
0x101: {  	v6 =	vld [tilespmem:s28+$0x4300]  }
0x102: {  	v9 =	vld [tilespmem:s28+$0xC330]  }
0x103: {  	v10 =	vld [tilespmem:s28+$0x4310]  }
0x104: {  	s31 =	simm.s32 $0x40;
	v11 =	vld [tilespmem:s28+$0x4320]  }
0x105: {  	s29 =	simm.s32 $0x200;
	s18 =	sand.u32 $0x40, s31;
	v12 =	vld [tilespmem:s28+$0x4330]  }
0x106: {  	s30 =	sand.u32 $0x1C00, s29;
	s18 =	sor.u32 s18, s17  }
0x107: {  	s18 =	sor.u32 s30, s18;
	v13 =	vmul.f32 v6, v3;
	v14 =	vmul.f32 v5, v4  }
0x108: {  	v6 =	vld [tilespmem:s18+$0xC300];
	v10 =	vmul.f32 v10, v3;
	v15 =	vmul.f32 v7, v4  }
0x109: {  	v5 =	vld [tilespmem:s18+$0xC310];
	v11 =	vmul.f32 v11, v3;
	v63 =	vmul.f32 v8, v4;
	v13 =	vadd.f32 v14, v13  }
0x10a: {  	v7 =	vld [tilespmem:s18+$0xC320];
	v12 =	vmul.f32 v12, v3;
	v16 =	vmul.f32 v9, v4;
	v15 =	vadd.f32 v15, v10  }
0x10b: {  	v8 =	vld [tilespmem:s18+$0xC330];
	v10 =	vadd.f32 v63, v11;
	[tilespmem:s28+$0x4300] =	vst v13  }
0x10c: {  	s30 =	simm.s32 $0x80;
	v11 =	vadd.f32 v16, v12;
	v9 =	vld [tilespmem:s18+$0x4300];
	[tilespmem:s28+$0x4310] =	vst v15  }
.LBB2_7:
0x10d: {  	p0 =	sne.s32 s30, $0x3C0;
	v12 =	vld [tilespmem:s18+$0x4310];
	[tilespmem:s28+$0x4320] =	vst v10  }
0x10e: {  	v10 =	vld [tilespmem:s18+$0x4320];
	[tilespmem:s28+$0x4330] =	vst v11;
	s28 =	smov.u32 s18  }
0x10f: {  	s29 =	sadd.s32 $0x200, s29;
	s18 =	sand.u32 $0x40, s30;
	v11 =	vld [tilespmem:s28+$0x4330]  }
0x110: {  	s31 =	sand.u32 $0x1C00, s29;
	s18 =	sor.u32 s18, s17  }
0x111: {  	v13 =	vmul.f32 v6, v4;
	s18 =	sor.u32 s31, s18;
	v9 =	vmul.f32 v9, v3  }
.Ltmp2:
0x112: {  	v14 =	vmul.f32 v5, v4;
	v6 =	vld [tilespmem:s18+$0xC300];
	v12 =	vmul.f32 v12, v3;
	(pc) =	sbr.rel @p0 .LBB2_7-.Ltmp2, $4  }
0x113: {  	v5 =	vld [tilespmem:s18+$0xC310];
	v9 =	vadd.f32 v13, v9;
	v10 =	vmul.f32 v10, v3;
	v13 =	vmul.f32 v7, v4  }
0x114: {  	v7 =	vld [tilespmem:s18+$0xC320];
	v12 =	vadd.f32 v14, v12;
	v11 =	vmul.f32 v11, v3;
	v14 =	vmul.f32 v8, v4  }
0x115: {  	v8 =	vld [tilespmem:s18+$0xC330];
	[tilespmem:s28+$0x4300] =	vst v9;
	v10 =	vadd.f32 v13, v10  }
0x116: {  	s30 =	sadd.s32 $0x40, s30;
	v9 =	vld [tilespmem:s18+$0x4300];
	[tilespmem:s28+$0x4310] =	vst v12;
	v11 =	vadd.f32 v14, v11  }
0x117: {  	v12 =	vld [tilespmem:s18+$0x4310];
	[tilespmem:s28+$0x4320] =	vst v10  }
0x118: {  	v10 =	vld [tilespmem:s18+$0x4320];
	[tilespmem:s28+$0x4330] =	vst v11  }
0x119: {  	v11 =	vld [tilespmem:s18+$0x4330];
	_ =	sdelay $0x1  }
0x11a: {  	v6 =	vmul.f32 v6, v4;
	v9 =	vmul.f32 v9, v3  }
0x11b: {  	s16 =	sadd.s32 $0x1, s16;
	v5 =	vmul.f32 v5, v4;
	v12 =	vmul.f32 v12, v3  }
0x11c: {  	p0 =	sne.s32 s16, $0x10;
	v7 =	vmul.f32 v7, v4;
	v6 =	vadd.f32 v6, v9;
	v61 =	vmul.f32 v10, v3  }
.Ltmp3:
0x11d: {  	v62 =	vmul.f32 v8, v4;
	v5 =	vadd.f32 v5, v12;
	v3 =	vmul.f32 v11, v3;
	(pc) =	sbr.rel @p0 .LBB2_6-.Ltmp3, $4  }
0x11e: {  	[tilespmem:s18+$0x4300] =	vst v6;
	v63 =	vadd.f32 v7, v61  }
0x11f: {  	[tilespmem:s18+$0x4310] =	vst v5;
	v3 =	vadd.f32 v62, v3  }
0x120: {  	[tilespmem:s18+$0x4320] =	vst v63  }
0x121: {  	[tilespmem:s18+$0x4330] =	vst v3  }
0x122: {  	s15 =	simm.s32 $0x0;
	s16 =	rddreg [dreg:$0xc]  }
0x123: {  	[hbm4b:s16+s15] =	stream.linear.scatter [tilespmem:s25], [sflag:$0x6], $0x4000, $0x38;
	[tilespmem:$0x10300] =	vst v63  }
0x124: {  	_ =	swait.ge [sflag:s14], $0x4000  }
0x125: {  	[sflag:s14] =	ssyncset.done $0x0  }
0x126: {  	s17 =	simm.s32 $0x180;
	s28 =	rddreg [dreg:$0xd];
	[sflag:s14] =	ssyncadd.s32 $0xFFFFC000  }
0x127: {  	[tilespmem:s17], [sflag:$0x7] =	stream.linear.gather [hbm4b:s28+s15], $0x10, $0x38;
	[tilespmem:$0x10300] =	vst v63  }
0x128: {  	_ =	swait.ge [sflag:s22], $0x10  }
0x129: {  	[sflag:s22] =	ssyncset.done $0x0  }
0x12a: {  	s30 =	simm.s32 $0x280;
	s29 =	rddreg [dreg:$0xe];
	[sflag:s22] =	ssyncadd.s32 $0xFFFFFFF0  }
0x12b: {  	[tilespmem:s30], [sflag:$0x7] =	stream.linear.gather [hbm4b:s29+s15], $0x10, $0x38;
	[tilespmem:$0x10300] =	vst v63  }
0x12c: {  	_ =	swait.ge [sflag:s22], $0x10  }
0x12d: {  	[sflag:s22] =	ssyncset.done $0x0  }
0x12e: {  	[sflag:s22] =	ssyncadd.s32 $0xFFFFFFF0  }
0x12f: {  	v3 =	vld [tilespmem:$0x180];
	_ =	sdelay $0x4  }
0x130: {  	v4 =	vshll.u32 v3, $0x3  }
0x131: {  	v3 =	vand.u32 $0x7, v3;
	v4 =	vand.u32 $0xFFFFFFC0, v4  }
0x132: {  	v3 =	vor.u32 v3, v4  }
0x133: {  	v4 =	vperm.xlane v3, v0;
	_ =	sdelay $0x1  }
0x134: {  	v4 =	vadd.s32 v1, v4;
	_ =	sdelay $0x4  }
0x135: {  	[tilespmem:s25], [sflag:$0x2] =	stream.indirect_vreg.gather [hbm4b:s3+s15], $0x80, v4, vm0, $0xb8;
	[tilespmem:$0x10300] =	vst v63  }
0x136: {  	s31 =	simm.s32 $0x4B00;
	v3 =	vperm.xlane v3, v2  }
0x137: {  	[tilespmem:s31], [sflag:$0x2] =	stream.indirect_vreg.gather [hbm4b:s8+s15], $0x80, v4, vm0, $0xb8;
	[tilespmem:$0x10300] =	vst v63  }
0x138: {  	s17 =	simm.s32 $0x5300;
	v3 =	vadd.s32 v1, v3  }
0x139: {  	[tilespmem:s17], [sflag:$0x2] =	stream.indirect_vreg.gather [hbm4b:s9+s15], $0x80, v4, vm0, $0xb8;
	[tilespmem:$0x10300] =	vst v63  }
0x13a: {  	s18 =	simm.s32 $0x5B00  }
0x13b: {  	[tilespmem:s18], [sflag:$0x2] =	stream.indirect_vreg.gather [hbm4b:s10+s15], $0x80, v4, vm0, $0xb8;
	[tilespmem:$0x10300] =	vst v63  }
0x13c: {  	s28 =	simm.s32 $0x6300  }
0x13d: {  	[tilespmem:s28], [sflag:$0x2] =	stream.indirect_vreg.gather [hbm4b:s3+s15], $0x80, v3, vm0, $0xb8;
	[tilespmem:$0x10300] =	vst v63  }
0x13e: {  	s29 =	simm.s32 $0x6B00  }
0x13f: {  	[tilespmem:s29], [sflag:$0x2] =	stream.indirect_vreg.gather [hbm4b:s8+s15], $0x80, v3, vm0, $0xb8;
	[tilespmem:$0x10300] =	vst v63  }
0x140: {  	s30 =	simm.s32 $0x7300  }
0x141: {  	[tilespmem:s30], [sflag:$0x2] =	stream.indirect_vreg.gather [hbm4b:s9+s15], $0x80, v3, vm0, $0xb8;
	[tilespmem:$0x10300] =	vst v63  }
0x142: {  	s31 =	simm.s32 $0x7B00  }
0x143: {  	[tilespmem:s31], [sflag:$0x2] =	stream.indirect_vreg.gather [hbm4b:s10+s15], $0x80, v3, vm0, $0xb8;
	[tilespmem:$0x10300] =	vst v63  }
0x144: {  	v3 =	vld [tilespmem:$0x280];
	_ =	sdelay $0x4  }
0x145: {  	v63 =	vshll.u32 v3, $0x3  }
0x146: {  	v3 =	vand.u32 $0x7, v3;
	v4 =	vand.u32 $0xFFFFFFC0, v63  }
0x147: {  	v3 =	vor.u32 v3, v4  }
0x148: {  	v4 =	vperm.xlane v3, v0;
	_ =	sdelay $0x1  }
0x149: {  	v4 =	vadd.s32 v1, v4;
	_ =	sdelay $0x4  }
0x14a: {  	[tilespmem:s19], [sflag:$0x4] =	stream.indirect_vreg.gather [hbm4b:s3+s15], $0x80, v4, vm0, $0xb8;
	[tilespmem:$0x10300] =	vst v63  }
0x14b: {  	v3 =	vperm.xlane v3, v2  }
0x14c: {  	[tilespmem:s0], [sflag:$0x4] =	stream.indirect_vreg.gather [hbm4b:s8+s15], $0x80, v4, vm0, $0xb8;
	[tilespmem:$0x10300] =	vst v63  }
0x14d: {  	v3 =	vadd.s32 v1, v3  }
0x14e: {  	[tilespmem:s20], [sflag:$0x4] =	stream.indirect_vreg.gather [hbm4b:s9+s15], $0x80, v4, vm0, $0xb8;
	[tilespmem:$0x10300] =	vst v63  }
0x14f: {  	_ = 	snop  }
0x150: {  	[tilespmem:s1], [sflag:$0x4] =	stream.indirect_vreg.gather [hbm4b:s10+s15], $0x80, v4, vm0, $0xb8;
	[tilespmem:$0x10300] =	vst v63  }
0x151: {  	_ = 	snop  }
0x152: {  	[tilespmem:s21], [sflag:$0x4] =	stream.indirect_vreg.gather [hbm4b:s3+s15], $0x80, v3, vm0, $0xb8;
	[tilespmem:$0x10300] =	vst v63  }
0x153: {  	_ = 	snop  }
0x154: {  	[tilespmem:s23], [sflag:$0x4] =	stream.indirect_vreg.gather [hbm4b:s8+s15], $0x80, v3, vm0, $0xb8;
	[tilespmem:$0x10300] =	vst v63  }
0x155: {  	_ = 	snop  }
0x156: {  	[tilespmem:s4], [sflag:$0x4] =	stream.indirect_vreg.gather [hbm4b:s9+s15], $0x80, v3, vm0, $0xb8;
	[tilespmem:$0x10300] =	vst v63  }
0x157: {  	_ = 	snop  }
0x158: {  	[tilespmem:s5], [sflag:$0x4] =	stream.indirect_vreg.gather [hbm4b:s10+s15], $0x80, v3, vm0, $0xb8;
	[tilespmem:$0x10300] =	vst v63  }
0x159: {  	_ =	swait.ge [sflag:s6], $0x4000  }
0x15a: {  	[sflag:s6] =	ssyncset.done $0x0  }
0x15b: {  	[sflag:s6] =	ssyncadd.s32 $0xFFFFC000  }
0x15c: {  	_ =	swait.ge [sflag:s7], $0x4000  }
0x15d: {  	[sflag:s7] =	ssyncset.done $0x0  }
0x15e: {  	s16 =	simm.s32 $0x0;
	[sflag:s7] =	ssyncadd.s32 $0xFFFFC000  }
.LBB2_10:
0x15f: {  	s17 =	sshll.u32 s16, $0xA;
	s18 =	sshll.u32 s16, $0x7  }
0x160: {  	s17 =	sand.u32 $0x2000, s17;
	s18 =	sand.u32 $0x380, s18  }
0x161: {  	s28 =	sor.u32 $0x20, s16;
	s31 =	sand.u32 $0x40, s15;
	s17 =	sor.u32 s17, s18  }
0x162: {  	v3 =	vld.msk [tilespmem:s28+$0x0 ss:$0x0], $0xffff;
	s28 =	sand.u32 $0x1C00, s15;
	s18 =	sor.u32 s31, s17  }
0x163: {  	v4 =	vld.msk [tilespmem:s16+$0xA0 ss:$0x0], $0xffff;
	s28 =	sor.u32 s28, s18  }
0x164: {  	v5 =	vld [tilespmem:s28+$0x8300]  }
0x165: {  	v7 =	vld [tilespmem:s28+$0x8310]  }
0x166: {  	v8 =	vld [tilespmem:s28+$0x8320]  }
0x167: {  	v6 =	vld [tilespmem:s28+$0x300]  }
0x168: {  	v9 =	vld [tilespmem:s28+$0x8330]  }
0x169: {  	v10 =	vld [tilespmem:s28+$0x310]  }
0x16a: {  	s31 =	simm.s32 $0x40;
	v11 =	vld [tilespmem:s28+$0x320]  }
0x16b: {  	s29 =	simm.s32 $0x200;
	s18 =	sand.u32 $0x40, s31;
	v12 =	vld [tilespmem:s28+$0x330]  }
0x16c: {  	s30 =	sand.u32 $0x1C00, s29;
	s18 =	sor.u32 s18, s17  }
0x16d: {  	s18 =	sor.u32 s30, s18;
	v13 =	vmul.f32 v6, v3;
	v14 =	vmul.f32 v5, v4  }
0x16e: {  	v6 =	vld [tilespmem:s18+$0x8300];
	v10 =	vmul.f32 v10, v3;
	v15 =	vmul.f32 v7, v4  }
0x16f: {  	v5 =	vld [tilespmem:s18+$0x8310];
	v11 =	vmul.f32 v11, v3;
	v63 =	vmul.f32 v8, v4;
	v13 =	vadd.f32 v14, v13  }
0x170: {  	v7 =	vld [tilespmem:s18+$0x8320];
	v12 =	vmul.f32 v12, v3;
	v16 =	vmul.f32 v9, v4;
	v15 =	vadd.f32 v15, v10  }
0x171: {  	v8 =	vld [tilespmem:s18+$0x8330];
	v10 =	vadd.f32 v63, v11;
	[tilespmem:s28+$0x300] =	vst v13  }
0x172: {  	s30 =	simm.s32 $0x80;
	v11 =	vadd.f32 v16, v12;
	v9 =	vld [tilespmem:s18+$0x300];
	[tilespmem:s28+$0x310] =	vst v15  }
.LBB2_11:
0x173: {  	p0 =	sne.s32 s30, $0x3C0;
	v12 =	vld [tilespmem:s18+$0x310];
	[tilespmem:s28+$0x320] =	vst v10  }
0x174: {  	v10 =	vld [tilespmem:s18+$0x320];
	[tilespmem:s28+$0x330] =	vst v11;
	s28 =	smov.u32 s18  }
0x175: {  	s29 =	sadd.s32 $0x200, s29;
	s18 =	sand.u32 $0x40, s30;
	v11 =	vld [tilespmem:s28+$0x330]  }
0x176: {  	s31 =	sand.u32 $0x1C00, s29;
	s18 =	sor.u32 s18, s17  }
0x177: {  	v13 =	vmul.f32 v6, v4;
	s18 =	sor.u32 s31, s18;
	v9 =	vmul.f32 v9, v3  }
.Ltmp4:
0x178: {  	v14 =	vmul.f32 v5, v4;
	v6 =	vld [tilespmem:s18+$0x8300];
	v12 =	vmul.f32 v12, v3;
	(pc) =	sbr.rel @p0 .LBB2_11-.Ltmp4, $4  }
0x179: {  	v5 =	vld [tilespmem:s18+$0x8310];
	v9 =	vadd.f32 v13, v9;
	v10 =	vmul.f32 v10, v3;
	v13 =	vmul.f32 v7, v4  }
0x17a: {  	v7 =	vld [tilespmem:s18+$0x8320];
	v12 =	vadd.f32 v14, v12;
	v11 =	vmul.f32 v11, v3;
	v14 =	vmul.f32 v8, v4  }
0x17b: {  	v8 =	vld [tilespmem:s18+$0x8330];
	[tilespmem:s28+$0x300] =	vst v9;
	v10 =	vadd.f32 v13, v10  }
0x17c: {  	s30 =	sadd.s32 $0x40, s30;
	v9 =	vld [tilespmem:s18+$0x300];
	[tilespmem:s28+$0x310] =	vst v12;
	v11 =	vadd.f32 v14, v11  }
0x17d: {  	v12 =	vld [tilespmem:s18+$0x310];
	[tilespmem:s28+$0x320] =	vst v10  }
0x17e: {  	v10 =	vld [tilespmem:s18+$0x320];
	[tilespmem:s28+$0x330] =	vst v11  }
0x17f: {  	v11 =	vld [tilespmem:s18+$0x330];
	_ =	sdelay $0x1  }
0x180: {  	v6 =	vmul.f32 v6, v4;
	v9 =	vmul.f32 v9, v3  }
0x181: {  	s16 =	sadd.s32 $0x1, s16;
	v5 =	vmul.f32 v5, v4;
	v12 =	vmul.f32 v12, v3  }
0x182: {  	p0 =	sne.s32 s16, $0x10;
	v7 =	vmul.f32 v7, v4;
	v6 =	vadd.f32 v6, v9;
	v61 =	vmul.f32 v10, v3  }
.Ltmp5:
0x183: {  	v62 =	vmul.f32 v8, v4;
	v5 =	vadd.f32 v5, v12;
	v3 =	vmul.f32 v11, v3;
	(pc) =	sbr.rel @p0 .LBB2_10-.Ltmp5, $4  }
0x184: {  	[tilespmem:s18+$0x300] =	vst v6;
	v63 =	vadd.f32 v7, v61  }
0x185: {  	[tilespmem:s18+$0x310] =	vst v5;
	v3 =	vadd.f32 v62, v3  }
0x186: {  	[tilespmem:s18+$0x320] =	vst v63  }
0x187: {  	[tilespmem:s18+$0x330] =	vst v3  }
0x188: {  	s15 =	simm.s32 $0x0;
	s16 =	rddreg [dreg:$0xf]  }
0x189: {  	[hbm4b:s16+s15] =	stream.linear.scatter [tilespmem:s26], [sflag:$0x5], $0x4000, $0x38;
	[tilespmem:$0x10300] =	vst v63  }
0x18a: {  	_ =	swait.ge [sflag:s12], $0x4000  }
0x18b: {  	[sflag:s12] =	ssyncset.done $0x0  }
0x18c: {  	[sflag:s12] =	ssyncadd.s32 $0xFFFFC000  }
0x18d: {  	_ =	swait.ge [sflag:s13], $0x4000  }
0x18e: {  	[sflag:s13] =	ssyncset.done $0x0  }
0x18f: {  	s16 =	simm.s32 $0x0;
	[sflag:s13] =	ssyncadd.s32 $0xFFFFC000  }
.LBB2_14:
0x190: {  	s17 =	sshll.u32 s16, $0xA;
	s18 =	sshll.u32 s16, $0x7  }
0x191: {  	s17 =	sand.u32 $0x2000, s17;
	s18 =	sand.u32 $0x380, s18  }
0x192: {  	s28 =	sor.u32 $0x30, s16;
	s31 =	sand.u32 $0x40, s15;
	s17 =	sor.u32 s17, s18  }
0x193: {  	v3 =	vld.msk [tilespmem:s28+$0x0 ss:$0x0], $0xffff;
	s28 =	sand.u32 $0x1C00, s15;
	s18 =	sor.u32 s31, s17  }
0x194: {  	v4 =	vld.msk [tilespmem:s16+$0xB0 ss:$0x0], $0xffff;
	s28 =	sor.u32 s28, s18  }
0x195: {  	v5 =	vld [tilespmem:s28+$0xC300]  }
0x196: {  	v7 =	vld [tilespmem:s28+$0xC310]  }
0x197: {  	v8 =	vld [tilespmem:s28+$0xC320]  }
0x198: {  	v6 =	vld [tilespmem:s28+$0x4300]  }
0x199: {  	v9 =	vld [tilespmem:s28+$0xC330]  }
0x19a: {  	v10 =	vld [tilespmem:s28+$0x4310]  }
0x19b: {  	s31 =	simm.s32 $0x40;
	v11 =	vld [tilespmem:s28+$0x4320]  }
0x19c: {  	s29 =	simm.s32 $0x200;
	s18 =	sand.u32 $0x40, s31;
	v12 =	vld [tilespmem:s28+$0x4330]  }
0x19d: {  	s30 =	sand.u32 $0x1C00, s29;
	s18 =	sor.u32 s18, s17  }
0x19e: {  	s18 =	sor.u32 s30, s18;
	v13 =	vmul.f32 v6, v3;
	v14 =	vmul.f32 v5, v4  }
0x19f: {  	v6 =	vld [tilespmem:s18+$0xC300];
	v10 =	vmul.f32 v10, v3;
	v15 =	vmul.f32 v7, v4  }
0x1a0: {  	v5 =	vld [tilespmem:s18+$0xC310];
	v11 =	vmul.f32 v11, v3;
	v63 =	vmul.f32 v8, v4;
	v13 =	vadd.f32 v14, v13  }
0x1a1: {  	v7 =	vld [tilespmem:s18+$0xC320];
	v12 =	vmul.f32 v12, v3;
	v16 =	vmul.f32 v9, v4;
	v15 =	vadd.f32 v15, v10  }
0x1a2: {  	v8 =	vld [tilespmem:s18+$0xC330];
	v10 =	vadd.f32 v63, v11;
	[tilespmem:s28+$0x4300] =	vst v13  }
0x1a3: {  	s30 =	simm.s32 $0x80;
	v11 =	vadd.f32 v16, v12;
	v9 =	vld [tilespmem:s18+$0x4300];
	[tilespmem:s28+$0x4310] =	vst v15  }
.LBB2_15:
0x1a4: {  	p0 =	sne.s32 s30, $0x3C0;
	v12 =	vld [tilespmem:s18+$0x4310];
	[tilespmem:s28+$0x4320] =	vst v10  }
0x1a5: {  	v10 =	vld [tilespmem:s18+$0x4320];
	[tilespmem:s28+$0x4330] =	vst v11;
	s28 =	smov.u32 s18  }
0x1a6: {  	s29 =	sadd.s32 $0x200, s29;
	s18 =	sand.u32 $0x40, s30;
	v11 =	vld [tilespmem:s28+$0x4330]  }
0x1a7: {  	s31 =	sand.u32 $0x1C00, s29;
	s18 =	sor.u32 s18, s17  }
0x1a8: {  	v13 =	vmul.f32 v6, v4;
	s18 =	sor.u32 s31, s18;
	v9 =	vmul.f32 v9, v3  }
.Ltmp6:
0x1a9: {  	v14 =	vmul.f32 v5, v4;
	v6 =	vld [tilespmem:s18+$0xC300];
	v12 =	vmul.f32 v12, v3;
	(pc) =	sbr.rel @p0 .LBB2_15-.Ltmp6, $4  }
0x1aa: {  	v5 =	vld [tilespmem:s18+$0xC310];
	v9 =	vadd.f32 v13, v9;
	v10 =	vmul.f32 v10, v3;
	v13 =	vmul.f32 v7, v4  }
0x1ab: {  	v7 =	vld [tilespmem:s18+$0xC320];
	v12 =	vadd.f32 v14, v12;
	v11 =	vmul.f32 v11, v3;
	v14 =	vmul.f32 v8, v4  }
0x1ac: {  	v8 =	vld [tilespmem:s18+$0xC330];
	[tilespmem:s28+$0x4300] =	vst v9;
	v10 =	vadd.f32 v13, v10  }
0x1ad: {  	s30 =	sadd.s32 $0x40, s30;
	v9 =	vld [tilespmem:s18+$0x4300];
	[tilespmem:s28+$0x4310] =	vst v12;
	v11 =	vadd.f32 v14, v11  }
0x1ae: {  	v12 =	vld [tilespmem:s18+$0x4310];
	[tilespmem:s28+$0x4320] =	vst v10  }
0x1af: {  	v10 =	vld [tilespmem:s18+$0x4320];
	[tilespmem:s28+$0x4330] =	vst v11  }
0x1b0: {  	v11 =	vld [tilespmem:s18+$0x4330];
	_ =	sdelay $0x1  }
0x1b1: {  	v6 =	vmul.f32 v6, v4;
	v9 =	vmul.f32 v9, v3  }
0x1b2: {  	s16 =	sadd.s32 $0x1, s16;
	v5 =	vmul.f32 v5, v4;
	v12 =	vmul.f32 v12, v3  }
0x1b3: {  	p0 =	sne.s32 s16, $0x10;
	v7 =	vmul.f32 v7, v4;
	v6 =	vadd.f32 v6, v9;
	v61 =	vmul.f32 v10, v3  }
.Ltmp7:
0x1b4: {  	v62 =	vmul.f32 v8, v4;
	v5 =	vadd.f32 v5, v12;
	v3 =	vmul.f32 v11, v3;
	(pc) =	sbr.rel @p0 .LBB2_14-.Ltmp7, $4  }
0x1b5: {  	[tilespmem:s18+$0x4300] =	vst v6;
	v63 =	vadd.f32 v7, v61  }
0x1b6: {  	[tilespmem:s18+$0x4310] =	vst v5;
	v3 =	vadd.f32 v62, v3  }
0x1b7: {  	[tilespmem:s18+$0x4320] =	vst v63  }
0x1b8: {  	[tilespmem:s18+$0x4330] =	vst v3  }
0x1b9: {  	s15 =	rddreg [dreg:$0x10]  }
0x1ba: {  	[hbm4b:s15+s2] =	stream.linear.scatter [tilespmem:s25], [sflag:$0x6], $0x4000, $0x38;
	[tilespmem:$0x10300] =	vst v63  }
0x1bb: {  	_ =	swait.ge [sflag:s11], $0x4000  }
0x1bc: {  	[sflag:s11] =	ssyncset.done $0x0  }
0x1bd: {  	[sflag:s11] =	ssyncadd.s32 $0xFFFFC000  }
0x1be: {  	_ =	swait.ge [sflag:s14], $0x4000  }
0x1bf: {  	s24 =	sadd.s32 $0x1, s24;
	s30 =	rddreg [dreg:$0x11]  }
0x1c0: {  	p0 =	sne.s32 s24, s30  }
.Ltmp8:
0x1c1: {  	_ = 	snop;
	(pc) =	sbr.rel @p0 .LBB2_1-.Ltmp8, $3  }
0x1c2: {  	_ =	sdelay $0x1  }
0x1c3: {  	[sflag:s14] =	ssyncset.done $0x0  }
0x1c4: {  	s31 =	simm.s32 $0x100;
	[sflag:s14] =	ssyncadd.s32 $0xFFFFC000  }
0x1c5: {  	_ =	sfence.sel $0x180000  }
0x1c6: {  	[bflag:$0x0] =	sbarrier.arrive $0xFFFF  }
0x1c7: {  	_ =	strace $0x9000004A  }
0x1c8: {  	s0 =	stileid.u32;
	[bflag:$0x2] =	sbarrier.arrive $0xFFFF  }
0x1c9: {  	p0 =	sne.s32 s0, $0x0;
	s0 =	rddreg [dreg:$0x2]  }
0x1ca: {  	s0 =	sadd.s32 @!p0 $0x100000, s0  }
0x1cb: {  	[sflag:s0] =	ssyncadd.tile.s32 @!p0 $0x1;
	_ =	shalt  }
.Lfunc_end2:
_tile_overlayer_lowered:
.L_overlay_start_2:
0x1cc: {  	(tag) =	ssettag $0x2  }
0x1cd: {  	s0 =	rddreg [dreg:$0x0];
	s2 =	stileid.u32  }
0x1ce: {  	s1 =	rddreg [dreg:$0x1];
	p0 =	sne.s32 s2, $0x0  }
0x1cf: {  	s3 =	rddreg [dreg:$0x2];
	[bflag:$0x3] =	sbarrier.arrive $0xFFFF;
	s2 =	simm.s32 @!p0 $0x1C07  }
0x1d0: {  	[timem:s3], [sflag:s2] =	dma.local @!p0 [hbm:s0], s1  }
0x1d1: {  	s0 =	simm.s32 @!p0 $0x7  }
0x1d2: {  	_ =	swait.ge @!p0 [sflag:s0], s1  }
0x1d3: {  	s1 =	ssub.s32 @!p0 $0x0, s1;
	[sflag:s0] =	ssyncset.done @!p0 $0x0  }
0x1d4: {  	[sflag:s0] =	ssyncadd.s32 @!p0 s1  }
0x1d5: {  	[bflag:$0x3] =	sbarrier.arrive $0xFFFF  }
0x1d6: {  	_ =	shalt  }

</sc_bundles>
